<compile_context>
chip_gen: v7x
topology: tpu7x:2x2x1
jax: 0.10.2.dev20260603
libtpu: 0.0.44.dev20260713+nightly
codegen_flags: <defaults>
</compile_context>

<pallas_src>
import functools

import jax
import jax.numpy as jnp
from jax import lax
from jax.experimental import pallas as pl
from jax.experimental.pallas import tpu as pltpu
from jax.experimental.pallas import tpu_sc as plsc

B = 16384
NUM = 13
NF = 26
V = 100000
OUT = 1

NC = 2
NS = 16
NW = NC * NS
L = 16

BW = B // NW
CHUNK = 128
VPR = BW // L
RPC = BW // CHUNK

GROUPS = (6, 7, 7, 6)


def _make_body(nf, with_dense):
    nchunk = (nf * BW) // CHUNK

    def _body(cats3, w_b, bias_b, ei_b, cp_flat, dummy, nums3, out_hbm,
              idx_v, vals_v, nums_v, w_v, b_v, ei_v, out_v, gsem):
        wid = lax.axis_index("s") * NC + lax.axis_index("c")

        pltpu.sync_copy(cats3.at[wid], idx_v)
        pltpu.sync_copy(ei_b, ei_v)

        def add_off(r, c):
            off = ei_v[r // RPC, :]
            for q in range(CHUNK // L):
                idx_v[r, pl.ds(q * L, L)] += off
            return c
        lax.fori_loop(0, nchunk, add_off, 0)

        def fire(j, c):
            pltpu.async_copy(cp_flat.at[idx_v.at[j]], vals_v.at[j], gsem)
            return c
        lax.fori_loop(0, nchunk, fire, 0)

        if with_dense:
            pltpu.sync_copy(nums3.at[wid], nums_v)
            pltpu.sync_copy(w_b, w_v)
            pltpu.sync_copy(bias_b, b_v)
            wrows = [w_v[j, :] for j in range(NUM)]
            bvec = b_v[...]

            def dense(i, c):
                acc = bvec
                for j in range(NUM):
                    acc = acc + nums_v[j, pl.ds(i * L, L)] * wrows[j]
                out_v[pl.ds(i * L, L)] = acc
                return c
            lax.fori_loop(0, VPR, dense, 0)

        pltpu.make_async_copy(dummy, vals_v, gsem).wait()

        def reduce(i, c):
            row0 = i // (CHUNK // L)
            col = (i % (CHUNK // L)) * L
            if with_dense:
                acc = out_v[pl.ds(i * L, L)]
                f0 = 0
            else:
                acc = vals_v[row0, pl.ds(col, L)]
                f0 = 1
            for f in range(f0, nf):
                acc = acc + vals_v[f * RPC + row0, pl.ds(col, L)]
            out_v[pl.ds(i * L, L)] = acc
            return c
        lax.fori_loop(0, VPR, reduce, 0)

        pltpu.sync_copy(out_v, out_hbm.at[pl.ds(wid * BW, BW)])
    return _body


def _make_call(nf, with_dense):
    nchunk = (nf * BW) // CHUNK
    return functools.partial(
        pl.kernel,
        out_type=jax.ShapeDtypeStruct((B,), jnp.float32),
        mesh=plsc.VectorSubcoreMesh(core_axis_name="c", subcore_axis_name="s",
                                    num_cores=NC, num_subcores=NS),
        scratch_types=[
            pltpu.VMEM((nchunk, CHUNK), jnp.int32),
            pltpu.VMEM((nchunk, CHUNK), jnp.float32),
            pltpu.VMEM((NUM, BW), jnp.float32),
            pltpu.VMEM((NUM, L), jnp.float32),
            pltpu.VMEM((L,), jnp.float32),
            pltpu.VMEM((nf, L), jnp.int32),
            pltpu.VMEM((BW,), jnp.float32),
            pltpu.SemaphoreType.DMA,
        ],
        compiler_params=pltpu.CompilerParams(use_tc_tiling_on_sc=False),
    )(_make_body(nf, with_dense))


_sc_calls = tuple(_make_call(nf, g == len(GROUPS) - 1)
                  for g, nf in enumerate(GROUPS))


def _group_prep(categories, embed_idx, f0, nf):
    cats = categories[:, f0:f0 + nf]
    cats3 = cats.T.reshape(nf, NW, BW).transpose(1, 0, 2)
    cats3 = cats3.reshape(NW, (nf * BW) // CHUNK, CHUNK)
    ei = embed_idx[f0:f0 + nf].astype(jnp.int32) - jnp.int32(f0 * V)
    ei_b = jnp.broadcast_to(ei.reshape(nf, 1), (nf, L))
    return cats3, ei_b


@jax.jit
def kernel(numbers, categories, W, bias, cat_params, embed_idx):
    nums3 = numbers.T.reshape(NUM, NW, BW).transpose(1, 0, 2)
    w_b = jnp.broadcast_to(W.reshape(NUM, 1), (NUM, L))
    bias_b = jnp.broadcast_to(bias.reshape(1, 1), (1, L)).reshape(L)
    acc = None
    f0 = 0
    for g, nf in enumerate(GROUPS):
        cats3, ei_b = _group_prep(categories, embed_idx, f0, nf)
        flat = cat_params[f0 * V:(f0 + nf) * V].reshape(nf * V)
        dummy = jnp.zeros(((nf * BW) // CHUNK, CHUNK), jnp.float32)
        p = _sc_calls[g](cats3, w_b, bias_b, ei_b, flat, dummy, nums3)
        acc = p if acc is None else acc + p
        f0 += nf
    return acc.reshape(B, OUT)

# --- scband reference (transcript-rebuilt; emitter-appended) ---
"""Pipeline reference for scband-cat-linear-3487513445098 (READ-ONLY COPY).

The authoritative reference and input builder live on the scoring server;
editing this copy changes nothing except your own understanding.
"""

import jax, jax.numpy as jnp
import numpy as np

B = 16384
NUM = 13
NF = 26
V = 100000
OUT = 1


def setup_inputs(seed: int = 0) -> dict:
    key = jax.random.key(seed)
    k1, k2, k3, k4, k5 = jax.random.split(key, 5)
    numbers = jax.random.normal(k1, (B, NUM), dtype=jnp.float32)
    categories = jax.random.randint(k2, (B, NF), 0, V, dtype=jnp.int32)
    # learned params (torch inits these to zeros; use random values so outputs/grads are nontrivial)
    W = jax.random.normal(k3, (OUT, NUM), dtype=jnp.float32) * 0.02  # nn.Linear weight [out, in]
    bias = jax.random.normal(k4, (OUT,), dtype=jnp.float32) * 0.02
    cat_params = jax.random.normal(k5, (NF * V, OUT), dtype=jnp.float32) * 0.02
    embed_sizes = jnp.full((NF,), V, dtype=jnp.int32)
    embed_idx = jnp.cumsum(embed_sizes) - embed_sizes  # field offsets into the flat table
    return {"numbers": numbers, "categories": categories, "W": W, "bias": bias,
            "cat_params": cat_params, "embed_idx": embed_idx}


def reference(numbers, categories, W, bias, cat_params, embed_idx):
    x = bias + numbers @ W.T                       # [B, OUT]
    idx = categories + embed_idx[None, :]          # [B, NF] global row ids
    x = x + jnp.take(cat_params, idx, axis=0).sum(axis=1)  # gather [B, NF, OUT] -> sum over fields
    return x

if __name__ == "__main__":
    import jax
    _d = setup_inputs()
    print(jax.jit(kernel)(*tuple(_d.values())))

</pallas_src>

<mosaic_0001>
#map = affine_map<(d0, d1) -> (0, 0, 0)>
#map1 = affine_map<(d0, d1) -> (0, 0)>
#map2 = affine_map<(d0, d1) -> (0)>
module attributes {stable_mosaic.version = 14 : i64} {
  func.func @_body(%arg0: i32, %arg1: i32, %arg2: memref<32x28x128xi32, #tpu.memory_space<hbm>>, %arg3: memref<13x16xf32, #tpu.memory_space<hbm>>, %arg4: memref<16xf32, #tpu.memory_space<hbm>>, %arg5: memref<7x16xi32, #tpu.memory_space<hbm>>, %arg6: memref<700000xf32, #tpu.memory_space<hbm>>, %arg7: memref<28x128xf32, #tpu.memory_space<hbm>>, %arg8: memref<32x13x512xf32, #tpu.memory_space<hbm>>, %arg9: memref<16384xf32, #tpu.memory_space<hbm>>, %arg10: memref<28x128xi32, #tpu.memory_space<vmem>>, %arg11: memref<28x128xf32, #tpu.memory_space<vmem>>, %arg12: memref<13x512xf32, #tpu.memory_space<vmem>>, %arg13: memref<13x16xf32, #tpu.memory_space<vmem>>, %arg14: memref<16xf32, #tpu.memory_space<vmem>>, %arg15: memref<7x16xi32, #tpu.memory_space<vmem>>, %arg16: memref<512xf32, #tpu.memory_space<vmem>>, %arg17: memref<!tpu.dma_semaphore, #tpu.memory_space<semaphore_mem>>) attributes {dimension_semantics = [#tpu.dimension_semantics<core_parallel>, #tpu.dimension_semantics<subcore_parallel>], iteration_bounds = array<i64: 2, 16>, scalar_prefetch = 0 : i64, scratch_operands = 8 : i64, tpu.core_type = #tpu.core_type<sc_vector_subcore>, window_params = [{transform_indices = #map}, {transform_indices = #map1}, {transform_indices = #map2}, {transform_indices = #map1}, {transform_indices = #map2}, {transform_indices = #map1}, {transform_indices = #map}, {transform_indices = #map2}]} {
    %mul3A = arith.constant 2 : i32
    %mul3A_0 = arith.muli %arg1, %mul3A : i32
    %add3A = arith.addi %mul3A_0, %arg0 : i32
    "tpu.region"() ({
      %run_scoped3A = tpu.sem_alloc : memref<!tpu.dma_semaphore, #tpu.memory_space<semaphore_mem>>
      %dma_start3A = arith.constant 0 : i32
      %dma_start3A_20 = arith.constant 0 : i32
      %dma_start3A_21 = tpu.memref_slice %arg2[%add3A, %dma_start3A, %dma_start3A_20] : memref<32x28x128xi32, #tpu.memory_space<hbm>> -> memref<1x28x128xi32, #tpu.memory_space<hbm>>
      %dma_start3A_22 = tpu.memref_squeeze %dma_start3A_21 : memref<1x28x128xi32, #tpu.memory_space<hbm>> -> memref<28x128xi32, #tpu.memory_space<hbm>>
      %dma_start3A_23 = arith.constant 0 : i32
      %dma_start3A_24 = arith.constant 0 : i32
      %dma_start3A_25 = tpu.memref_slice %arg2[%add3A, %dma_start3A_23, %dma_start3A_24] : memref<32x28x128xi32, #tpu.memory_space<hbm>> -> memref<1x28x128xi32, #tpu.memory_space<hbm>>
      %dma_start3A_26 = tpu.memref_squeeze %dma_start3A_25 : memref<1x28x128xi32, #tpu.memory_space<hbm>> -> memref<28x128xi32, #tpu.memory_space<hbm>>
      tpu.enqueue_dma source(%dma_start3A_26 : memref<28x128xi32, #tpu.memory_space<hbm>>) target(%arg10 : memref<28x128xi32, #tpu.memory_space<vmem>>) target_semaphore(%run_scoped3A : memref<!tpu.dma_semaphore, #tpu.memory_space<semaphore_mem>>)
      %dma_wait3A = arith.constant 0 : i32
      %dma_wait3A_27 = arith.constant 0 : i32
      %dma_wait3A_28 = tpu.memref_slice %arg2[%add3A, %dma_wait3A, %dma_wait3A_27] : memref<32x28x128xi32, #tpu.memory_space<hbm>> -> memref<1x28x128xi32, #tpu.memory_space<hbm>>
      %dma_wait3A_29 = tpu.memref_squeeze %dma_wait3A_28 : memref<1x28x128xi32, #tpu.memory_space<hbm>> -> memref<28x128xi32, #tpu.memory_space<hbm>>
      %dma_wait3A_30 = arith.constant 0 : i32
      %dma_wait3A_31 = arith.constant 0 : i32
      %dma_wait3A_32 = tpu.memref_slice %arg2[%add3A, %dma_wait3A_30, %dma_wait3A_31] : memref<32x28x128xi32, #tpu.memory_space<hbm>> -> memref<1x28x128xi32, #tpu.memory_space<hbm>>
      %dma_wait3A_33 = tpu.memref_squeeze %dma_wait3A_32 : memref<1x28x128xi32, #tpu.memory_space<hbm>> -> memref<28x128xi32, #tpu.memory_space<hbm>>
      tpu.wait_dma2 semaphore(%run_scoped3A : memref<!tpu.dma_semaphore, #tpu.memory_space<semaphore_mem>>) src(%dma_wait3A_33 : memref<28x128xi32, #tpu.memory_space<hbm>>) dst(%arg10 : memref<28x128xi32, #tpu.memory_space<vmem>>)
      tpu.yield
    }) : () -> ()
    "tpu.region"() ({
      %run_scoped3A = tpu.sem_alloc : memref<!tpu.dma_semaphore, #tpu.memory_space<semaphore_mem>>
      tpu.enqueue_dma source(%arg5 : memref<7x16xi32, #tpu.memory_space<hbm>>) target(%arg15 : memref<7x16xi32, #tpu.memory_space<vmem>>) target_semaphore(%run_scoped3A : memref<!tpu.dma_semaphore, #tpu.memory_space<semaphore_mem>>)
      tpu.wait_dma2 semaphore(%run_scoped3A : memref<!tpu.dma_semaphore, #tpu.memory_space<semaphore_mem>>) src(%arg5 : memref<7x16xi32, #tpu.memory_space<hbm>>) dst(%arg15 : memref<7x16xi32, #tpu.memory_space<vmem>>)
      tpu.yield
    }) : () -> ()
    %scan3A = arith.constant 0 : i32
    %scan3A_1 = arith.constant 0 : i32
    %scan3A_2 = arith.constant 28 : i32
    %scan3A_3 = arith.addi %scan3A_1, %scan3A_2 : i32
    %scan3A_4 = arith.constant 1 : i32
    scf.for %scan3A_20 = %scan3A_1 to %scan3A_3 step %scan3A_4  : i32 {
      %jit3A = arith.constant 4 : i32
      %div3A = arith.divsi %scan3A_20, %jit3A : i32
      %sign3A = arith.constant 0 : i32
      %sign3A_21 = arith.cmpi sgt, %scan3A_20, %sign3A : i32
      %sign3A_22 = arith.extui %sign3A_21 : i1 to i32
      %sign3A_23 = arith.constant 0 : i32
      %sign3A_24 = arith.cmpi slt, %scan3A_20, %sign3A_23 : i32
      %sign3A_25 = arith.extui %sign3A_24 : i1 to i32
      %sign3A_26 = arith.subi %sign3A_22, %sign3A_25 : i32
      %sign3A_27 = arith.constant 0 : i32
      %sign3A_28 = arith.cmpi sgt, %jit3A, %sign3A_27 : i32
      %sign3A_29 = arith.extui %sign3A_28 : i1 to i32
      %sign3A_30 = arith.constant 0 : i32
      %sign3A_31 = arith.cmpi slt, %jit3A, %sign3A_30 : i32
      %sign3A_32 = arith.extui %sign3A_31 : i1 to i32
      %sign3A_33 = arith.subi %sign3A_29, %sign3A_32 : i32
      %ne3A = arith.cmpi ne, %sign3A_26, %sign3A_33 : i32
      %rem3A = arith.remsi %scan3A_20, %jit3A : i32
      %ne3A_34 = arith.constant 0 : i32
      %ne3A_35 = arith.cmpi ne, %rem3A, %ne3A_34 : i32
      %and3A = arith.andi %ne3A, %ne3A_35 : i1
      %sub3A = arith.constant 1 : i32
      %sub3A_36 = arith.subi %div3A, %sub3A : i32
      %select_n3A = arith.select %and3A, %sub3A_36, %div3A : i32
      %get3A = arith.index_cast %select_n3A : i32 to index
      %get3A_37 = arith.constant 0 : index
      %get3A_38 = tpu.vector_load %arg15[%get3A, %get3A_37] {strides = array<i32>} : memref<7x16xi32, #tpu.memory_space<vmem>>, vector<1x16xi32>,
      %get3A_39 = vector.shape_cast %get3A_38 : vector<1x16xi32> to vector<16xi32>
      %get3A_40 = arith.index_cast %scan3A_20 : i32 to index
      %get3A_41 = arith.constant 0 : index
      %get3A_42 = tpu.vector_load %arg10[%get3A_40, %get3A_41] {strides = array<i32>} : memref<28x128xi32, #tpu.memory_space<vmem>>, vector<1x16xi32>,
      %get3A_43 = vector.shape_cast %get3A_42 : vector<1x16xi32> to vector<16xi32>
      %add3A_44 = arith.addi %get3A_43, %get3A_39 : vector<16xi32>
      %swap3A = arith.index_cast %scan3A_20 : i32 to index
      %swap3A_45 = arith.constant 0 : index
      %swap3A_46 = tpu.vector_load %arg10[%swap3A, %swap3A_45] {strides = array<i32>} : memref<28x128xi32, #tpu.memory_space<vmem>>, vector<1x16xi32>,
      %swap3A_47 = vector.shape_cast %swap3A_46 : vector<1x16xi32> to vector<16xi32>
      %swap3A_48 = vector.shape_cast %add3A_44 : vector<16xi32> to vector<1x16xi32>
      tpu.vector_store %arg10[%swap3A, %swap3A_45], %swap3A_48 {strides = array<i32>} : memref<28x128xi32, #tpu.memory_space<vmem>>, vector<1x16xi32>,
      %get3A_49 = arith.index_cast %scan3A_20 : i32 to index
      %get3A_50 = arith.constant 16 : index
      %get3A_51 = tpu.vector_load %arg10[%get3A_49, %get3A_50] {strides = array<i32>} : memref<28x128xi32, #tpu.memory_space<vmem>>, vector<1x16xi32>,
      %get3A_52 = vector.shape_cast %get3A_51 : vector<1x16xi32> to vector<16xi32>
      %add3A_53 = arith.addi %get3A_52, %get3A_39 : vector<16xi32>
      %swap3A_54 = arith.index_cast %scan3A_20 : i32 to index
      %swap3A_55 = arith.constant 16 : index
      %swap3A_56 = tpu.vector_load %arg10[%swap3A_54, %swap3A_55] {strides = array<i32>} : memref<28x128xi32, #tpu.memory_space<vmem>>, vector<1x16xi32>,
      %swap3A_57 = vector.shape_cast %swap3A_56 : vector<1x16xi32> to vector<16xi32>
      %swap3A_58 = vector.shape_cast %add3A_53 : vector<16xi32> to vector<1x16xi32>
      tpu.vector_store %arg10[%swap3A_54, %swap3A_55], %swap3A_58 {strides = array<i32>} : memref<28x128xi32, #tpu.memory_space<vmem>>, vector<1x16xi32>,
      %get3A_59 = arith.index_cast %scan3A_20 : i32 to index
      %get3A_60 = arith.constant 32 : index
      %get3A_61 = tpu.vector_load %arg10[%get3A_59, %get3A_60] {strides = array<i32>} : memref<28x128xi32, #tpu.memory_space<vmem>>, vector<1x16xi32>,
      %get3A_62 = vector.shape_cast %get3A_61 : vector<1x16xi32> to vector<16xi32>
      %add3A_63 = arith.addi %get3A_62, %get3A_39 : vector<16xi32>
      %swap3A_64 = arith.index_cast %scan3A_20 : i32 to index
      %swap3A_65 = arith.constant 32 : index
      %swap3A_66 = tpu.vector_load %arg10[%swap3A_64, %swap3A_65] {strides = array<i32>} : memref<28x128xi32, #tpu.memory_space<vmem>>, vector<1x16xi32>,
      %swap3A_67 = vector.shape_cast %swap3A_66 : vector<1x16xi32> to vector<16xi32>
      %swap3A_68 = vector.shape_cast %add3A_63 : vector<16xi32> to vector<1x16xi32>
      tpu.vector_store %arg10[%swap3A_64, %swap3A_65], %swap3A_68 {strides = array<i32>} : memref<28x128xi32, #tpu.memory_space<vmem>>, vector<1x16xi32>,
      %get3A_69 = arith.index_cast %scan3A_20 : i32 to index
      %get3A_70 = arith.constant 48 : index
      %get3A_71 = tpu.vector_load %arg10[%get3A_69, %get3A_70] {strides = array<i32>} : memref<28x128xi32, #tpu.memory_space<vmem>>, vector<1x16xi32>,
      %get3A_72 = vector.shape_cast %get3A_71 : vector<1x16xi32> to vector<16xi32>
      %add3A_73 = arith.addi %get3A_72, %get3A_39 : vector<16xi32>
      %swap3A_74 = arith.index_cast %scan3A_20 : i32 to index
      %swap3A_75 = arith.constant 48 : index
      %swap3A_76 = tpu.vector_load %arg10[%swap3A_74, %swap3A_75] {strides = array<i32>} : memref<28x128xi32, #tpu.memory_space<vmem>>, vector<1x16xi32>,
      %swap3A_77 = vector.shape_cast %swap3A_76 : vector<1x16xi32> to vector<16xi32>
      %swap3A_78 = vector.shape_cast %add3A_73 : vector<16xi32> to vector<1x16xi32>
      tpu.vector_store %arg10[%swap3A_74, %swap3A_75], %swap3A_78 {strides = array<i32>} : memref<28x128xi32, #tpu.memory_space<vmem>>, vector<1x16xi32>,
      %get3A_79 = arith.index_cast %scan3A_20 : i32 to index
      %get3A_80 = arith.constant 64 : index
      %get3A_81 = tpu.vector_load %arg10[%get3A_79, %get3A_80] {strides = array<i32>} : memref<28x128xi32, #tpu.memory_space<vmem>>, vector<1x16xi32>,
      %get3A_82 = vector.shape_cast %get3A_81 : vector<1x16xi32> to vector<16xi32>
      %add3A_83 = arith.addi %get3A_82, %get3A_39 : vector<16xi32>
      %swap3A_84 = arith.index_cast %scan3A_20 : i32 to index
      %swap3A_85 = arith.constant 64 : index
      %swap3A_86 = tpu.vector_load %arg10[%swap3A_84, %swap3A_85] {strides = array<i32>} : memref<28x128xi32, #tpu.memory_space<vmem>>, vector<1x16xi32>,
      %swap3A_87 = vector.shape_cast %swap3A_86 : vector<1x16xi32> to vector<16xi32>
      %swap3A_88 = vector.shape_cast %add3A_83 : vector<16xi32> to vector<1x16xi32>
      tpu.vector_store %arg10[%swap3A_84, %swap3A_85], %swap3A_88 {strides = array<i32>} : memref<28x128xi32, #tpu.memory_space<vmem>>, vector<1x16xi32>,
      %get3A_89 = arith.index_cast %scan3A_20 : i32 to index
      %get3A_90 = arith.constant 80 : index
      %get3A_91 = tpu.vector_load %arg10[%get3A_89, %get3A_90] {strides = array<i32>} : memref<28x128xi32, #tpu.memory_space<vmem>>, vector<1x16xi32>,
      %get3A_92 = vector.shape_cast %get3A_91 : vector<1x16xi32> to vector<16xi32>
      %add3A_93 = arith.addi %get3A_92, %get3A_39 : vector<16xi32>
      %swap3A_94 = arith.index_cast %scan3A_20 : i32 to index
      %swap3A_95 = arith.constant 80 : index
      %swap3A_96 = tpu.vector_load %arg10[%swap3A_94, %swap3A_95] {strides = array<i32>} : memref<28x128xi32, #tpu.memory_space<vmem>>, vector<1x16xi32>,
      %swap3A_97 = vector.shape_cast %swap3A_96 : vector<1x16xi32> to vector<16xi32>
      %swap3A_98 = vector.shape_cast %add3A_93 : vector<16xi32> to vector<1x16xi32>
      tpu.vector_store %arg10[%swap3A_94, %swap3A_95], %swap3A_98 {strides = array<i32>} : memref<28x128xi32, #tpu.memory_space<vmem>>, vector<1x16xi32>,
      %get3A_99 = arith.index_cast %scan3A_20 : i32 to index
      %get3A_100 = arith.constant 96 : index
      %get3A_101 = tpu.vector_load %arg10[%get3A_99, %get3A_100] {strides = array<i32>} : memref<28x128xi32, #tpu.memory_space<vmem>>, vector<1x16xi32>,
      %get3A_102 = vector.shape_cast %get3A_101 : vector<1x16xi32> to vector<16xi32>
      %add3A_103 = arith.addi %get3A_102, %get3A_39 : vector<16xi32>
      %swap3A_104 = arith.index_cast %scan3A_20 : i32 to index
      %swap3A_105 = arith.constant 96 : index
      %swap3A_106 = tpu.vector_load %arg10[%swap3A_104, %swap3A_105] {strides = array<i32>} : memref<28x128xi32, #tpu.memory_space<vmem>>, vector<1x16xi32>,
      %swap3A_107 = vector.shape_cast %swap3A_106 : vector<1x16xi32> to vector<16xi32>
      %swap3A_108 = vector.shape_cast %add3A_103 : vector<16xi32> to vector<1x16xi32>
      tpu.vector_store %arg10[%swap3A_104, %swap3A_105], %swap3A_108 {strides = array<i32>} : memref<28x128xi32, #tpu.memory_space<vmem>>, vector<1x16xi32>,
      %get3A_109 = arith.index_cast %scan3A_20 : i32 to index
      %get3A_110 = arith.constant 112 : index
      %get3A_111 = tpu.vector_load %arg10[%get3A_109, %get3A_110] {strides = array<i32>} : memref<28x128xi32, #tpu.memory_space<vmem>>, vector<1x16xi32>,
      %get3A_112 = vector.shape_cast %get3A_111 : vector<1x16xi32> to vector<16xi32>
      %add3A_113 = arith.addi %get3A_112, %get3A_39 : vector<16xi32>
      %swap3A_114 = arith.index_cast %scan3A_20 : i32 to index
      %swap3A_115 = arith.constant 112 : index
      %swap3A_116 = tpu.vector_load %arg10[%swap3A_114, %swap3A_115] {strides = array<i32>} : memref<28x128xi32, #tpu.memory_space<vmem>>, vector<1x16xi32>,
      %swap3A_117 = vector.shape_cast %swap3A_116 : vector<1x16xi32> to vector<16xi32>
      %swap3A_118 = vector.shape_cast %add3A_113 : vector<16xi32> to vector<1x16xi32>
      tpu.vector_store %arg10[%swap3A_114, %swap3A_115], %swap3A_118 {strides = array<i32>} : memref<28x128xi32, #tpu.memory_space<vmem>>, vector<1x16xi32>,
    }
    %scan3A_5 = arith.constant 28 : i32
    %scan3A_6 = arith.constant 0 : i32
    %scan3A_7 = arith.constant 0 : i32
    %scan3A_8 = arith.constant 28 : i32
    %scan3A_9 = arith.addi %scan3A_7, %scan3A_8 : i32
    %scan3A_10 = arith.constant 1 : i32
    scf.for %scan3A_20 = %scan3A_7 to %scan3A_9 step %scan3A_10  : i32 {
      %dma_start3A = arith.constant 0 : i32
      %dma_start3A_21 = tpu.memref_slice %arg11[%scan3A_20, %dma_start3A] : memref<28x128xf32, #tpu.memory_space<vmem>> -> memref<1x128xf32, #tpu.memory_space<vmem>>
      %dma_start3A_22 = tpu.memref_squeeze %dma_start3A_21 : memref<1x128xf32, #tpu.memory_space<vmem>> -> memref<128xf32, #tpu.memory_space<vmem>>
      %dma_start3A_23 = arith.constant 0 : i32
      %dma_start3A_24 = tpu.memref_slice %arg10[%scan3A_20, %dma_start3A_23] : memref<28x128xi32, #tpu.memory_space<vmem>> -> memref<1x128xi32, #tpu.memory_space<vmem>>
      %dma_start3A_25 = tpu.memref_squeeze %dma_start3A_24 : memref<1x128xi32, #tpu.memory_space<vmem>> -> memref<128xi32, #tpu.memory_space<vmem>>
      %dma_start3A_26 = arith.constant 0 : i32
      %dma_start3A_27 = tpu.memref_slice %arg6[%dma_start3A_26] : memref<700000xf32, #tpu.memory_space<hbm>> -> memref<700000xf32, #tpu.memory_space<hbm>>
      tpu.enqueue_indirect_dma source(%dma_start3A_27 : memref<700000xf32, #tpu.memory_space<hbm>>) target(%dma_start3A_22 : memref<128xf32, #tpu.memory_space<vmem>>) offsets(%dma_start3A_25 : memref<128xi32, #tpu.memory_space<vmem>>) semaphore(%arg17 : memref<!tpu.dma_semaphore, #tpu.memory_space<semaphore_mem>>)
    }
    %scan3A_11 = arith.constant 28 : i32
    tpu.wait_dma2 semaphore(%arg17 : memref<!tpu.dma_semaphore, #tpu.memory_space<semaphore_mem>>) src(%arg7 : memref<28x128xf32, #tpu.memory_space<hbm>>) dst(%arg11 : memref<28x128xf32, #tpu.memory_space<vmem>>)
    %scan3A_12 = arith.constant 0 : i32
    %scan3A_13 = arith.constant 0 : i32
    %scan3A_14 = arith.constant 32 : i32
    %scan3A_15 = arith.addi %scan3A_13, %scan3A_14 : i32
    %scan3A_16 = arith.constant 1 : i32
    scf.for %scan3A_20 = %scan3A_13 to %scan3A_15 step %scan3A_16  : i32 {
      %jit3A = arith.constant 8 : i32
      %div3A = arith.divsi %scan3A_20, %jit3A : i32
      %sign3A = arith.constant 0 : i32
      %sign3A_21 = arith.cmpi sgt, %scan3A_20, %sign3A : i32
      %sign3A_22 = arith.extui %sign3A_21 : i1 to i32
      %sign3A_23 = arith.constant 0 : i32
      %sign3A_24 = arith.cmpi slt, %scan3A_20, %sign3A_23 : i32
      %sign3A_25 = arith.extui %sign3A_24 : i1 to i32
      %sign3A_26 = arith.subi %sign3A_22, %sign3A_25 : i32
      %sign3A_27 = arith.constant 0 : i32
      %sign3A_28 = arith.cmpi sgt, %jit3A, %sign3A_27 : i32
      %sign3A_29 = arith.extui %sign3A_28 : i1 to i32
      %sign3A_30 = arith.constant 0 : i32
      %sign3A_31 = arith.cmpi slt, %jit3A, %sign3A_30 : i32
      %sign3A_32 = arith.extui %sign3A_31 : i1 to i32
      %sign3A_33 = arith.subi %sign3A_29, %sign3A_32 : i32
      %ne3A = arith.cmpi ne, %sign3A_26, %sign3A_33 : i32
      %rem3A = arith.remsi %scan3A_20, %jit3A : i32
      %ne3A_34 = arith.constant 0 : i32
      %ne3A_35 = arith.cmpi ne, %rem3A, %ne3A_34 : i32
      %and3A = arith.andi %ne3A, %ne3A_35 : i1
      %sub3A = arith.constant 1 : i32
      %sub3A_36 = arith.subi %div3A, %sub3A : i32
      %select_n3A = arith.select %and3A, %sub3A_36, %div3A : i32
      %jit3A_37 = arith.constant 8 : i32
      %eq3A = arith.constant 0 : i32
      %eq3A_38 = arith.cmpi eq, %jit3A_37, %eq3A : i32
      %jit3A_39 = arith.constant 1 : i32
      %select_n3A_40 = arith.select %eq3A_38, %jit3A_39, %jit3A_37 : i32
      %rem3A_41 = arith.remsi %scan3A_20, %select_n3A_40 : i32
      %ne3A_42 = arith.constant 0 : i32
      %ne3A_43 = arith.cmpi ne, %rem3A_41, %ne3A_42 : i32
      %lt3A = arith.constant 0 : i32
      %lt3A_44 = arith.cmpi slt, %rem3A_41, %lt3A : i32
      %lt3A_45 = arith.constant 0 : i32
      %lt3A_46 = arith.cmpi slt, %select_n3A_40, %lt3A_45 : i32
      %ne3A_47 = arith.xori %lt3A_44, %lt3A_46 : i1
      %and3A_48 = arith.andi %ne3A_47, %ne3A_43 : i1
      %add3A_49 = arith.addi %rem3A_41, %select_n3A_40 : i32
      %select_n3A_50 = arith.select %and3A_48, %add3A_49, %rem3A_41 : i32
      %mul3A_51 = arith.constant 16 : i32
      %mul3A_52 = arith.muli %select_n3A_50, %mul3A_51 : i32
      %get3A = arith.index_cast %select_n3A : i32 to index
      %get3A_53 = arith.index_cast %mul3A_52 : i32 to index
      %get3A_54 = tpu.vector_load %arg11[%get3A, %get3A_53] {strides = array<i32>} : memref<28x128xf32, #tpu.memory_space<vmem>>, vector<1x16xf32>,
      %get3A_55 = vector.shape_cast %get3A_54 : vector<1x16xf32> to vector<16xf32>
      %add3A_56 = arith.constant 4 : i32
      %add3A_57 = arith.addi %add3A_56, %select_n3A : i32
      %get3A_58 = arith.index_cast %add3A_57 : i32 to index
      %get3A_59 = arith.index_cast %mul3A_52 : i32 to index
      %get3A_60 = tpu.vector_load %arg11[%get3A_58, %get3A_59] {strides = array<i32>} : memref<28x128xf32, #tpu.memory_space<vmem>>, vector<1x16xf32>,
      %get3A_61 = vector.shape_cast %get3A_60 : vector<1x16xf32> to vector<16xf32>
      %add3A_62 = arith.addf %get3A_55, %get3A_61 : vector<16xf32>
      %add3A_63 = arith.constant 8 : i32
      %add3A_64 = arith.addi %add3A_63, %select_n3A : i32
      %get3A_65 = arith.index_cast %add3A_64 : i32 to index
      %get3A_66 = arith.index_cast %mul3A_52 : i32 to index
      %get3A_67 = tpu.vector_load %arg11[%get3A_65, %get3A_66] {strides = array<i32>} : memref<28x128xf32, #tpu.memory_space<vmem>>, vector<1x16xf32>,
      %get3A_68 = vector.shape_cast %get3A_67 : vector<1x16xf32> to vector<16xf32>
      %add3A_69 = arith.addf %add3A_62, %get3A_68 : vector<16xf32>
      %add3A_70 = arith.constant 12 : i32
      %add3A_71 = arith.addi %add3A_70, %select_n3A : i32
      %get3A_72 = arith.index_cast %add3A_71 : i32 to index
      %get3A_73 = arith.index_cast %mul3A_52 : i32 to index
      %get3A_74 = tpu.vector_load %arg11[%get3A_72, %get3A_73] {strides = array<i32>} : memref<28x128xf32, #tpu.memory_space<vmem>>, vector<1x16xf32>,
      %get3A_75 = vector.shape_cast %get3A_74 : vector<1x16xf32> to vector<16xf32>
      %add3A_76 = arith.addf %add3A_69, %get3A_75 : vector<16xf32>
      %add3A_77 = arith.constant 16 : i32
      %add3A_78 = arith.addi %add3A_77, %select_n3A : i32
      %get3A_79 = arith.index_cast %add3A_78 : i32 to index
      %get3A_80 = arith.index_cast %mul3A_52 : i32 to index
      %get3A_81 = tpu.vector_load %arg11[%get3A_79, %get3A_80] {strides = array<i32>} : memref<28x128xf32, #tpu.memory_space<vmem>>, vector<1x16xf32>,
      %get3A_82 = vector.shape_cast %get3A_81 : vector<1x16xf32> to vector<16xf32>
      %add3A_83 = arith.addf %add3A_76, %get3A_82 : vector<16xf32>
      %add3A_84 = arith.constant 20 : i32
      %add3A_85 = arith.addi %add3A_84, %select_n3A : i32
      %get3A_86 = arith.index_cast %add3A_85 : i32 to index
      %get3A_87 = arith.index_cast %mul3A_52 : i32 to index
      %get3A_88 = tpu.vector_load %arg11[%get3A_86, %get3A_87] {strides = array<i32>} : memref<28x128xf32, #tpu.memory_space<vmem>>, vector<1x16xf32>,
      %get3A_89 = vector.shape_cast %get3A_88 : vector<1x16xf32> to vector<16xf32>
      %add3A_90 = arith.addf %add3A_83, %get3A_89 : vector<16xf32>
      %add3A_91 = arith.constant 24 : i32
      %add3A_92 = arith.addi %add3A_91, %select_n3A : i32
      %get3A_93 = arith.index_cast %add3A_92 : i32 to index
      %get3A_94 = arith.index_cast %mul3A_52 : i32 to index
      %get3A_95 = tpu.vector_load %arg11[%get3A_93, %get3A_94] {strides = array<i32>} : memref<28x128xf32, #tpu.memory_space<vmem>>, vector<1x16xf32>,
      %get3A_96 = vector.shape_cast %get3A_95 : vector<1x16xf32> to vector<16xf32>
      %add3A_97 = arith.addf %add3A_90, %get3A_96 : vector<16xf32>
      %mul3A_98 = arith.constant 16 : i32
      %mul3A_99 = arith.muli %scan3A_20, %mul3A_98 : i32
      %swap3A = arith.index_cast %mul3A_99 : i32 to index
      %swap3A_100 = tpu.vector_load %arg16[%swap3A] {strides = array<i32>} : memref<512xf32, #tpu.memory_space<vmem>>, vector<16xf32>,
      %swap3A_101 = vector.shape_cast %swap3A_100 : vector<16xf32> to vector<16xf32>
      %swap3A_102 = vector.shape_cast %add3A_97 : vector<16xf32> to vector<16xf32>
      tpu.vector_store %arg16[%swap3A], %swap3A_102 {strides = array<i32>} : memref<512xf32, #tpu.memory_space<vmem>>, vector<16xf32>,
    }
    %scan3A_17 = arith.constant 32 : i32
    %mul3A_18 = arith.constant 512 : i32
    %mul3A_19 = arith.muli %add3A, %mul3A_18 : i32
    "tpu.region"() ({
      %run_scoped3A = tpu.sem_alloc : memref<!tpu.dma_semaphore, #tpu.memory_space<semaphore_mem>>
      %dma_start3A = tpu.memref_slice %arg9[%mul3A_19] : memref<16384xf32, #tpu.memory_space<hbm>> -> memref<512xf32, #tpu.memory_space<hbm>>
      %dma_start3A_20 = tpu.memref_slice %arg9[%mul3A_19] : memref<16384xf32, #tpu.memory_space<hbm>> -> memref<512xf32, #tpu.memory_space<hbm>>
      tpu.enqueue_dma source(%arg16 : memref<512xf32, #tpu.memory_space<vmem>>) target(%dma_start3A_20 : memref<512xf32, #tpu.memory_space<hbm>>) target_semaphore(%run_scoped3A : memref<!tpu.dma_semaphore, #tpu.memory_space<semaphore_mem>>)
      %dma_wait3A = tpu.memref_slice %arg9[%mul3A_19] : memref<16384xf32, #tpu.memory_space<hbm>> -> memref<512xf32, #tpu.memory_space<hbm>>
      %dma_wait3A_21 = tpu.memref_slice %arg9[%mul3A_19] : memref<16384xf32, #tpu.memory_space<hbm>> -> memref<512xf32, #tpu.memory_space<hbm>>
      tpu.wait_dma2 semaphore(%run_scoped3A : memref<!tpu.dma_semaphore, #tpu.memory_space<semaphore_mem>>) src(%arg16 : memref<512xf32, #tpu.memory_space<vmem>>) dst(%dma_wait3A_21 : memref<512xf32, #tpu.memory_space<hbm>>)
      tpu.yield
    }) : () -> ()
    return
  }
}

#map = affine_map<(d0, d1) -> (0, 0, 0)>
#map1 = affine_map<(d0, d1) -> (0, 0)>
#map2 = affine_map<(d0, d1) -> (0)>
module attributes {stable_mosaic.version = 14 : i64} {
  func.func @_body(%arg0: i32, %arg1: i32, %arg2: memref<32x28x128xi32, #tpu.memory_space<hbm>>, %arg3: memref<13x16xf32, #tpu.memory_space<hbm>>, %arg4: memref<16xf32, #tpu.memory_space<hbm>>, %arg5: memref<7x16xi32, #tpu.memory_space<hbm>>, %arg6: memref<700000xf32, #tpu.memory_space<hbm>>, %arg7: memref<28x128xf32, #tpu.memory_space<hbm>>, %arg8: memref<32x13x512xf32, #tpu.memory_space<hbm>>, %arg9: memref<16384xf32, #tpu.memory_space<hbm>>, %arg10: memref<28x128xi32, #tpu.memory_space<vmem>>, %arg11: memref<28x128xf32, #tpu.memory_space<vmem>>, %arg12: memref<13x512xf32, #tpu.memory_space<vmem>>, %arg13: memref<13x16xf32, #tpu.memory_space<vmem>>, %arg14: memref<16xf32, #tpu.memory_space<vmem>>, %arg15: memref<7x16xi32, #tpu.memory_space<vmem>>, %arg16: memref<512xf32, #tpu.memory_space<vmem>>, %arg17: memref<!tpu.dma_semaphore, #tpu.memory_space<semaphore_mem>>) attributes {dimension_semantics = [#tpu.dimension_semantics<core_parallel>, #tpu.dimension_semantics<subcore_parallel>], iteration_bounds = array<i64: 2, 16>, scalar_prefetch = 0 : i64, scratch_operands = 8 : i64, tpu.core_type = #tpu.core_type<sc_vector_subcore>, window_params = [{transform_indices = #map}, {transform_indices = #map1}, {transform_indices = #map2}, {transform_indices = #map1}, {transform_indices = #map2}, {transform_indices = #map1}, {transform_indices = #map}, {transform_indices = #map2}]} {
    %mul3A = arith.constant 2 : i32
    %mul3A_0 = arith.muli %arg1, %mul3A : i32
    %add3A = arith.addi %mul3A_0, %arg0 : i32
    "tpu.region"() ({
      %run_scoped3A = tpu.sem_alloc : memref<!tpu.dma_semaphore, #tpu.memory_space<semaphore_mem>>
      %dma_start3A = arith.constant 0 : i32
      %dma_start3A_20 = arith.constant 0 : i32
      %dma_start3A_21 = tpu.memref_slice %arg2[%add3A, %dma_start3A, %dma_start3A_20] : memref<32x28x128xi32, #tpu.memory_space<hbm>> -> memref<1x28x128xi32, #tpu.memory_space<hbm>>
      %dma_start3A_22 = tpu.memref_squeeze %dma_start3A_21 : memref<1x28x128xi32, #tpu.memory_space<hbm>> -> memref<28x128xi32, #tpu.memory_space<hbm>>
      %dma_start3A_23 = arith.constant 0 : i32
      %dma_start3A_24 = arith.constant 0 : i32
      %dma_start3A_25 = tpu.memref_slice %arg2[%add3A, %dma_start3A_23, %dma_start3A_24] : memref<32x28x128xi32, #tpu.memory_space<hbm>> -> memref<1x28x128xi32, #tpu.memory_space<hbm>>
      %dma_start3A_26 = tpu.memref_squeeze %dma_start3A_25 : memref<1x28x128xi32, #tpu.memory_space<hbm>> -> memref<28x128xi32, #tpu.memory_space<hbm>>
      tpu.enqueue_dma source(%dma_start3A_26 : memref<28x128xi32, #tpu.memory_space<hbm>>) target(%arg10 : memref<28x128xi32, #tpu.memory_space<vmem>>) target_semaphore(%run_scoped3A : memref<!tpu.dma_semaphore, #tpu.memory_space<semaphore_mem>>)
      %dma_wait3A = arith.constant 0 : i32
      %dma_wait3A_27 = arith.constant 0 : i32
      %dma_wait3A_28 = tpu.memref_slice %arg2[%add3A, %dma_wait3A, %dma_wait3A_27] : memref<32x28x128xi32, #tpu.memory_space<hbm>> -> memref<1x28x128xi32, #tpu.memory_space<hbm>>
      %dma_wait3A_29 = tpu.memref_squeeze %dma_wait3A_28 : memref<1x28x128xi32, #tpu.memory_space<hbm>> -> memref<28x128xi32, #tpu.memory_space<hbm>>
      %dma_wait3A_30 = arith.constant 0 : i32
      %dma_wait3A_31 = arith.constant 0 : i32
      %dma_wait3A_32 = tpu.memref_slice %arg2[%add3A, %dma_wait3A_30, %dma_wait3A_31] : memref<32x28x128xi32, #tpu.memory_space<hbm>> -> memref<1x28x128xi32, #tpu.memory_space<hbm>>
      %dma_wait3A_33 = tpu.memref_squeeze %dma_wait3A_32 : memref<1x28x128xi32, #tpu.memory_space<hbm>> -> memref<28x128xi32, #tpu.memory_space<hbm>>
      tpu.wait_dma2 semaphore(%run_scoped3A : memref<!tpu.dma_semaphore, #tpu.memory_space<semaphore_mem>>) src(%dma_wait3A_33 : memref<28x128xi32, #tpu.memory_space<hbm>>) dst(%arg10 : memref<28x128xi32, #tpu.memory_space<vmem>>)
      tpu.yield
    }) : () -> ()
    "tpu.region"() ({
      %run_scoped3A = tpu.sem_alloc : memref<!tpu.dma_semaphore, #tpu.memory_space<semaphore_mem>>
      tpu.enqueue_dma source(%arg5 : memref<7x16xi32, #tpu.memory_space<hbm>>) target(%arg15 : memref<7x16xi32, #tpu.memory_space<vmem>>) target_semaphore(%run_scoped3A : memref<!tpu.dma_semaphore, #tpu.memory_space<semaphore_mem>>)
      tpu.wait_dma2 semaphore(%run_scoped3A : memref<!tpu.dma_semaphore, #tpu.memory_space<semaphore_mem>>) src(%arg5 : memref<7x16xi32, #tpu.memory_space<hbm>>) dst(%arg15 : memref<7x16xi32, #tpu.memory_space<vmem>>)
      tpu.yield
    }) : () -> ()
    %scan3A = arith.constant 0 : i32
    %scan3A_1 = arith.constant 0 : i32
    %scan3A_2 = arith.constant 28 : i32
    %scan3A_3 = arith.addi %scan3A_1, %scan3A_2 : i32
    %scan3A_4 = arith.constant 1 : i32
    scf.for %scan3A_20 = %scan3A_1 to %scan3A_3 step %scan3A_4  : i32 {
      %jit3A = arith.constant 4 : i32
      %div3A = arith.divsi %scan3A_20, %jit3A : i32
      %sign3A = arith.constant 0 : i32
      %sign3A_21 = arith.cmpi sgt, %scan3A_20, %sign3A : i32
      %sign3A_22 = arith.extui %sign3A_21 : i1 to i32
      %sign3A_23 = arith.constant 0 : i32
      %sign3A_24 = arith.cmpi slt, %scan3A_20, %sign3A_23 : i32
      %sign3A_25 = arith.extui %sign3A_24 : i1 to i32
      %sign3A_26 = arith.subi %sign3A_22, %sign3A_25 : i32
      %sign3A_27 = arith.constant 0 : i32
      %sign3A_28 = arith.cmpi sgt, %jit3A, %sign3A_27 : i32
      %sign3A_29 = arith.extui %sign3A_28 : i1 to i32
      %sign3A_30 = arith.constant 0 : i32
      %sign3A_31 = arith.cmpi slt, %jit3A, %sign3A_30 : i32
      %sign3A_32 = arith.extui %sign3A_31 : i1 to i32
      %sign3A_33 = arith.subi %sign3A_29, %sign3A_32 : i32
      %ne3A = arith.cmpi ne, %sign3A_26, %sign3A_33 : i32
      %rem3A = arith.remsi %scan3A_20, %jit3A : i32
      %ne3A_34 = arith.constant 0 : i32
      %ne3A_35 = arith.cmpi ne, %rem3A, %ne3A_34 : i32
      %and3A = arith.andi %ne3A, %ne3A_35 : i1
      %sub3A = arith.constant 1 : i32
      %sub3A_36 = arith.subi %div3A, %sub3A : i32
      %select_n3A = arith.select %and3A, %sub3A_36, %div3A : i32
      %get3A = arith.index_cast %select_n3A : i32 to index
      %get3A_37 = arith.constant 0 : index
      %get3A_38 = tpu.vector_load %arg15[%get3A, %get3A_37] {strides = array<i32>} : memref<7x16xi32, #tpu.memory_space<vmem>>, vector<1x16xi32>,
      %get3A_39 = vector.shape_cast %get3A_38 : vector<1x16xi32> to vector<16xi32>
      %get3A_40 = arith.index_cast %scan3A_20 : i32 to index
      %get3A_41 = arith.constant 0 : index
      %get3A_42 = tpu.vector_load %arg10[%get3A_40, %get3A_41] {strides = array<i32>} : memref<28x128xi32, #tpu.memory_space<vmem>>, vector<1x16xi32>,
      %get3A_43 = vector.shape_cast %get3A_42 : vector<1x16xi32> to vector<16xi32>
      %add3A_44 = arith.addi %get3A_43, %get3A_39 : vector<16xi32>
      %swap3A = arith.index_cast %scan3A_20 : i32 to index
      %swap3A_45 = arith.constant 0 : index
      %swap3A_46 = tpu.vector_load %arg10[%swap3A, %swap3A_45] {strides = array<i32>} : memref<28x128xi32, #tpu.memory_space<vmem>>, vector<1x16xi32>,
      %swap3A_47 = vector.shape_cast %swap3A_46 : vector<1x16xi32> to vector<16xi32>
      %swap3A_48 = vector.shape_cast %add3A_44 : vector<16xi32> to vector<1x16xi32>
      tpu.vector_store %arg10[%swap3A, %swap3A_45], %swap3A_48 {strides = array<i32>} : memref<28x128xi32, #tpu.memory_space<vmem>>, vector<1x16xi32>,
      %get3A_49 = arith.index_cast %scan3A_20 : i32 to index
      %get3A_50 = arith.constant 16 : index
      %get3A_51 = tpu.vector_load %arg10[%get3A_49, %get3A_50] {strides = array<i32>} : memref<28x128xi32, #tpu.memory_space<vmem>>, vector<1x16xi32>,
      %get3A_52 = vector.shape_cast %get3A_51 : vector<1x16xi32> to vector<16xi32>
      %add3A_53 = arith.addi %get3A_52, %get3A_39 : vector<16xi32>
      %swap3A_54 = arith.index_cast %scan3A_20 : i32 to index
      %swap3A_55 = arith.constant 16 : index
      %swap3A_56 = tpu.vector_load %arg10[%swap3A_54, %swap3A_55] {strides = array<i32>} : memref<28x128xi32, #tpu.memory_space<vmem>>, vector<1x16xi32>,
      %swap3A_57 = vector.shape_cast %swap3A_56 : vector<1x16xi32> to vector<16xi32>
      %swap3A_58 = vector.shape_cast %add3A_53 : vector<16xi32> to vector<1x16xi32>
      tpu.vector_store %arg10[%swap3A_54, %swap3A_55], %swap3A_58 {strides = array<i32>} : memref<28x128xi32, #tpu.memory_space<vmem>>, vector<1x16xi32>,
      %get3A_59 = arith.index_cast %scan3A_20 : i32 to index
      %get3A_60 = arith.constant 32 : index
      %get3A_61 = tpu.vector_load %arg10[%get3A_59, %get3A_60] {strides = array<i32>} : memref<28x128xi32, #tpu.memory_space<vmem>>, vector<1x16xi32>,
      %get3A_62 = vector.shape_cast %get3A_61 : vector<1x16xi32> to vector<16xi32>
      %add3A_63 = arith.addi %get3A_62, %get3A_39 : vector<16xi32>
      %swap3A_64 = arith.index_cast %scan3A_20 : i32 to index
      %swap3A_65 = arith.constant 32 : index
      %swap3A_66 = tpu.vector_load %arg10[%swap3A_64, %swap3A_65] {strides = array<i32>} : memref<28x128xi32, #tpu.memory_space<vmem>>, vector<1x16xi32>,
      %swap3A_67 = vector.shape_cast %swap3A_66 : vector<1x16xi32> to vector<16xi32>
      %swap3A_68 = vector.shape_cast %add3A_63 : vector<16xi32> to vector<1x16xi32>
      tpu.vector_store %arg10[%swap3A_64, %swap3A_65], %swap3A_68 {strides = array<i32>} : memref<28x128xi32, #tpu.memory_space<vmem>>, vector<1x16xi32>,
      %get3A_69 = arith.index_cast %scan3A_20 : i32 to index
      %get3A_70 = arith.constant 48 : index
      %get3A_71 = tpu.vector_load %arg10[%get3A_69, %get3A_70] {strides = array<i32>} : memref<28x128xi32, #tpu.memory_space<vmem>>, vector<1x16xi32>,
      %get3A_72 = vector.shape_cast %get3A_71 : vector<1x16xi32> to vector<16xi32>
      %add3A_73 = arith.addi %get3A_72, %get3A_39 : vector<16xi32>
      %swap3A_74 = arith.index_cast %scan3A_20 : i32 to index
      %swap3A_75 = arith.constant 48 : index
      %swap3A_76 = tpu.vector_load %arg10[%swap3A_74, %swap3A_75] {strides = array<i32>} : memref<28x128xi32, #tpu.memory_space<vmem>>, vector<1x16xi32>,
      %swap3A_77 = vector.shape_cast %swap3A_76 : vector<1x16xi32> to vector<16xi32>
      %swap3A_78 = vector.shape_cast %add3A_73 : vector<16xi32> to vector<1x16xi32>
      tpu.vector_store %arg10[%swap3A_74, %swap3A_75], %swap3A_78 {strides = array<i32>} : memref<28x128xi32, #tpu.memory_space<vmem>>, vector<1x16xi32>,
      %get3A_79 = arith.index_cast %scan3A_20 : i32 to index
      %get3A_80 = arith.constant 64 : index
      %get3A_81 = tpu.vector_load %arg10[%get3A_79, %get3A_80] {strides = array<i32>} : memref<28x128xi32, #tpu.memory_space<vmem>>, vector<1x16xi32>,
      %get3A_82 = vector.shape_cast %get3A_81 : vector<1x16xi32> to vector<16xi32>
      %add3A_83 = arith.addi %get3A_82, %get3A_39 : vector<16xi32>
      %swap3A_84 = arith.index_cast %scan3A_20 : i32 to index
      %swap3A_85 = arith.constant 64 : index
      %swap3A_86 = tpu.vector_load %arg10[%swap3A_84, %swap3A_85] {strides = array<i32>} : memref<28x128xi32, #tpu.memory_space<vmem>>, vector<1x16xi32>,
      %swap3A_87 = vector.shape_cast %swap3A_86 : vector<1x16xi32> to vector<16xi32>
      %swap3A_88 = vector.shape_cast %add3A_83 : vector<16xi32> to vector<1x16xi32>
      tpu.vector_store %arg10[%swap3A_84, %swap3A_85], %swap3A_88 {strides = array<i32>} : memref<28x128xi32, #tpu.memory_space<vmem>>, vector<1x16xi32>,
      %get3A_89 = arith.index_cast %scan3A_20 : i32 to index
      %get3A_90 = arith.constant 80 : index
      %get3A_91 = tpu.vector_load %arg10[%get3A_89, %get3A_90] {strides = array<i32>} : memref<28x128xi32, #tpu.memory_space<vmem>>, vector<1x16xi32>,
      %get3A_92 = vector.shape_cast %get3A_91 : vector<1x16xi32> to vector<16xi32>
      %add3A_93 = arith.addi %get3A_92, %get3A_39 : vector<16xi32>
      %swap3A_94 = arith.index_cast %scan3A_20 : i32 to index
      %swap3A_95 = arith.constant 80 : index
      %swap3A_96 = tpu.vector_load %arg10[%swap3A_94, %swap3A_95] {strides = array<i32>} : memref<28x128xi32, #tpu.memory_space<vmem>>, vector<1x16xi32>,
      %swap3A_97 = vector.shape_cast %swap3A_96 : vector<1x16xi32> to vector<16xi32>
      %swap3A_98 = vector.shape_cast %add3A_93 : vector<16xi32> to vector<1x16xi32>
      tpu.vector_store %arg10[%swap3A_94, %swap3A_95], %swap3A_98 {strides = array<i32>} : memref<28x128xi32, #tpu.memory_space<vmem>>, vector<1x16xi32>,
      %get3A_99 = arith.index_cast %scan3A_20 : i32 to index
      %get3A_100 = arith.constant 96 : index
      %get3A_101 = tpu.vector_load %arg10[%get3A_99, %get3A_100] {strides = array<i32>} : memref<28x128xi32, #tpu.memory_space<vmem>>, vector<1x16xi32>,
      %get3A_102 = vector.shape_cast %get3A_101 : vector<1x16xi32> to vector<16xi32>
      %add3A_103 = arith.addi %get3A_102, %get3A_39 : vector<16xi32>
      %swap3A_104 = arith.index_cast %scan3A_20 : i32 to index
      %swap3A_105 = arith.constant 96 : index
      %swap3A_106 = tpu.vector_load %arg10[%swap3A_104, %swap3A_105] {strides = array<i32>} : memref<28x128xi32, #tpu.memory_space<vmem>>, vector<1x16xi32>,
      %swap3A_107 = vector.shape_cast %swap3A_106 : vector<1x16xi32> to vector<16xi32>
      %swap3A_108 = vector.shape_cast %add3A_103 : vector<16xi32> to vector<1x16xi32>
      tpu.vector_store %arg10[%swap3A_104, %swap3A_105], %swap3A_108 {strides = array<i32>} : memref<28x128xi32, #tpu.memory_space<vmem>>, vector<1x16xi32>,
      %get3A_109 = arith.index_cast %scan3A_20 : i32 to index
      %get3A_110 = arith.constant 112 : index
      %get3A_111 = tpu.vector_load %arg10[%get3A_109, %get3A_110] {strides = array<i32>} : memref<28x128xi32, #tpu.memory_space<vmem>>, vector<1x16xi32>,
      %get3A_112 = vector.shape_cast %get3A_111 : vector<1x16xi32> to vector<16xi32>
      %add3A_113 = arith.addi %get3A_112, %get3A_39 : vector<16xi32>
      %swap3A_114 = arith.index_cast %scan3A_20 : i32 to index
      %swap3A_115 = arith.constant 112 : index
      %swap3A_116 = tpu.vector_load %arg10[%swap3A_114, %swap3A_115] {strides = array<i32>} : memref<28x128xi32, #tpu.memory_space<vmem>>, vector<1x16xi32>,
      %swap3A_117 = vector.shape_cast %swap3A_116 : vector<1x16xi32> to vector<16xi32>
      %swap3A_118 = vector.shape_cast %add3A_113 : vector<16xi32> to vector<1x16xi32>
      tpu.vector_store %arg10[%swap3A_114, %swap3A_115], %swap3A_118 {strides = array<i32>} : memref<28x128xi32, #tpu.memory_space<vmem>>, vector<1x16xi32>,
    }
    %scan3A_5 = arith.constant 28 : i32
    %scan3A_6 = arith.constant 0 : i32
    %scan3A_7 = arith.constant 0 : i32
    %scan3A_8 = arith.constant 28 : i32
    %scan3A_9 = arith.addi %scan3A_7, %scan3A_8 : i32
    %scan3A_10 = arith.constant 1 : i32
    scf.for %scan3A_20 = %scan3A_7 to %scan3A_9 step %scan3A_10  : i32 {
      %dma_start3A = arith.constant 0 : i32
      %dma_start3A_21 = tpu.memref_slice %arg11[%scan3A_20, %dma_start3A] : memref<28x128xf32, #tpu.memory_space<vmem>> -> memref<1x128xf32, #tpu.memory_space<vmem>>
      %dma_start3A_22 = tpu.memref_squeeze %dma_start3A_21 : memref<1x128xf32, #tpu.memory_space<vmem>> -> memref<128xf32, #tpu.memory_space<vmem>>
      %dma_start3A_23 = arith.constant 0 : i32
      %dma_start3A_24 = tpu.memref_slice %arg10[%scan3A_20, %dma_start3A_23] : memref<28x128xi32, #tpu.memory_space<vmem>> -> memref<1x128xi32, #tpu.memory_space<vmem>>
      %dma_start3A_25 = tpu.memref_squeeze %dma_start3A_24 : memref<1x128xi32, #tpu.memory_space<vmem>> -> memref<128xi32, #tpu.memory_space<vmem>>
      %dma_start3A_26 = arith.constant 0 : i32
      %dma_start3A_27 = tpu.memref_slice %arg6[%dma_start3A_26] : memref<700000xf32, #tpu.memory_space<hbm>> -> memref<700000xf32, #tpu.memory_space<hbm>>
      tpu.enqueue_indirect_dma source(%dma_start3A_27 : memref<700000xf32, #tpu.memory_space<hbm>>) target(%dma_start3A_22 : memref<128xf32, #tpu.memory_space<vmem>>) offsets(%dma_start3A_25 : memref<128xi32, #tpu.memory_space<vmem>>) semaphore(%arg17 : memref<!tpu.dma_semaphore, #tpu.memory_space<semaphore_mem>>)
    }
    %scan3A_11 = arith.constant 28 : i32
    tpu.wait_dma2 semaphore(%arg17 : memref<!tpu.dma_semaphore, #tpu.memory_space<semaphore_mem>>) src(%arg7 : memref<28x128xf32, #tpu.memory_space<hbm>>) dst(%arg11 : memref<28x128xf32, #tpu.memory_space<vmem>>)
    %scan3A_12 = arith.constant 0 : i32
    %scan3A_13 = arith.constant 0 : i32
    %scan3A_14 = arith.constant 32 : i32
    %scan3A_15 = arith.addi %scan3A_13, %scan3A_14 : i32
    %scan3A_16 = arith.constant 1 : i32
    scf.for %scan3A_20 = %scan3A_13 to %scan3A_15 step %scan3A_16  : i32 {
      %jit3A = arith.constant 8 : i32
      %div3A = arith.divsi %scan3A_20, %jit3A : i32
      %sign3A = arith.constant 0 : i32
      %sign3A_21 = arith.cmpi sgt, %scan3A_20, %sign3A : i32
      %sign3A_22 = arith.extui %sign3A_21 : i1 to i32
      %sign3A_23 = arith.constant 0 : i32
      %sign3A_24 = arith.cmpi slt, %scan3A_20, %sign3A_23 : i32
      %sign3A_25 = arith.extui %sign3A_24 : i1 to i32
      %sign3A_26 = arith.subi %sign3A_22, %sign3A_25 : i32
      %sign3A_27 = arith.constant 0 : i32
      %sign3A_28 = arith.cmpi sgt, %jit3A, %sign3A_27 : i32
      %sign3A_29 = arith.extui %sign3A_28 : i1 to i32
      %sign3A_30 = arith.constant 0 : i32
      %sign3A_31 = arith.cmpi slt, %jit3A, %sign3A_30 : i32
      %sign3A_32 = arith.extui %sign3A_31 : i1 to i32
      %sign3A_33 = arith.subi %sign3A_29, %sign3A_32 : i32
      %ne3A = arith.cmpi ne, %sign3A_26, %sign3A_33 : i32
      %rem3A = arith.remsi %scan3A_20, %jit3A : i32
      %ne3A_34 = arith.constant 0 : i32
      %ne3A_35 = arith.cmpi ne, %rem3A, %ne3A_34 : i32
      %and3A = arith.andi %ne3A, %ne3A_35 : i1
      %sub3A = arith.constant 1 : i32
      %sub3A_36 = arith.subi %div3A, %sub3A : i32
      %select_n3A = arith.select %and3A, %sub3A_36, %div3A : i32
      %jit3A_37 = arith.constant 8 : i32
      %eq3A = arith.constant 0 : i32
      %eq3A_38 = arith.cmpi eq, %jit3A_37, %eq3A : i32
      %jit3A_39 = arith.constant 1 : i32
      %select_n3A_40 = arith.select %eq3A_38, %jit3A_39, %jit3A_37 : i32
      %rem3A_41 = arith.remsi %scan3A_20, %select_n3A_40 : i32
      %ne3A_42 = arith.constant 0 : i32
      %ne3A_43 = arith.cmpi ne, %rem3A_41, %ne3A_42 : i32
      %lt3A = arith.constant 0 : i32
      %lt3A_44 = arith.cmpi slt, %rem3A_41, %lt3A : i32
      %lt3A_45 = arith.constant 0 : i32
      %lt3A_46 = arith.cmpi slt, %select_n3A_40, %lt3A_45 : i32
      %ne3A_47 = arith.xori %lt3A_44, %lt3A_46 : i1
      %and3A_48 = arith.andi %ne3A_47, %ne3A_43 : i1
      %add3A_49 = arith.addi %rem3A_41, %select_n3A_40 : i32
      %select_n3A_50 = arith.select %and3A_48, %add3A_49, %rem3A_41 : i32
      %mul3A_51 = arith.constant 16 : i32
      %mul3A_52 = arith.muli %select_n3A_50, %mul3A_51 : i32
      %get3A = arith.index_cast %select_n3A : i32 to index
      %get3A_53 = arith.index_cast %mul3A_52 : i32 to index
      %get3A_54 = tpu.vector_load %arg11[%get3A, %get3A_53] {strides = array<i32>} : memref<28x128xf32, #tpu.memory_space<vmem>>, vector<1x16xf32>,
      %get3A_55 = vector.shape_cast %get3A_54 : vector<1x16xf32> to vector<16xf32>
      %add3A_56 = arith.constant 4 : i32
      %add3A_57 = arith.addi %add3A_56, %select_n3A : i32
      %get3A_58 = arith.index_cast %add3A_57 : i32 to index
      %get3A_59 = arith.index_cast %mul3A_52 : i32 to index
      %get3A_60 = tpu.vector_load %arg11[%get3A_58, %get3A_59] {strides = array<i32>} : memref<28x128xf32, #tpu.memory_space<vmem>>, vector<1x16xf32>,
      %get3A_61 = vector.shape_cast %get3A_60 : vector<1x16xf32> to vector<16xf32>
      %add3A_62 = arith.addf %get3A_55, %get3A_61 : vector<16xf32>
      %add3A_63 = arith.constant 8 : i32
      %add3A_64 = arith.addi %add3A_63, %select_n3A : i32
      %get3A_65 = arith.index_cast %add3A_64 : i32 to index
      %get3A_66 = arith.index_cast %mul3A_52 : i32 to index
      %get3A_67 = tpu.vector_load %arg11[%get3A_65, %get3A_66] {strides = array<i32>} : memref<28x128xf32, #tpu.memory_space<vmem>>, vector<1x16xf32>,
      %get3A_68 = vector.shape_cast %get3A_67 : vector<1x16xf32> to vector<16xf32>
      %add3A_69 = arith.addf %add3A_62, %get3A_68 : vector<16xf32>
      %add3A_70 = arith.constant 12 : i32
      %add3A_71 = arith.addi %add3A_70, %select_n3A : i32
      %get3A_72 = arith.index_cast %add3A_71 : i32 to index
      %get3A_73 = arith.index_cast %mul3A_52 : i32 to index
      %get3A_74 = tpu.vector_load %arg11[%get3A_72, %get3A_73] {strides = array<i32>} : memref<28x128xf32, #tpu.memory_space<vmem>>, vector<1x16xf32>,
      %get3A_75 = vector.shape_cast %get3A_74 : vector<1x16xf32> to vector<16xf32>
      %add3A_76 = arith.addf %add3A_69, %get3A_75 : vector<16xf32>
      %add3A_77 = arith.constant 16 : i32
      %add3A_78 = arith.addi %add3A_77, %select_n3A : i32
      %get3A_79 = arith.index_cast %add3A_78 : i32 to index
      %get3A_80 = arith.index_cast %mul3A_52 : i32 to index
      %get3A_81 = tpu.vector_load %arg11[%get3A_79, %get3A_80] {strides = array<i32>} : memref<28x128xf32, #tpu.memory_space<vmem>>, vector<1x16xf32>,
      %get3A_82 = vector.shape_cast %get3A_81 : vector<1x16xf32> to vector<16xf32>
      %add3A_83 = arith.addf %add3A_76, %get3A_82 : vector<16xf32>
      %add3A_84 = arith.constant 20 : i32
      %add3A_85 = arith.addi %add3A_84, %select_n3A : i32
      %get3A_86 = arith.index_cast %add3A_85 : i32 to index
      %get3A_87 = arith.index_cast %mul3A_52 : i32 to index
      %get3A_88 = tpu.vector_load %arg11[%get3A_86, %get3A_87] {strides = array<i32>} : memref<28x128xf32, #tpu.memory_space<vmem>>, vector<1x16xf32>,
      %get3A_89 = vector.shape_cast %get3A_88 : vector<1x16xf32> to vector<16xf32>
      %add3A_90 = arith.addf %add3A_83, %get3A_89 : vector<16xf32>
      %add3A_91 = arith.constant 24 : i32
      %add3A_92 = arith.addi %add3A_91, %select_n3A : i32
      %get3A_93 = arith.index_cast %add3A_92 : i32 to index
      %get3A_94 = arith.index_cast %mul3A_52 : i32 to index
      %get3A_95 = tpu.vector_load %arg11[%get3A_93, %get3A_94] {strides = array<i32>} : memref<28x128xf32, #tpu.memory_space<vmem>>, vector<1x16xf32>,
      %get3A_96 = vector.shape_cast %get3A_95 : vector<1x16xf32> to vector<16xf32>
      %add3A_97 = arith.addf %add3A_90, %get3A_96 : vector<16xf32>
      %mul3A_98 = arith.constant 16 : i32
      %mul3A_99 = arith.muli %scan3A_20, %mul3A_98 : i32
      %swap3A = arith.index_cast %mul3A_99 : i32 to index
      %swap3A_100 = tpu.vector_load %arg16[%swap3A] {strides = array<i32>} : memref<512xf32, #tpu.memory_space<vmem>>, vector<16xf32>,
      %swap3A_101 = vector.shape_cast %swap3A_100 : vector<16xf32> to vector<16xf32>
      %swap3A_102 = vector.shape_cast %add3A_97 : vector<16xf32> to vector<16xf32>
      tpu.vector_store %arg16[%swap3A], %swap3A_102 {strides = array<i32>} : memref<512xf32, #tpu.memory_space<vmem>>, vector<16xf32>,
    }
    %scan3A_17 = arith.constant 32 : i32
    %mul3A_18 = arith.constant 512 : i32
    %mul3A_19 = arith.muli %add3A, %mul3A_18 : i32
    "tpu.region"() ({
      %run_scoped3A = tpu.sem_alloc : memref<!tpu.dma_semaphore, #tpu.memory_space<semaphore_mem>>
      %dma_start3A = tpu.memref_slice %arg9[%mul3A_19] : memref<16384xf32, #tpu.memory_space<hbm>> -> memref<512xf32, #tpu.memory_space<hbm>>
      %dma_start3A_20 = tpu.memref_slice %arg9[%mul3A_19] : memref<16384xf32, #tpu.memory_space<hbm>> -> memref<512xf32, #tpu.memory_space<hbm>>
      tpu.enqueue_dma source(%arg16 : memref<512xf32, #tpu.memory_space<vmem>>) target(%dma_start3A_20 : memref<512xf32, #tpu.memory_space<hbm>>) target_semaphore(%run_scoped3A : memref<!tpu.dma_semaphore, #tpu.memory_space<semaphore_mem>>)
      %dma_wait3A = tpu.memref_slice %arg9[%mul3A_19] : memref<16384xf32, #tpu.memory_space<hbm>> -> memref<512xf32, #tpu.memory_space<hbm>>
      %dma_wait3A_21 = tpu.memref_slice %arg9[%mul3A_19] : memref<16384xf32, #tpu.memory_space<hbm>> -> memref<512xf32, #tpu.memory_space<hbm>>
      tpu.wait_dma2 semaphore(%run_scoped3A : memref<!tpu.dma_semaphore, #tpu.memory_space<semaphore_mem>>) src(%arg16 : memref<512xf32, #tpu.memory_space<vmem>>) dst(%dma_wait3A_21 : memref<512xf32, #tpu.memory_space<hbm>>)
      tpu.yield
    }) : () -> ()
    return
  }
}

#map = affine_map<(d0, d1) -> (0, 0, 0)>
#map1 = affine_map<(d0, d1) -> (0, 0)>
#map2 = affine_map<(d0, d1) -> (0)>
module attributes {stable_mosaic.version = 14 : i64} {
  func.func @_body(%arg0: i32, %arg1: i32, %arg2: memref<32x24x128xi32, #tpu.memory_space<hbm>>, %arg3: memref<13x16xf32, #tpu.memory_space<hbm>>, %arg4: memref<16xf32, #tpu.memory_space<hbm>>, %arg5: memref<6x16xi32, #tpu.memory_space<hbm>>, %arg6: memref<600000xf32, #tpu.memory_space<hbm>>, %arg7: memref<24x128xf32, #tpu.memory_space<hbm>>, %arg8: memref<32x13x512xf32, #tpu.memory_space<hbm>>, %arg9: memref<16384xf32, #tpu.memory_space<hbm>>, %arg10: memref<24x128xi32, #tpu.memory_space<vmem>>, %arg11: memref<24x128xf32, #tpu.memory_space<vmem>>, %arg12: memref<13x512xf32, #tpu.memory_space<vmem>>, %arg13: memref<13x16xf32, #tpu.memory_space<vmem>>, %arg14: memref<16xf32, #tpu.memory_space<vmem>>, %arg15: memref<6x16xi32, #tpu.memory_space<vmem>>, %arg16: memref<512xf32, #tpu.memory_space<vmem>>, %arg17: memref<!tpu.dma_semaphore, #tpu.memory_space<semaphore_mem>>) attributes {dimension_semantics = [#tpu.dimension_semantics<core_parallel>, #tpu.dimension_semantics<subcore_parallel>], iteration_bounds = array<i64: 2, 16>, scalar_prefetch = 0 : i64, scratch_operands = 8 : i64, tpu.core_type = #tpu.core_type<sc_vector_subcore>, window_params = [{transform_indices = #map}, {transform_indices = #map1}, {transform_indices = #map2}, {transform_indices = #map1}, {transform_indices = #map2}, {transform_indices = #map1}, {transform_indices = #map}, {transform_indices = #map2}]} {
    %mul3A = arith.constant 2 : i32
    %mul3A_0 = arith.muli %arg1, %mul3A : i32
    %add3A = arith.addi %mul3A_0, %arg0 : i32
    "tpu.region"() ({
      %run_scoped3A = tpu.sem_alloc : memref<!tpu.dma_semaphore, #tpu.memory_space<semaphore_mem>>
      %dma_start3A = arith.constant 0 : i32
      %dma_start3A_93 = arith.constant 0 : i32
      %dma_start3A_94 = tpu.memref_slice %arg2[%add3A, %dma_start3A, %dma_start3A_93] : memref<32x24x128xi32, #tpu.memory_space<hbm>> -> memref<1x24x128xi32, #tpu.memory_space<hbm>>
      %dma_start3A_95 = tpu.memref_squeeze %dma_start3A_94 : memref<1x24x128xi32, #tpu.memory_space<hbm>> -> memref<24x128xi32, #tpu.memory_space<hbm>>
      %dma_start3A_96 = arith.constant 0 : i32
      %dma_start3A_97 = arith.constant 0 : i32
      %dma_start3A_98 = tpu.memref_slice %arg2[%add3A, %dma_start3A_96, %dma_start3A_97] : memref<32x24x128xi32, #tpu.memory_space<hbm>> -> memref<1x24x128xi32, #tpu.memory_space<hbm>>
      %dma_start3A_99 = tpu.memref_squeeze %dma_start3A_98 : memref<1x24x128xi32, #tpu.memory_space<hbm>> -> memref<24x128xi32, #tpu.memory_space<hbm>>
      tpu.enqueue_dma source(%dma_start3A_99 : memref<24x128xi32, #tpu.memory_space<hbm>>) target(%arg10 : memref<24x128xi32, #tpu.memory_space<vmem>>) target_semaphore(%run_scoped3A : memref<!tpu.dma_semaphore, #tpu.memory_space<semaphore_mem>>)
      %dma_wait3A = arith.constant 0 : i32
      %dma_wait3A_100 = arith.constant 0 : i32
      %dma_wait3A_101 = tpu.memref_slice %arg2[%add3A, %dma_wait3A, %dma_wait3A_100] : memref<32x24x128xi32, #tpu.memory_space<hbm>> -> memref<1x24x128xi32, #tpu.memory_space<hbm>>
      %dma_wait3A_102 = tpu.memref_squeeze %dma_wait3A_101 : memref<1x24x128xi32, #tpu.memory_space<hbm>> -> memref<24x128xi32, #tpu.memory_space<hbm>>
      %dma_wait3A_103 = arith.constant 0 : i32
      %dma_wait3A_104 = arith.constant 0 : i32
      %dma_wait3A_105 = tpu.memref_slice %arg2[%add3A, %dma_wait3A_103, %dma_wait3A_104] : memref<32x24x128xi32, #tpu.memory_space<hbm>> -> memref<1x24x128xi32, #tpu.memory_space<hbm>>
      %dma_wait3A_106 = tpu.memref_squeeze %dma_wait3A_105 : memref<1x24x128xi32, #tpu.memory_space<hbm>> -> memref<24x128xi32, #tpu.memory_space<hbm>>
      tpu.wait_dma2 semaphore(%run_scoped3A : memref<!tpu.dma_semaphore, #tpu.memory_space<semaphore_mem>>) src(%dma_wait3A_106 : memref<24x128xi32, #tpu.memory_space<hbm>>) dst(%arg10 : memref<24x128xi32, #tpu.memory_space<vmem>>)
      tpu.yield
    }) : () -> ()
    "tpu.region"() ({
      %run_scoped3A = tpu.sem_alloc : memref<!tpu.dma_semaphore, #tpu.memory_space<semaphore_mem>>
      tpu.enqueue_dma source(%arg5 : memref<6x16xi32, #tpu.memory_space<hbm>>) target(%arg15 : memref<6x16xi32, #tpu.memory_space<vmem>>) target_semaphore(%run_scoped3A : memref<!tpu.dma_semaphore, #tpu.memory_space<semaphore_mem>>)
      tpu.wait_dma2 semaphore(%run_scoped3A : memref<!tpu.dma_semaphore, #tpu.memory_space<semaphore_mem>>) src(%arg5 : memref<6x16xi32, #tpu.memory_space<hbm>>) dst(%arg15 : memref<6x16xi32, #tpu.memory_space<vmem>>)
      tpu.yield
    }) : () -> ()
    %scan3A = arith.constant 0 : i32
    %scan3A_1 = arith.constant 0 : i32
    %scan3A_2 = arith.constant 24 : i32
    %scan3A_3 = arith.addi %scan3A_1, %scan3A_2 : i32
    %scan3A_4 = arith.constant 1 : i32
    scf.for %scan3A_93 = %scan3A_1 to %scan3A_3 step %scan3A_4  : i32 {
      %jit3A = arith.constant 4 : i32
      %div3A = arith.divsi %scan3A_93, %jit3A : i32
      %sign3A = arith.constant 0 : i32
      %sign3A_94 = arith.cmpi sgt, %scan3A_93, %sign3A : i32
      %sign3A_95 = arith.extui %sign3A_94 : i1 to i32
      %sign3A_96 = arith.constant 0 : i32
      %sign3A_97 = arith.cmpi slt, %scan3A_93, %sign3A_96 : i32
      %sign3A_98 = arith.extui %sign3A_97 : i1 to i32
      %sign3A_99 = arith.subi %sign3A_95, %sign3A_98 : i32
      %sign3A_100 = arith.constant 0 : i32
      %sign3A_101 = arith.cmpi sgt, %jit3A, %sign3A_100 : i32
      %sign3A_102 = arith.extui %sign3A_101 : i1 to i32
      %sign3A_103 = arith.constant 0 : i32
      %sign3A_104 = arith.cmpi slt, %jit3A, %sign3A_103 : i32
      %sign3A_105 = arith.extui %sign3A_104 : i1 to i32
      %sign3A_106 = arith.subi %sign3A_102, %sign3A_105 : i32
      %ne3A = arith.cmpi ne, %sign3A_99, %sign3A_106 : i32
      %rem3A = arith.remsi %scan3A_93, %jit3A : i32
      %ne3A_107 = arith.constant 0 : i32
      %ne3A_108 = arith.cmpi ne, %rem3A, %ne3A_107 : i32
      %and3A = arith.andi %ne3A, %ne3A_108 : i1
      %sub3A = arith.constant 1 : i32
      %sub3A_109 = arith.subi %div3A, %sub3A : i32
      %select_n3A = arith.select %and3A, %sub3A_109, %div3A : i32
      %get3A_110 = arith.index_cast %select_n3A : i32 to index
      %get3A_111 = arith.constant 0 : index
      %get3A_112 = tpu.vector_load %arg15[%get3A_110, %get3A_111] {strides = array<i32>} : memref<6x16xi32, #tpu.memory_space<vmem>>, vector<1x16xi32>,
      %get3A_113 = vector.shape_cast %get3A_112 : vector<1x16xi32> to vector<16xi32>
      %get3A_114 = arith.index_cast %scan3A_93 : i32 to index
      %get3A_115 = arith.constant 0 : index
      %get3A_116 = tpu.vector_load %arg10[%get3A_114, %get3A_115] {strides = array<i32>} : memref<24x128xi32, #tpu.memory_space<vmem>>, vector<1x16xi32>,
      %get3A_117 = vector.shape_cast %get3A_116 : vector<1x16xi32> to vector<16xi32>
      %add3A_118 = arith.addi %get3A_117, %get3A_113 : vector<16xi32>
      %swap3A = arith.index_cast %scan3A_93 : i32 to index
      %swap3A_119 = arith.constant 0 : index
      %swap3A_120 = tpu.vector_load %arg10[%swap3A, %swap3A_119] {strides = array<i32>} : memref<24x128xi32, #tpu.memory_space<vmem>>, vector<1x16xi32>,
      %swap3A_121 = vector.shape_cast %swap3A_120 : vector<1x16xi32> to vector<16xi32>
      %swap3A_122 = vector.shape_cast %add3A_118 : vector<16xi32> to vector<1x16xi32>
      tpu.vector_store %arg10[%swap3A, %swap3A_119], %swap3A_122 {strides = array<i32>} : memref<24x128xi32, #tpu.memory_space<vmem>>, vector<1x16xi32>,
      %get3A_123 = arith.index_cast %scan3A_93 : i32 to index
      %get3A_124 = arith.constant 16 : index
      %get3A_125 = tpu.vector_load %arg10[%get3A_123, %get3A_124] {strides = array<i32>} : memref<24x128xi32, #tpu.memory_space<vmem>>, vector<1x16xi32>,
      %get3A_126 = vector.shape_cast %get3A_125 : vector<1x16xi32> to vector<16xi32>
      %add3A_127 = arith.addi %get3A_126, %get3A_113 : vector<16xi32>
      %swap3A_128 = arith.index_cast %scan3A_93 : i32 to index
      %swap3A_129 = arith.constant 16 : index
      %swap3A_130 = tpu.vector_load %arg10[%swap3A_128, %swap3A_129] {strides = array<i32>} : memref<24x128xi32, #tpu.memory_space<vmem>>, vector<1x16xi32>,
      %swap3A_131 = vector.shape_cast %swap3A_130 : vector<1x16xi32> to vector<16xi32>
      %swap3A_132 = vector.shape_cast %add3A_127 : vector<16xi32> to vector<1x16xi32>
      tpu.vector_store %arg10[%swap3A_128, %swap3A_129], %swap3A_132 {strides = array<i32>} : memref<24x128xi32, #tpu.memory_space<vmem>>, vector<1x16xi32>,
      %get3A_133 = arith.index_cast %scan3A_93 : i32 to index
      %get3A_134 = arith.constant 32 : index
      %get3A_135 = tpu.vector_load %arg10[%get3A_133, %get3A_134] {strides = array<i32>} : memref<24x128xi32, #tpu.memory_space<vmem>>, vector<1x16xi32>,
      %get3A_136 = vector.shape_cast %get3A_135 : vector<1x16xi32> to vector<16xi32>
      %add3A_137 = arith.addi %get3A_136, %get3A_113 : vector<16xi32>
      %swap3A_138 = arith.index_cast %scan3A_93 : i32 to index
      %swap3A_139 = arith.constant 32 : index
      %swap3A_140 = tpu.vector_load %arg10[%swap3A_138, %swap3A_139] {strides = array<i32>} : memref<24x128xi32, #tpu.memory_space<vmem>>, vector<1x16xi32>,
      %swap3A_141 = vector.shape_cast %swap3A_140 : vector<1x16xi32> to vector<16xi32>
      %swap3A_142 = vector.shape_cast %add3A_137 : vector<16xi32> to vector<1x16xi32>
      tpu.vector_store %arg10[%swap3A_138, %swap3A_139], %swap3A_142 {strides = array<i32>} : memref<24x128xi32, #tpu.memory_space<vmem>>, vector<1x16xi32>,
      %get3A_143 = arith.index_cast %scan3A_93 : i32 to index
      %get3A_144 = arith.constant 48 : index
      %get3A_145 = tpu.vector_load %arg10[%get3A_143, %get3A_144] {strides = array<i32>} : memref<24x128xi32, #tpu.memory_space<vmem>>, vector<1x16xi32>,
      %get3A_146 = vector.shape_cast %get3A_145 : vector<1x16xi32> to vector<16xi32>
      %add3A_147 = arith.addi %get3A_146, %get3A_113 : vector<16xi32>
      %swap3A_148 = arith.index_cast %scan3A_93 : i32 to index
      %swap3A_149 = arith.constant 48 : index
      %swap3A_150 = tpu.vector_load %arg10[%swap3A_148, %swap3A_149] {strides = array<i32>} : memref<24x128xi32, #tpu.memory_space<vmem>>, vector<1x16xi32>,
      %swap3A_151 = vector.shape_cast %swap3A_150 : vector<1x16xi32> to vector<16xi32>
      %swap3A_152 = vector.shape_cast %add3A_147 : vector<16xi32> to vector<1x16xi32>
      tpu.vector_store %arg10[%swap3A_148, %swap3A_149], %swap3A_152 {strides = array<i32>} : memref<24x128xi32, #tpu.memory_space<vmem>>, vector<1x16xi32>,
      %get3A_153 = arith.index_cast %scan3A_93 : i32 to index
      %get3A_154 = arith.constant 64 : index
      %get3A_155 = tpu.vector_load %arg10[%get3A_153, %get3A_154] {strides = array<i32>} : memref<24x128xi32, #tpu.memory_space<vmem>>, vector<1x16xi32>,
      %get3A_156 = vector.shape_cast %get3A_155 : vector<1x16xi32> to vector<16xi32>
      %add3A_157 = arith.addi %get3A_156, %get3A_113 : vector<16xi32>
      %swap3A_158 = arith.index_cast %scan3A_93 : i32 to index
      %swap3A_159 = arith.constant 64 : index
      %swap3A_160 = tpu.vector_load %arg10[%swap3A_158, %swap3A_159] {strides = array<i32>} : memref<24x128xi32, #tpu.memory_space<vmem>>, vector<1x16xi32>,
      %swap3A_161 = vector.shape_cast %swap3A_160 : vector<1x16xi32> to vector<16xi32>
      %swap3A_162 = vector.shape_cast %add3A_157 : vector<16xi32> to vector<1x16xi32>
      tpu.vector_store %arg10[%swap3A_158, %swap3A_159], %swap3A_162 {strides = array<i32>} : memref<24x128xi32, #tpu.memory_space<vmem>>, vector<1x16xi32>,
      %get3A_163 = arith.index_cast %scan3A_93 : i32 to index
      %get3A_164 = arith.constant 80 : index
      %get3A_165 = tpu.vector_load %arg10[%get3A_163, %get3A_164] {strides = array<i32>} : memref<24x128xi32, #tpu.memory_space<vmem>>, vector<1x16xi32>,
      %get3A_166 = vector.shape_cast %get3A_165 : vector<1x16xi32> to vector<16xi32>
      %add3A_167 = arith.addi %get3A_166, %get3A_113 : vector<16xi32>
      %swap3A_168 = arith.index_cast %scan3A_93 : i32 to index
      %swap3A_169 = arith.constant 80 : index
      %swap3A_170 = tpu.vector_load %arg10[%swap3A_168, %swap3A_169] {strides = array<i32>} : memref<24x128xi32, #tpu.memory_space<vmem>>, vector<1x16xi32>,
      %swap3A_171 = vector.shape_cast %swap3A_170 : vector<1x16xi32> to vector<16xi32>
      %swap3A_172 = vector.shape_cast %add3A_167 : vector<16xi32> to vector<1x16xi32>
      tpu.vector_store %arg10[%swap3A_168, %swap3A_169], %swap3A_172 {strides = array<i32>} : memref<24x128xi32, #tpu.memory_space<vmem>>, vector<1x16xi32>,
      %get3A_173 = arith.index_cast %scan3A_93 : i32 to index
      %get3A_174 = arith.constant 96 : index
      %get3A_175 = tpu.vector_load %arg10[%get3A_173, %get3A_174] {strides = array<i32>} : memref<24x128xi32, #tpu.memory_space<vmem>>, vector<1x16xi32>,
      %get3A_176 = vector.shape_cast %get3A_175 : vector<1x16xi32> to vector<16xi32>
      %add3A_177 = arith.addi %get3A_176, %get3A_113 : vector<16xi32>
      %swap3A_178 = arith.index_cast %scan3A_93 : i32 to index
      %swap3A_179 = arith.constant 96 : index
      %swap3A_180 = tpu.vector_load %arg10[%swap3A_178, %swap3A_179] {strides = array<i32>} : memref<24x128xi32, #tpu.memory_space<vmem>>, vector<1x16xi32>,
      %swap3A_181 = vector.shape_cast %swap3A_180 : vector<1x16xi32> to vector<16xi32>
      %swap3A_182 = vector.shape_cast %add3A_177 : vector<16xi32> to vector<1x16xi32>
      tpu.vector_store %arg10[%swap3A_178, %swap3A_179], %swap3A_182 {strides = array<i32>} : memref<24x128xi32, #tpu.memory_space<vmem>>, vector<1x16xi32>,
      %get3A_183 = arith.index_cast %scan3A_93 : i32 to index
      %get3A_184 = arith.constant 112 : index
      %get3A_185 = tpu.vector_load %arg10[%get3A_183, %get3A_184] {strides = array<i32>} : memref<24x128xi32, #tpu.memory_space<vmem>>, vector<1x16xi32>,
      %get3A_186 = vector.shape_cast %get3A_185 : vector<1x16xi32> to vector<16xi32>
      %add3A_187 = arith.addi %get3A_186, %get3A_113 : vector<16xi32>
      %swap3A_188 = arith.index_cast %scan3A_93 : i32 to index
      %swap3A_189 = arith.constant 112 : index
      %swap3A_190 = tpu.vector_load %arg10[%swap3A_188, %swap3A_189] {strides = array<i32>} : memref<24x128xi32, #tpu.memory_space<vmem>>, vector<1x16xi32>,
      %swap3A_191 = vector.shape_cast %swap3A_190 : vector<1x16xi32> to vector<16xi32>
      %swap3A_192 = vector.shape_cast %add3A_187 : vector<16xi32> to vector<1x16xi32>
      tpu.vector_store %arg10[%swap3A_188, %swap3A_189], %swap3A_192 {strides = array<i32>} : memref<24x128xi32, #tpu.memory_space<vmem>>, vector<1x16xi32>,
    }
    %scan3A_5 = arith.constant 24 : i32
    %scan3A_6 = arith.constant 0 : i32
    %scan3A_7 = arith.constant 0 : i32
    %scan3A_8 = arith.constant 24 : i32
    %scan3A_9 = arith.addi %scan3A_7, %scan3A_8 : i32
    %scan3A_10 = arith.constant 1 : i32
    scf.for %scan3A_93 = %scan3A_7 to %scan3A_9 step %scan3A_10  : i32 {
      %dma_start3A = arith.constant 0 : i32
      %dma_start3A_94 = tpu.memref_slice %arg11[%scan3A_93, %dma_start3A] : memref<24x128xf32, #tpu.memory_space<vmem>> -> memref<1x128xf32, #tpu.memory_space<vmem>>
      %dma_start3A_95 = tpu.memref_squeeze %dma_start3A_94 : memref<1x128xf32, #tpu.memory_space<vmem>> -> memref<128xf32, #tpu.memory_space<vmem>>
      %dma_start3A_96 = arith.constant 0 : i32
      %dma_start3A_97 = tpu.memref_slice %arg10[%scan3A_93, %dma_start3A_96] : memref<24x128xi32, #tpu.memory_space<vmem>> -> memref<1x128xi32, #tpu.memory_space<vmem>>
      %dma_start3A_98 = tpu.memref_squeeze %dma_start3A_97 : memref<1x128xi32, #tpu.memory_space<vmem>> -> memref<128xi32, #tpu.memory_space<vmem>>
      %dma_start3A_99 = arith.constant 0 : i32
      %dma_start3A_100 = tpu.memref_slice %arg6[%dma_start3A_99] : memref<600000xf32, #tpu.memory_space<hbm>> -> memref<600000xf32, #tpu.memory_space<hbm>>
      tpu.enqueue_indirect_dma source(%dma_start3A_100 : memref<600000xf32, #tpu.memory_space<hbm>>) target(%dma_start3A_95 : memref<128xf32, #tpu.memory_space<vmem>>) offsets(%dma_start3A_98 : memref<128xi32, #tpu.memory_space<vmem>>) semaphore(%arg17 : memref<!tpu.dma_semaphore, #tpu.memory_space<semaphore_mem>>)
    }
    %scan3A_11 = arith.constant 24 : i32
    "tpu.region"() ({
      %run_scoped3A = tpu.sem_alloc : memref<!tpu.dma_semaphore, #tpu.memory_space<semaphore_mem>>
      %dma_start3A = arith.constant 0 : i32
      %dma_start3A_93 = arith.constant 0 : i32
      %dma_start3A_94 = tpu.memref_slice %arg8[%add3A, %dma_start3A, %dma_start3A_93] : memref<32x13x512xf32, #tpu.memory_space<hbm>> -> memref<1x13x512xf32, #tpu.memory_space<hbm>>
      %dma_start3A_95 = tpu.memref_squeeze %dma_start3A_94 : memref<1x13x512xf32, #tpu.memory_space<hbm>> -> memref<13x512xf32, #tpu.memory_space<hbm>>
      %dma_start3A_96 = arith.constant 0 : i32
      %dma_start3A_97 = arith.constant 0 : i32
      %dma_start3A_98 = tpu.memref_slice %arg8[%add3A, %dma_start3A_96, %dma_start3A_97] : memref<32x13x512xf32, #tpu.memory_space<hbm>> -> memref<1x13x512xf32, #tpu.memory_space<hbm>>
      %dma_start3A_99 = tpu.memref_squeeze %dma_start3A_98 : memref<1x13x512xf32, #tpu.memory_space<hbm>> -> memref<13x512xf32, #tpu.memory_space<hbm>>
      tpu.enqueue_dma source(%dma_start3A_99 : memref<13x512xf32, #tpu.memory_space<hbm>>) target(%arg12 : memref<13x512xf32, #tpu.memory_space<vmem>>) target_semaphore(%run_scoped3A : memref<!tpu.dma_semaphore, #tpu.memory_space<semaphore_mem>>)
      %dma_wait3A = arith.constant 0 : i32
      %dma_wait3A_100 = arith.constant 0 : i32
      %dma_wait3A_101 = tpu.memref_slice %arg8[%add3A, %dma_wait3A, %dma_wait3A_100] : memref<32x13x512xf32, #tpu.memory_space<hbm>> -> memref<1x13x512xf32, #tpu.memory_space<hbm>>
      %dma_wait3A_102 = tpu.memref_squeeze %dma_wait3A_101 : memref<1x13x512xf32, #tpu.memory_space<hbm>> -> memref<13x512xf32, #tpu.memory_space<hbm>>
      %dma_wait3A_103 = arith.constant 0 : i32
      %dma_wait3A_104 = arith.constant 0 : i32
      %dma_wait3A_105 = tpu.memref_slice %arg8[%add3A, %dma_wait3A_103, %dma_wait3A_104] : memref<32x13x512xf32, #tpu.memory_space<hbm>> -> memref<1x13x512xf32, #tpu.memory_space<hbm>>
      %dma_wait3A_106 = tpu.memref_squeeze %dma_wait3A_105 : memref<1x13x512xf32, #tpu.memory_space<hbm>> -> memref<13x512xf32, #tpu.memory_space<hbm>>
      tpu.wait_dma2 semaphore(%run_scoped3A : memref<!tpu.dma_semaphore, #tpu.memory_space<semaphore_mem>>) src(%dma_wait3A_106 : memref<13x512xf32, #tpu.memory_space<hbm>>) dst(%arg12 : memref<13x512xf32, #tpu.memory_space<vmem>>)
      tpu.yield
    }) : () -> ()
    "tpu.region"() ({
      %run_scoped3A = tpu.sem_alloc : memref<!tpu.dma_semaphore, #tpu.memory_space<semaphore_mem>>
      tpu.enqueue_dma source(%arg3 : memref<13x16xf32, #tpu.memory_space<hbm>>) target(%arg13 : memref<13x16xf32, #tpu.memory_space<vmem>>) target_semaphore(%run_scoped3A : memref<!tpu.dma_semaphore, #tpu.memory_space<semaphore_mem>>)
      tpu.wait_dma2 semaphore(%run_scoped3A : memref<!tpu.dma_semaphore, #tpu.memory_space<semaphore_mem>>) src(%arg3 : memref<13x16xf32, #tpu.memory_space<hbm>>) dst(%arg13 : memref<13x16xf32, #tpu.memory_space<vmem>>)
      tpu.yield
    }) : () -> ()
    "tpu.region"() ({
      %run_scoped3A = tpu.sem_alloc : memref<!tpu.dma_semaphore, #tpu.memory_space<semaphore_mem>>
      tpu.enqueue_dma source(%arg4 : memref<16xf32, #tpu.memory_space<hbm>>) target(%arg14 : memref<16xf32, #tpu.memory_space<vmem>>) target_semaphore(%run_scoped3A : memref<!tpu.dma_semaphore, #tpu.memory_space<semaphore_mem>>)
      tpu.wait_dma2 semaphore(%run_scoped3A : memref<!tpu.dma_semaphore, #tpu.memory_space<semaphore_mem>>) src(%arg4 : memref<16xf32, #tpu.memory_space<hbm>>) dst(%arg14 : memref<16xf32, #tpu.memory_space<vmem>>)
      tpu.yield
    }) : () -> ()
    %get3A = arith.constant 0 : i32
    %get3A_12 = arith.index_cast %get3A : i32 to index
    %get3A_13 = arith.constant 0 : index
    %get3A_14 = tpu.vector_load %arg13[%get3A_12, %get3A_13] {strides = array<i32>} : memref<13x16xf32, #tpu.memory_space<vmem>>, vector<1x16xf32>,
    %get3A_15 = vector.shape_cast %get3A_14 : vector<1x16xf32> to vector<16xf32>
    %get3A_16 = arith.constant 1 : i32
    %get3A_17 = arith.index_cast %get3A_16 : i32 to index
    %get3A_18 = arith.constant 0 : index
    %get3A_19 = tpu.vector_load %arg13[%get3A_17, %get3A_18] {strides = array<i32>} : memref<13x16xf32, #tpu.memory_space<vmem>>, vector<1x16xf32>,
    %get3A_20 = vector.shape_cast %get3A_19 : vector<1x16xf32> to vector<16xf32>
    %get3A_21 = arith.constant 2 : i32
    %get3A_22 = arith.index_cast %get3A_21 : i32 to index
    %get3A_23 = arith.constant 0 : index
    %get3A_24 = tpu.vector_load %arg13[%get3A_22, %get3A_23] {strides = array<i32>} : memref<13x16xf32, #tpu.memory_space<vmem>>, vector<1x16xf32>,
    %get3A_25 = vector.shape_cast %get3A_24 : vector<1x16xf32> to vector<16xf32>
    %get3A_26 = arith.constant 3 : i32
    %get3A_27 = arith.index_cast %get3A_26 : i32 to index
    %get3A_28 = arith.constant 0 : index
    %get3A_29 = tpu.vector_load %arg13[%get3A_27, %get3A_28] {strides = array<i32>} : memref<13x16xf32, #tpu.memory_space<vmem>>, vector<1x16xf32>,
    %get3A_30 = vector.shape_cast %get3A_29 : vector<1x16xf32> to vector<16xf32>
    %get3A_31 = arith.constant 4 : i32
    %get3A_32 = arith.index_cast %get3A_31 : i32 to index
    %get3A_33 = arith.constant 0 : index
    %get3A_34 = tpu.vector_load %arg13[%get3A_32, %get3A_33] {strides = array<i32>} : memref<13x16xf32, #tpu.memory_space<vmem>>, vector<1x16xf32>,
    %get3A_35 = vector.shape_cast %get3A_34 : vector<1x16xf32> to vector<16xf32>
    %get3A_36 = arith.constant 5 : i32
    %get3A_37 = arith.index_cast %get3A_36 : i32 to index
    %get3A_38 = arith.constant 0 : index
    %get3A_39 = tpu.vector_load %arg13[%get3A_37, %get3A_38] {strides = array<i32>} : memref<13x16xf32, #tpu.memory_space<vmem>>, vector<1x16xf32>,
    %get3A_40 = vector.shape_cast %get3A_39 : vector<1x16xf32> to vector<16xf32>
    %get3A_41 = arith.constant 6 : i32
    %get3A_42 = arith.index_cast %get3A_41 : i32 to index
    %get3A_43 = arith.constant 0 : index
    %get3A_44 = tpu.vector_load %arg13[%get3A_42, %get3A_43] {strides = array<i32>} : memref<13x16xf32, #tpu.memory_space<vmem>>, vector<1x16xf32>,
    %get3A_45 = vector.shape_cast %get3A_44 : vector<1x16xf32> to vector<16xf32>
    %get3A_46 = arith.constant 7 : i32
    %get3A_47 = arith.index_cast %get3A_46 : i32 to index
    %get3A_48 = arith.constant 0 : index
    %get3A_49 = tpu.vector_load %arg13[%get3A_47, %get3A_48] {strides = array<i32>} : memref<13x16xf32, #tpu.memory_space<vmem>>, vector<1x16xf32>,
    %get3A_50 = vector.shape_cast %get3A_49 : vector<1x16xf32> to vector<16xf32>
    %get3A_51 = arith.constant 8 : i32
    %get3A_52 = arith.index_cast %get3A_51 : i32 to index
    %get3A_53 = arith.constant 0 : index
    %get3A_54 = tpu.vector_load %arg13[%get3A_52, %get3A_53] {strides = array<i32>} : memref<13x16xf32, #tpu.memory_space<vmem>>, vector<1x16xf32>,
    %get3A_55 = vector.shape_cast %get3A_54 : vector<1x16xf32> to vector<16xf32>
    %get3A_56 = arith.constant 9 : i32
    %get3A_57 = arith.index_cast %get3A_56 : i32 to index
    %get3A_58 = arith.constant 0 : index
    %get3A_59 = tpu.vector_load %arg13[%get3A_57, %get3A_58] {strides = array<i32>} : memref<13x16xf32, #tpu.memory_space<vmem>>, vector<1x16xf32>,
    %get3A_60 = vector.shape_cast %get3A_59 : vector<1x16xf32> to vector<16xf32>
    %get3A_61 = arith.constant 10 : i32
    %get3A_62 = arith.index_cast %get3A_61 : i32 to index
    %get3A_63 = arith.constant 0 : index
    %get3A_64 = tpu.vector_load %arg13[%get3A_62, %get3A_63] {strides = array<i32>} : memref<13x16xf32, #tpu.memory_space<vmem>>, vector<1x16xf32>,
    %get3A_65 = vector.shape_cast %get3A_64 : vector<1x16xf32> to vector<16xf32>
    %get3A_66 = arith.constant 11 : i32
    %get3A_67 = arith.index_cast %get3A_66 : i32 to index
    %get3A_68 = arith.constant 0 : index
    %get3A_69 = tpu.vector_load %arg13[%get3A_67, %get3A_68] {strides = array<i32>} : memref<13x16xf32, #tpu.memory_space<vmem>>, vector<1x16xf32>,
    %get3A_70 = vector.shape_cast %get3A_69 : vector<1x16xf32> to vector<16xf32>
    %get3A_71 = arith.constant 12 : i32
    %get3A_72 = arith.index_cast %get3A_71 : i32 to index
    %get3A_73 = arith.constant 0 : index
    %get3A_74 = tpu.vector_load %arg13[%get3A_72, %get3A_73] {strides = array<i32>} : memref<13x16xf32, #tpu.memory_space<vmem>>, vector<1x16xf32>,
    %get3A_75 = vector.shape_cast %get3A_74 : vector<1x16xf32> to vector<16xf32>
    %get3A_76 = arith.constant 0 : index
    %get3A_77 = tpu.vector_load %arg14[%get3A_76] {strides = array<i32>} : memref<16xf32, #tpu.memory_space<vmem>>, vector<16xf32>,
    %get3A_78 = vector.shape_cast %get3A_77 : vector<16xf32> to vector<16xf32>
    %scan3A_79 = arith.constant 0 : i32
    %scan3A_80 = arith.constant 0 : i32
    %scan3A_81 = arith.constant 32 : i32
    %scan3A_82 = arith.addi %scan3A_80, %scan3A_81 : i32
    %scan3A_83 = arith.constant 1 : i32
    scf.for %scan3A_93 = %scan3A_80 to %scan3A_82 step %scan3A_83  : i32 {
      %mul3A_94 = arith.constant 16 : i32
      %mul3A_95 = arith.muli %scan3A_93, %mul3A_94 : i32
      %get3A_96 = arith.constant 0 : i32
      %get3A_97 = arith.index_cast %get3A_96 : i32 to index
      %get3A_98 = arith.index_cast %mul3A_95 : i32 to index
      %get3A_99 = tpu.vector_load %arg12[%get3A_97, %get3A_98] {strides = array<i32>} : memref<13x512xf32, #tpu.memory_space<vmem>>, vector<1x16xf32>,
      %get3A_100 = vector.shape_cast %get3A_99 : vector<1x16xf32> to vector<16xf32>
      %mul3A_101 = arith.mulf %get3A_100, %get3A_15 : vector<16xf32>
      %add3A_102 = arith.addf %get3A_78, %mul3A_101 : vector<16xf32>
      %mul3A_103 = arith.constant 16 : i32
      %mul3A_104 = arith.muli %scan3A_93, %mul3A_103 : i32
      %get3A_105 = arith.constant 1 : i32
      %get3A_106 = arith.index_cast %get3A_105 : i32 to index
      %get3A_107 = arith.index_cast %mul3A_104 : i32 to index
      %get3A_108 = tpu.vector_load %arg12[%get3A_106, %get3A_107] {strides = array<i32>} : memref<13x512xf32, #tpu.memory_space<vmem>>, vector<1x16xf32>,
      %get3A_109 = vector.shape_cast %get3A_108 : vector<1x16xf32> to vector<16xf32>
      %mul3A_110 = arith.mulf %get3A_109, %get3A_20 : vector<16xf32>
      %add3A_111 = arith.addf %add3A_102, %mul3A_110 : vector<16xf32>
      %mul3A_112 = arith.constant 16 : i32
      %mul3A_113 = arith.muli %scan3A_93, %mul3A_112 : i32
      %get3A_114 = arith.constant 2 : i32
      %get3A_115 = arith.index_cast %get3A_114 : i32 to index
      %get3A_116 = arith.index_cast %mul3A_113 : i32 to index
      %get3A_117 = tpu.vector_load %arg12[%get3A_115, %get3A_116] {strides = array<i32>} : memref<13x512xf32, #tpu.memory_space<vmem>>, vector<1x16xf32>,
      %get3A_118 = vector.shape_cast %get3A_117 : vector<1x16xf32> to vector<16xf32>
      %mul3A_119 = arith.mulf %get3A_118, %get3A_25 : vector<16xf32>
      %add3A_120 = arith.addf %add3A_111, %mul3A_119 : vector<16xf32>
      %mul3A_121 = arith.constant 16 : i32
      %mul3A_122 = arith.muli %scan3A_93, %mul3A_121 : i32
      %get3A_123 = arith.constant 3 : i32
      %get3A_124 = arith.index_cast %get3A_123 : i32 to index
      %get3A_125 = arith.index_cast %mul3A_122 : i32 to index
      %get3A_126 = tpu.vector_load %arg12[%get3A_124, %get3A_125] {strides = array<i32>} : memref<13x512xf32, #tpu.memory_space<vmem>>, vector<1x16xf32>,
      %get3A_127 = vector.shape_cast %get3A_126 : vector<1x16xf32> to vector<16xf32>
      %mul3A_128 = arith.mulf %get3A_127, %get3A_30 : vector<16xf32>
      %add3A_129 = arith.addf %add3A_120, %mul3A_128 : vector<16xf32>
      %mul3A_130 = arith.constant 16 : i32
      %mul3A_131 = arith.muli %scan3A_93, %mul3A_130 : i32
      %get3A_132 = arith.constant 4 : i32
      %get3A_133 = arith.index_cast %get3A_132 : i32 to index
      %get3A_134 = arith.index_cast %mul3A_131 : i32 to index
      %get3A_135 = tpu.vector_load %arg12[%get3A_133, %get3A_134] {strides = array<i32>} : memref<13x512xf32, #tpu.memory_space<vmem>>, vector<1x16xf32>,
      %get3A_136 = vector.shape_cast %get3A_135 : vector<1x16xf32> to vector<16xf32>
      %mul3A_137 = arith.mulf %get3A_136, %get3A_35 : vector<16xf32>
      %add3A_138 = arith.addf %add3A_129, %mul3A_137 : vector<16xf32>
      %mul3A_139 = arith.constant 16 : i32
      %mul3A_140 = arith.muli %scan3A_93, %mul3A_139 : i32
      %get3A_141 = arith.constant 5 : i32
      %get3A_142 = arith.index_cast %get3A_141 : i32 to index
      %get3A_143 = arith.index_cast %mul3A_140 : i32 to index
      %get3A_144 = tpu.vector_load %arg12[%get3A_142, %get3A_143] {strides = array<i32>} : memref<13x512xf32, #tpu.memory_space<vmem>>, vector<1x16xf32>,
      %get3A_145 = vector.shape_cast %get3A_144 : vector<1x16xf32> to vector<16xf32>
      %mul3A_146 = arith.mulf %get3A_145, %get3A_40 : vector<16xf32>
      %add3A_147 = arith.addf %add3A_138, %mul3A_146 : vector<16xf32>
      %mul3A_148 = arith.constant 16 : i32
      %mul3A_149 = arith.muli %scan3A_93, %mul3A_148 : i32
      %get3A_150 = arith.constant 6 : i32
      %get3A_151 = arith.index_cast %get3A_150 : i32 to index
      %get3A_152 = arith.index_cast %mul3A_149 : i32 to index
      %get3A_153 = tpu.vector_load %arg12[%get3A_151, %get3A_152] {strides = array<i32>} : memref<13x512xf32, #tpu.memory_space<vmem>>, vector<1x16xf32>,
      %get3A_154 = vector.shape_cast %get3A_153 : vector<1x16xf32> to vector<16xf32>
      %mul3A_155 = arith.mulf %get3A_154, %get3A_45 : vector<16xf32>
      %add3A_156 = arith.addf %add3A_147, %mul3A_155 : vector<16xf32>
      %mul3A_157 = arith.constant 16 : i32
      %mul3A_158 = arith.muli %scan3A_93, %mul3A_157 : i32
      %get3A_159 = arith.constant 7 : i32
      %get3A_160 = arith.index_cast %get3A_159 : i32 to index
      %get3A_161 = arith.index_cast %mul3A_158 : i32 to index
      %get3A_162 = tpu.vector_load %arg12[%get3A_160, %get3A_161] {strides = array<i32>} : memref<13x512xf32, #tpu.memory_space<vmem>>, vector<1x16xf32>,
      %get3A_163 = vector.shape_cast %get3A_162 : vector<1x16xf32> to vector<16xf32>
      %mul3A_164 = arith.mulf %get3A_163, %get3A_50 : vector<16xf32>
      %add3A_165 = arith.addf %add3A_156, %mul3A_164 : vector<16xf32>
      %mul3A_166 = arith.constant 16 : i32
      %mul3A_167 = arith.muli %scan3A_93, %mul3A_166 : i32
      %get3A_168 = arith.constant 8 : i32
      %get3A_169 = arith.index_cast %get3A_168 : i32 to index
      %get3A_170 = arith.index_cast %mul3A_167 : i32 to index
      %get3A_171 = tpu.vector_load %arg12[%get3A_169, %get3A_170] {strides = array<i32>} : memref<13x512xf32, #tpu.memory_space<vmem>>, vector<1x16xf32>,
      %get3A_172 = vector.shape_cast %get3A_171 : vector<1x16xf32> to vector<16xf32>
      %mul3A_173 = arith.mulf %get3A_172, %get3A_55 : vector<16xf32>
      %add3A_174 = arith.addf %add3A_165, %mul3A_173 : vector<16xf32>
      %mul3A_175 = arith.constant 16 : i32
      %mul3A_176 = arith.muli %scan3A_93, %mul3A_175 : i32
      %get3A_177 = arith.constant 9 : i32
      %get3A_178 = arith.index_cast %get3A_177 : i32 to index
      %get3A_179 = arith.index_cast %mul3A_176 : i32 to index
      %get3A_180 = tpu.vector_load %arg12[%get3A_178, %get3A_179] {strides = array<i32>} : memref<13x512xf32, #tpu.memory_space<vmem>>, vector<1x16xf32>,
      %get3A_181 = vector.shape_cast %get3A_180 : vector<1x16xf32> to vector<16xf32>
      %mul3A_182 = arith.mulf %get3A_181, %get3A_60 : vector<16xf32>
      %add3A_183 = arith.addf %add3A_174, %mul3A_182 : vector<16xf32>
      %mul3A_184 = arith.constant 16 : i32
      %mul3A_185 = arith.muli %scan3A_93, %mul3A_184 : i32
      %get3A_186 = arith.constant 10 : i32
      %get3A_187 = arith.index_cast %get3A_186 : i32 to index
      %get3A_188 = arith.index_cast %mul3A_185 : i32 to index
      %get3A_189 = tpu.vector_load %arg12[%get3A_187, %get3A_188] {strides = array<i32>} : memref<13x512xf32, #tpu.memory_space<vmem>>, vector<1x16xf32>,
      %get3A_190 = vector.shape_cast %get3A_189 : vector<1x16xf32> to vector<16xf32>
      %mul3A_191 = arith.mulf %get3A_190, %get3A_65 : vector<16xf32>
      %add3A_192 = arith.addf %add3A_183, %mul3A_191 : vector<16xf32>
      %mul3A_193 = arith.constant 16 : i32
      %mul3A_194 = arith.muli %scan3A_93, %mul3A_193 : i32
      %get3A_195 = arith.constant 11 : i32
      %get3A_196 = arith.index_cast %get3A_195 : i32 to index
      %get3A_197 = arith.index_cast %mul3A_194 : i32 to index
      %get3A_198 = tpu.vector_load %arg12[%get3A_196, %get3A_197] {strides = array<i32>} : memref<13x512xf32, #tpu.memory_space<vmem>>, vector<1x16xf32>,
      %get3A_199 = vector.shape_cast %get3A_198 : vector<1x16xf32> to vector<16xf32>
      %mul3A_200 = arith.mulf %get3A_199, %get3A_70 : vector<16xf32>
      %add3A_201 = arith.addf %add3A_192, %mul3A_200 : vector<16xf32>
      %mul3A_202 = arith.constant 16 : i32
      %mul3A_203 = arith.muli %scan3A_93, %mul3A_202 : i32
      %get3A_204 = arith.constant 12 : i32
      %get3A_205 = arith.index_cast %get3A_204 : i32 to index
      %get3A_206 = arith.index_cast %mul3A_203 : i32 to index
      %get3A_207 = tpu.vector_load %arg12[%get3A_205, %get3A_206] {strides = array<i32>} : memref<13x512xf32, #tpu.memory_space<vmem>>, vector<1x16xf32>,
      %get3A_208 = vector.shape_cast %get3A_207 : vector<1x16xf32> to vector<16xf32>
      %mul3A_209 = arith.mulf %get3A_208, %get3A_75 : vector<16xf32>
      %add3A_210 = arith.addf %add3A_201, %mul3A_209 : vector<16xf32>
      %mul3A_211 = arith.constant 16 : i32
      %mul3A_212 = arith.muli %scan3A_93, %mul3A_211 : i32
      %swap3A = arith.index_cast %mul3A_212 : i32 to index
      %swap3A_213 = tpu.vector_load %arg16[%swap3A] {strides = array<i32>} : memref<512xf32, #tpu.memory_space<vmem>>, vector<16xf32>,
      %swap3A_214 = vector.shape_cast %swap3A_213 : vector<16xf32> to vector<16xf32>
      %swap3A_215 = vector.shape_cast %add3A_210 : vector<16xf32> to vector<16xf32>
      tpu.vector_store %arg16[%swap3A], %swap3A_215 {strides = array<i32>} : memref<512xf32, #tpu.memory_space<vmem>>, vector<16xf32>,
    }
    %scan3A_84 = arith.constant 32 : i32
    tpu.wait_dma2 semaphore(%arg17 : memref<!tpu.dma_semaphore, #tpu.memory_space<semaphore_mem>>) src(%arg7 : memref<24x128xf32, #tpu.memory_space<hbm>>) dst(%arg11 : memref<24x128xf32, #tpu.memory_space<vmem>>)
    %scan3A_85 = arith.constant 0 : i32
    %scan3A_86 = arith.constant 0 : i32
    %scan3A_87 = arith.constant 32 : i32
    %scan3A_88 = arith.addi %scan3A_86, %scan3A_87 : i32
    %scan3A_89 = arith.constant 1 : i32
    scf.for %scan3A_93 = %scan3A_86 to %scan3A_88 step %scan3A_89  : i32 {
      %jit3A = arith.constant 8 : i32
      %div3A = arith.divsi %scan3A_93, %jit3A : i32
      %sign3A = arith.constant 0 : i32
      %sign3A_94 = arith.cmpi sgt, %scan3A_93, %sign3A : i32
      %sign3A_95 = arith.extui %sign3A_94 : i1 to i32
      %sign3A_96 = arith.constant 0 : i32
      %sign3A_97 = arith.cmpi slt, %scan3A_93, %sign3A_96 : i32
      %sign3A_98 = arith.extui %sign3A_97 : i1 to i32
      %sign3A_99 = arith.subi %sign3A_95, %sign3A_98 : i32
      %sign3A_100 = arith.constant 0 : i32
      %sign3A_101 = arith.cmpi sgt, %jit3A, %sign3A_100 : i32
      %sign3A_102 = arith.extui %sign3A_101 : i1 to i32
      %sign3A_103 = arith.constant 0 : i32
      %sign3A_104 = arith.cmpi slt, %jit3A, %sign3A_103 : i32
      %sign3A_105 = arith.extui %sign3A_104 : i1 to i32
      %sign3A_106 = arith.subi %sign3A_102, %sign3A_105 : i32
      %ne3A = arith.cmpi ne, %sign3A_99, %sign3A_106 : i32
      %rem3A = arith.remsi %scan3A_93, %jit3A : i32
      %ne3A_107 = arith.constant 0 : i32
      %ne3A_108 = arith.cmpi ne, %rem3A, %ne3A_107 : i32
      %and3A = arith.andi %ne3A, %ne3A_108 : i1
      %sub3A = arith.constant 1 : i32
      %sub3A_109 = arith.subi %div3A, %sub3A : i32
      %select_n3A = arith.select %and3A, %sub3A_109, %div3A : i32
      %jit3A_110 = arith.constant 8 : i32
      %eq3A = arith.constant 0 : i32
      %eq3A_111 = arith.cmpi eq, %jit3A_110, %eq3A : i32
      %jit3A_112 = arith.constant 1 : i32
      %select_n3A_113 = arith.select %eq3A_111, %jit3A_112, %jit3A_110 : i32
      %rem3A_114 = arith.remsi %scan3A_93, %select_n3A_113 : i32
      %ne3A_115 = arith.constant 0 : i32
      %ne3A_116 = arith.cmpi ne, %rem3A_114, %ne3A_115 : i32
      %lt3A = arith.constant 0 : i32
      %lt3A_117 = arith.cmpi slt, %rem3A_114, %lt3A : i32
      %lt3A_118 = arith.constant 0 : i32
      %lt3A_119 = arith.cmpi slt, %select_n3A_113, %lt3A_118 : i32
      %ne3A_120 = arith.xori %lt3A_117, %lt3A_119 : i1
      %and3A_121 = arith.andi %ne3A_120, %ne3A_116 : i1
      %add3A_122 = arith.addi %rem3A_114, %select_n3A_113 : i32
      %select_n3A_123 = arith.select %and3A_121, %add3A_122, %rem3A_114 : i32
      %mul3A_124 = arith.constant 16 : i32
      %mul3A_125 = arith.muli %select_n3A_123, %mul3A_124 : i32
      %mul3A_126 = arith.constant 16 : i32
      %mul3A_127 = arith.muli %scan3A_93, %mul3A_126 : i32
      %get3A_128 = arith.index_cast %mul3A_127 : i32 to index
      %get3A_129 = tpu.vector_load %arg16[%get3A_128] {strides = array<i32>} : memref<512xf32, #tpu.memory_space<vmem>>, vector<16xf32>,
      %get3A_130 = vector.shape_cast %get3A_129 : vector<16xf32> to vector<16xf32>
      %add3A_131 = arith.constant 0 : i32
      %add3A_132 = arith.addi %add3A_131, %select_n3A : i32
      %get3A_133 = arith.index_cast %add3A_132 : i32 to index
      %get3A_134 = arith.index_cast %mul3A_125 : i32 to index
      %get3A_135 = tpu.vector_load %arg11[%get3A_133, %get3A_134] {strides = array<i32>} : memref<24x128xf32, #tpu.memory_space<vmem>>, vector<1x16xf32>,
      %get3A_136 = vector.shape_cast %get3A_135 : vector<1x16xf32> to vector<16xf32>
      %add3A_137 = arith.addf %get3A_130, %get3A_136 : vector<16xf32>
      %add3A_138 = arith.constant 4 : i32
      %add3A_139 = arith.addi %add3A_138, %select_n3A : i32
      %get3A_140 = arith.index_cast %add3A_139 : i32 to index
      %get3A_141 = arith.index_cast %mul3A_125 : i32 to index
      %get3A_142 = tpu.vector_load %arg11[%get3A_140, %get3A_141] {strides = array<i32>} : memref<24x128xf32, #tpu.memory_space<vmem>>, vector<1x16xf32>,
      %get3A_143 = vector.shape_cast %get3A_142 : vector<1x16xf32> to vector<16xf32>
      %add3A_144 = arith.addf %add3A_137, %get3A_143 : vector<16xf32>
      %add3A_145 = arith.constant 8 : i32
      %add3A_146 = arith.addi %add3A_145, %select_n3A : i32
      %get3A_147 = arith.index_cast %add3A_146 : i32 to index
      %get3A_148 = arith.index_cast %mul3A_125 : i32 to index
      %get3A_149 = tpu.vector_load %arg11[%get3A_147, %get3A_148] {strides = array<i32>} : memref<24x128xf32, #tpu.memory_space<vmem>>, vector<1x16xf32>,
      %get3A_150 = vector.shape_cast %get3A_149 : vector<1x16xf32> to vector<16xf32>
      %add3A_151 = arith.addf %add3A_144, %get3A_150 : vector<16xf32>
      %add3A_152 = arith.constant 12 : i32
      %add3A_153 = arith.addi %add3A_152, %select_n3A : i32
      %get3A_154 = arith.index_cast %add3A_153 : i32 to index
      %get3A_155 = arith.index_cast %mul3A_125 : i32 to index
      %get3A_156 = tpu.vector_load %arg11[%get3A_154, %get3A_155] {strides = array<i32>} : memref<24x128xf32, #tpu.memory_space<vmem>>, vector<1x16xf32>,
      %get3A_157 = vector.shape_cast %get3A_156 : vector<1x16xf32> to vector<16xf32>
      %add3A_158 = arith.addf %add3A_151, %get3A_157 : vector<16xf32>
      %add3A_159 = arith.constant 16 : i32
      %add3A_160 = arith.addi %add3A_159, %select_n3A : i32
      %get3A_161 = arith.index_cast %add3A_160 : i32 to index
      %get3A_162 = arith.index_cast %mul3A_125 : i32 to index
      %get3A_163 = tpu.vector_load %arg11[%get3A_161, %get3A_162] {strides = array<i32>} : memref<24x128xf32, #tpu.memory_space<vmem>>, vector<1x16xf32>,
      %get3A_164 = vector.shape_cast %get3A_163 : vector<1x16xf32> to vector<16xf32>
      %add3A_165 = arith.addf %add3A_158, %get3A_164 : vector<16xf32>
      %add3A_166 = arith.constant 20 : i32
      %add3A_167 = arith.addi %add3A_166, %select_n3A : i32
      %get3A_168 = arith.index_cast %add3A_167 : i32 to index
      %get3A_169 = arith.index_cast %mul3A_125 : i32 to index
      %get3A_170 = tpu.vector_load %arg11[%get3A_168, %get3A_169] {strides = array<i32>} : memref<24x128xf32, #tpu.memory_space<vmem>>, vector<1x16xf32>,
      %get3A_171 = vector.shape_cast %get3A_170 : vector<1x16xf32> to vector<16xf32>
      %add3A_172 = arith.addf %add3A_165, %get3A_171 : vector<16xf32>
      %mul3A_173 = arith.constant 16 : i32
      %mul3A_174 = arith.muli %scan3A_93, %mul3A_173 : i32
      %swap3A = arith.index_cast %mul3A_174 : i32 to index
      %swap3A_175 = tpu.vector_load %arg16[%swap3A] {strides = array<i32>} : memref<512xf32, #tpu.memory_space<vmem>>, vector<16xf32>,
      %swap3A_176 = vector.shape_cast %swap3A_175 : vector<16xf32> to vector<16xf32>
      %swap3A_177 = vector.shape_cast %add3A_172 : vector<16xf32> to vector<16xf32>
      tpu.vector_store %arg16[%swap3A], %swap3A_177 {strides = array<i32>} : memref<512xf32, #tpu.memory_space<vmem>>, vector<16xf32>,
    }
    %scan3A_90 = arith.constant 32 : i32
    %mul3A_91 = arith.constant 512 : i32
    %mul3A_92 = arith.muli %add3A, %mul3A_91 : i32
    "tpu.region"() ({
      %run_scoped3A = tpu.sem_alloc : memref<!tpu.dma_semaphore, #tpu.memory_space<semaphore_mem>>
      %dma_start3A = tpu.memref_slice %arg9[%mul3A_92] : memref<16384xf32, #tpu.memory_space<hbm>> -> memref<512xf32, #tpu.memory_space<hbm>>
      %dma_start3A_93 = tpu.memref_slice %arg9[%mul3A_92] : memref<16384xf32, #tpu.memory_space<hbm>> -> memref<512xf32, #tpu.memory_space<hbm>>
      tpu.enqueue_dma source(%arg16 : memref<512xf32, #tpu.memory_space<vmem>>) target(%dma_start3A_93 : memref<512xf32, #tpu.memory_space<hbm>>) target_semaphore(%run_scoped3A : memref<!tpu.dma_semaphore, #tpu.memory_space<semaphore_mem>>)
      %dma_wait3A = tpu.memref_slice %arg9[%mul3A_92] : memref<16384xf32, #tpu.memory_space<hbm>> -> memref<512xf32, #tpu.memory_space<hbm>>
      %dma_wait3A_94 = tpu.memref_slice %arg9[%mul3A_92] : memref<16384xf32, #tpu.memory_space<hbm>> -> memref<512xf32, #tpu.memory_space<hbm>>
      tpu.wait_dma2 semaphore(%run_scoped3A : memref<!tpu.dma_semaphore, #tpu.memory_space<semaphore_mem>>) src(%arg16 : memref<512xf32, #tpu.memory_space<vmem>>) dst(%dma_wait3A_94 : memref<512xf32, #tpu.memory_space<hbm>>)
      tpu.yield
    }) : () -> ()
    return
  }
}

#map = affine_map<(d0, d1) -> (0, 0, 0)>
#map1 = affine_map<(d0, d1) -> (0, 0)>
#map2 = affine_map<(d0, d1) -> (0)>
module attributes {stable_mosaic.version = 14 : i64} {
  func.func @_body(%arg0: i32, %arg1: i32, %arg2: memref<32x24x128xi32, #tpu.memory_space<hbm>>, %arg3: memref<13x16xf32, #tpu.memory_space<hbm>>, %arg4: memref<16xf32, #tpu.memory_space<hbm>>, %arg5: memref<6x16xi32, #tpu.memory_space<hbm>>, %arg6: memref<600000xf32, #tpu.memory_space<hbm>>, %arg7: memref<24x128xf32, #tpu.memory_space<hbm>>, %arg8: memref<32x13x512xf32, #tpu.memory_space<hbm>>, %arg9: memref<16384xf32, #tpu.memory_space<hbm>>, %arg10: memref<24x128xi32, #tpu.memory_space<vmem>>, %arg11: memref<24x128xf32, #tpu.memory_space<vmem>>, %arg12: memref<13x512xf32, #tpu.memory_space<vmem>>, %arg13: memref<13x16xf32, #tpu.memory_space<vmem>>, %arg14: memref<16xf32, #tpu.memory_space<vmem>>, %arg15: memref<6x16xi32, #tpu.memory_space<vmem>>, %arg16: memref<512xf32, #tpu.memory_space<vmem>>, %arg17: memref<!tpu.dma_semaphore, #tpu.memory_space<semaphore_mem>>) attributes {dimension_semantics = [#tpu.dimension_semantics<core_parallel>, #tpu.dimension_semantics<subcore_parallel>], iteration_bounds = array<i64: 2, 16>, scalar_prefetch = 0 : i64, scratch_operands = 8 : i64, tpu.core_type = #tpu.core_type<sc_vector_subcore>, window_params = [{transform_indices = #map}, {transform_indices = #map1}, {transform_indices = #map2}, {transform_indices = #map1}, {transform_indices = #map2}, {transform_indices = #map1}, {transform_indices = #map}, {transform_indices = #map2}]} {
    %mul3A = arith.constant 2 : i32
    %mul3A_0 = arith.muli %arg1, %mul3A : i32
    %add3A = arith.addi %mul3A_0, %arg0 : i32
    "tpu.region"() ({
      %run_scoped3A = tpu.sem_alloc : memref<!tpu.dma_semaphore, #tpu.memory_space<semaphore_mem>>
      %dma_start3A = arith.constant 0 : i32
      %dma_start3A_20 = arith.constant 0 : i32
      %dma_start3A_21 = tpu.memref_slice %arg2[%add3A, %dma_start3A, %dma_start3A_20] : memref<32x24x128xi32, #tpu.memory_space<hbm>> -> memref<1x24x128xi32, #tpu.memory_space<hbm>>
      %dma_start3A_22 = tpu.memref_squeeze %dma_start3A_21 : memref<1x24x128xi32, #tpu.memory_space<hbm>> -> memref<24x128xi32, #tpu.memory_space<hbm>>
      %dma_start3A_23 = arith.constant 0 : i32
      %dma_start3A_24 = arith.constant 0 : i32
      %dma_start3A_25 = tpu.memref_slice %arg2[%add3A, %dma_start3A_23, %dma_start3A_24] : memref<32x24x128xi32, #tpu.memory_space<hbm>> -> memref<1x24x128xi32, #tpu.memory_space<hbm>>
      %dma_start3A_26 = tpu.memref_squeeze %dma_start3A_25 : memref<1x24x128xi32, #tpu.memory_space<hbm>> -> memref<24x128xi32, #tpu.memory_space<hbm>>
      tpu.enqueue_dma source(%dma_start3A_26 : memref<24x128xi32, #tpu.memory_space<hbm>>) target(%arg10 : memref<24x128xi32, #tpu.memory_space<vmem>>) target_semaphore(%run_scoped3A : memref<!tpu.dma_semaphore, #tpu.memory_space<semaphore_mem>>)
      %dma_wait3A = arith.constant 0 : i32
      %dma_wait3A_27 = arith.constant 0 : i32
      %dma_wait3A_28 = tpu.memref_slice %arg2[%add3A, %dma_wait3A, %dma_wait3A_27] : memref<32x24x128xi32, #tpu.memory_space<hbm>> -> memref<1x24x128xi32, #tpu.memory_space<hbm>>
      %dma_wait3A_29 = tpu.memref_squeeze %dma_wait3A_28 : memref<1x24x128xi32, #tpu.memory_space<hbm>> -> memref<24x128xi32, #tpu.memory_space<hbm>>
      %dma_wait3A_30 = arith.constant 0 : i32
      %dma_wait3A_31 = arith.constant 0 : i32
      %dma_wait3A_32 = tpu.memref_slice %arg2[%add3A, %dma_wait3A_30, %dma_wait3A_31] : memref<32x24x128xi32, #tpu.memory_space<hbm>> -> memref<1x24x128xi32, #tpu.memory_space<hbm>>
      %dma_wait3A_33 = tpu.memref_squeeze %dma_wait3A_32 : memref<1x24x128xi32, #tpu.memory_space<hbm>> -> memref<24x128xi32, #tpu.memory_space<hbm>>
      tpu.wait_dma2 semaphore(%run_scoped3A : memref<!tpu.dma_semaphore, #tpu.memory_space<semaphore_mem>>) src(%dma_wait3A_33 : memref<24x128xi32, #tpu.memory_space<hbm>>) dst(%arg10 : memref<24x128xi32, #tpu.memory_space<vmem>>)
      tpu.yield
    }) : () -> ()
    "tpu.region"() ({
      %run_scoped3A = tpu.sem_alloc : memref<!tpu.dma_semaphore, #tpu.memory_space<semaphore_mem>>
      tpu.enqueue_dma source(%arg5 : memref<6x16xi32, #tpu.memory_space<hbm>>) target(%arg15 : memref<6x16xi32, #tpu.memory_space<vmem>>) target_semaphore(%run_scoped3A : memref<!tpu.dma_semaphore, #tpu.memory_space<semaphore_mem>>)
      tpu.wait_dma2 semaphore(%run_scoped3A : memref<!tpu.dma_semaphore, #tpu.memory_space<semaphore_mem>>) src(%arg5 : memref<6x16xi32, #tpu.memory_space<hbm>>) dst(%arg15 : memref<6x16xi32, #tpu.memory_space<vmem>>)
      tpu.yield
    }) : () -> ()
    %scan3A = arith.constant 0 : i32
    %scan3A_1 = arith.constant 0 : i32
    %scan3A_2 = arith.constant 24 : i32
    %scan3A_3 = arith.addi %scan3A_1, %scan3A_2 : i32
    %scan3A_4 = arith.constant 1 : i32
    scf.for %scan3A_20 = %scan3A_1 to %scan3A_3 step %scan3A_4  : i32 {
      %jit3A = arith.constant 4 : i32
      %div3A = arith.divsi %scan3A_20, %jit3A : i32
      %sign3A = arith.constant 0 : i32
      %sign3A_21 = arith.cmpi sgt, %scan3A_20, %sign3A : i32
      %sign3A_22 = arith.extui %sign3A_21 : i1 to i32
      %sign3A_23 = arith.constant 0 : i32
      %sign3A_24 = arith.cmpi slt, %scan3A_20, %sign3A_23 : i32
      %sign3A_25 = arith.extui %sign3A_24 : i1 to i32
      %sign3A_26 = arith.subi %sign3A_22, %sign3A_25 : i32
      %sign3A_27 = arith.constant 0 : i32
      %sign3A_28 = arith.cmpi sgt, %jit3A, %sign3A_27 : i32
      %sign3A_29 = arith.extui %sign3A_28 : i1 to i32
      %sign3A_30 = arith.constant 0 : i32
      %sign3A_31 = arith.cmpi slt, %jit3A, %sign3A_30 : i32
      %sign3A_32 = arith.extui %sign3A_31 : i1 to i32
      %sign3A_33 = arith.subi %sign3A_29, %sign3A_32 : i32
      %ne3A = arith.cmpi ne, %sign3A_26, %sign3A_33 : i32
      %rem3A = arith.remsi %scan3A_20, %jit3A : i32
      %ne3A_34 = arith.constant 0 : i32
      %ne3A_35 = arith.cmpi ne, %rem3A, %ne3A_34 : i32
      %and3A = arith.andi %ne3A, %ne3A_35 : i1
      %sub3A = arith.constant 1 : i32
      %sub3A_36 = arith.subi %div3A, %sub3A : i32
      %select_n3A = arith.select %and3A, %sub3A_36, %div3A : i32
      %get3A = arith.index_cast %select_n3A : i32 to index
      %get3A_37 = arith.constant 0 : index
      %get3A_38 = tpu.vector_load %arg15[%get3A, %get3A_37] {strides = array<i32>} : memref<6x16xi32, #tpu.memory_space<vmem>>, vector<1x16xi32>,
      %get3A_39 = vector.shape_cast %get3A_38 : vector<1x16xi32> to vector<16xi32>
      %get3A_40 = arith.index_cast %scan3A_20 : i32 to index
      %get3A_41 = arith.constant 0 : index
      %get3A_42 = tpu.vector_load %arg10[%get3A_40, %get3A_41] {strides = array<i32>} : memref<24x128xi32, #tpu.memory_space<vmem>>, vector<1x16xi32>,
      %get3A_43 = vector.shape_cast %get3A_42 : vector<1x16xi32> to vector<16xi32>
      %add3A_44 = arith.addi %get3A_43, %get3A_39 : vector<16xi32>
      %swap3A = arith.index_cast %scan3A_20 : i32 to index
      %swap3A_45 = arith.constant 0 : index
      %swap3A_46 = tpu.vector_load %arg10[%swap3A, %swap3A_45] {strides = array<i32>} : memref<24x128xi32, #tpu.memory_space<vmem>>, vector<1x16xi32>,
      %swap3A_47 = vector.shape_cast %swap3A_46 : vector<1x16xi32> to vector<16xi32>
      %swap3A_48 = vector.shape_cast %add3A_44 : vector<16xi32> to vector<1x16xi32>
      tpu.vector_store %arg10[%swap3A, %swap3A_45], %swap3A_48 {strides = array<i32>} : memref<24x128xi32, #tpu.memory_space<vmem>>, vector<1x16xi32>,
      %get3A_49 = arith.index_cast %scan3A_20 : i32 to index
      %get3A_50 = arith.constant 16 : index
      %get3A_51 = tpu.vector_load %arg10[%get3A_49, %get3A_50] {strides = array<i32>} : memref<24x128xi32, #tpu.memory_space<vmem>>, vector<1x16xi32>,
      %get3A_52 = vector.shape_cast %get3A_51 : vector<1x16xi32> to vector<16xi32>
      %add3A_53 = arith.addi %get3A_52, %get3A_39 : vector<16xi32>
      %swap3A_54 = arith.index_cast %scan3A_20 : i32 to index
      %swap3A_55 = arith.constant 16 : index
      %swap3A_56 = tpu.vector_load %arg10[%swap3A_54, %swap3A_55] {strides = array<i32>} : memref<24x128xi32, #tpu.memory_space<vmem>>, vector<1x16xi32>,
      %swap3A_57 = vector.shape_cast %swap3A_56 : vector<1x16xi32> to vector<16xi32>
      %swap3A_58 = vector.shape_cast %add3A_53 : vector<16xi32> to vector<1x16xi32>
      tpu.vector_store %arg10[%swap3A_54, %swap3A_55], %swap3A_58 {strides = array<i32>} : memref<24x128xi32, #tpu.memory_space<vmem>>, vector<1x16xi32>,
      %get3A_59 = arith.index_cast %scan3A_20 : i32 to index
      %get3A_60 = arith.constant 32 : index
      %get3A_61 = tpu.vector_load %arg10[%get3A_59, %get3A_60] {strides = array<i32>} : memref<24x128xi32, #tpu.memory_space<vmem>>, vector<1x16xi32>,
      %get3A_62 = vector.shape_cast %get3A_61 : vector<1x16xi32> to vector<16xi32>
      %add3A_63 = arith.addi %get3A_62, %get3A_39 : vector<16xi32>
      %swap3A_64 = arith.index_cast %scan3A_20 : i32 to index
      %swap3A_65 = arith.constant 32 : index
      %swap3A_66 = tpu.vector_load %arg10[%swap3A_64, %swap3A_65] {strides = array<i32>} : memref<24x128xi32, #tpu.memory_space<vmem>>, vector<1x16xi32>,
      %swap3A_67 = vector.shape_cast %swap3A_66 : vector<1x16xi32> to vector<16xi32>
      %swap3A_68 = vector.shape_cast %add3A_63 : vector<16xi32> to vector<1x16xi32>
      tpu.vector_store %arg10[%swap3A_64, %swap3A_65], %swap3A_68 {strides = array<i32>} : memref<24x128xi32, #tpu.memory_space<vmem>>, vector<1x16xi32>,
      %get3A_69 = arith.index_cast %scan3A_20 : i32 to index
      %get3A_70 = arith.constant 48 : index
      %get3A_71 = tpu.vector_load %arg10[%get3A_69, %get3A_70] {strides = array<i32>} : memref<24x128xi32, #tpu.memory_space<vmem>>, vector<1x16xi32>,
      %get3A_72 = vector.shape_cast %get3A_71 : vector<1x16xi32> to vector<16xi32>
      %add3A_73 = arith.addi %get3A_72, %get3A_39 : vector<16xi32>
      %swap3A_74 = arith.index_cast %scan3A_20 : i32 to index
      %swap3A_75 = arith.constant 48 : index
      %swap3A_76 = tpu.vector_load %arg10[%swap3A_74, %swap3A_75] {strides = array<i32>} : memref<24x128xi32, #tpu.memory_space<vmem>>, vector<1x16xi32>,
      %swap3A_77 = vector.shape_cast %swap3A_76 : vector<1x16xi32> to vector<16xi32>
      %swap3A_78 = vector.shape_cast %add3A_73 : vector<16xi32> to vector<1x16xi32>
      tpu.vector_store %arg10[%swap3A_74, %swap3A_75], %swap3A_78 {strides = array<i32>} : memref<24x128xi32, #tpu.memory_space<vmem>>, vector<1x16xi32>,
      %get3A_79 = arith.index_cast %scan3A_20 : i32 to index
      %get3A_80 = arith.constant 64 : index
      %get3A_81 = tpu.vector_load %arg10[%get3A_79, %get3A_80] {strides = array<i32>} : memref<24x128xi32, #tpu.memory_space<vmem>>, vector<1x16xi32>,
      %get3A_82 = vector.shape_cast %get3A_81 : vector<1x16xi32> to vector<16xi32>
      %add3A_83 = arith.addi %get3A_82, %get3A_39 : vector<16xi32>
      %swap3A_84 = arith.index_cast %scan3A_20 : i32 to index
      %swap3A_85 = arith.constant 64 : index
      %swap3A_86 = tpu.vector_load %arg10[%swap3A_84, %swap3A_85] {strides = array<i32>} : memref<24x128xi32, #tpu.memory_space<vmem>>, vector<1x16xi32>,
      %swap3A_87 = vector.shape_cast %swap3A_86 : vector<1x16xi32> to vector<16xi32>
      %swap3A_88 = vector.shape_cast %add3A_83 : vector<16xi32> to vector<1x16xi32>
      tpu.vector_store %arg10[%swap3A_84, %swap3A_85], %swap3A_88 {strides = array<i32>} : memref<24x128xi32, #tpu.memory_space<vmem>>, vector<1x16xi32>,
      %get3A_89 = arith.index_cast %scan3A_20 : i32 to index
      %get3A_90 = arith.constant 80 : index
      %get3A_91 = tpu.vector_load %arg10[%get3A_89, %get3A_90] {strides = array<i32>} : memref<24x128xi32, #tpu.memory_space<vmem>>, vector<1x16xi32>,
      %get3A_92 = vector.shape_cast %get3A_91 : vector<1x16xi32> to vector<16xi32>
      %add3A_93 = arith.addi %get3A_92, %get3A_39 : vector<16xi32>
      %swap3A_94 = arith.index_cast %scan3A_20 : i32 to index
      %swap3A_95 = arith.constant 80 : index
      %swap3A_96 = tpu.vector_load %arg10[%swap3A_94, %swap3A_95] {strides = array<i32>} : memref<24x128xi32, #tpu.memory_space<vmem>>, vector<1x16xi32>,
      %swap3A_97 = vector.shape_cast %swap3A_96 : vector<1x16xi32> to vector<16xi32>
      %swap3A_98 = vector.shape_cast %add3A_93 : vector<16xi32> to vector<1x16xi32>
      tpu.vector_store %arg10[%swap3A_94, %swap3A_95], %swap3A_98 {strides = array<i32>} : memref<24x128xi32, #tpu.memory_space<vmem>>, vector<1x16xi32>,
      %get3A_99 = arith.index_cast %scan3A_20 : i32 to index
      %get3A_100 = arith.constant 96 : index
      %get3A_101 = tpu.vector_load %arg10[%get3A_99, %get3A_100] {strides = array<i32>} : memref<24x128xi32, #tpu.memory_space<vmem>>, vector<1x16xi32>,
      %get3A_102 = vector.shape_cast %get3A_101 : vector<1x16xi32> to vector<16xi32>
      %add3A_103 = arith.addi %get3A_102, %get3A_39 : vector<16xi32>
      %swap3A_104 = arith.index_cast %scan3A_20 : i32 to index
      %swap3A_105 = arith.constant 96 : index
      %swap3A_106 = tpu.vector_load %arg10[%swap3A_104, %swap3A_105] {strides = array<i32>} : memref<24x128xi32, #tpu.memory_space<vmem>>, vector<1x16xi32>,
      %swap3A_107 = vector.shape_cast %swap3A_106 : vector<1x16xi32> to vector<16xi32>
      %swap3A_108 = vector.shape_cast %add3A_103 : vector<16xi32> to vector<1x16xi32>
      tpu.vector_store %arg10[%swap3A_104, %swap3A_105], %swap3A_108 {strides = array<i32>} : memref<24x128xi32, #tpu.memory_space<vmem>>, vector<1x16xi32>,
      %get3A_109 = arith.index_cast %scan3A_20 : i32 to index
      %get3A_110 = arith.constant 112 : index
      %get3A_111 = tpu.vector_load %arg10[%get3A_109, %get3A_110] {strides = array<i32>} : memref<24x128xi32, #tpu.memory_space<vmem>>, vector<1x16xi32>,
      %get3A_112 = vector.shape_cast %get3A_111 : vector<1x16xi32> to vector<16xi32>
      %add3A_113 = arith.addi %get3A_112, %get3A_39 : vector<16xi32>
      %swap3A_114 = arith.index_cast %scan3A_20 : i32 to index
      %swap3A_115 = arith.constant 112 : index
      %swap3A_116 = tpu.vector_load %arg10[%swap3A_114, %swap3A_115] {strides = array<i32>} : memref<24x128xi32, #tpu.memory_space<vmem>>, vector<1x16xi32>,
      %swap3A_117 = vector.shape_cast %swap3A_116 : vector<1x16xi32> to vector<16xi32>
      %swap3A_118 = vector.shape_cast %add3A_113 : vector<16xi32> to vector<1x16xi32>
      tpu.vector_store %arg10[%swap3A_114, %swap3A_115], %swap3A_118 {strides = array<i32>} : memref<24x128xi32, #tpu.memory_space<vmem>>, vector<1x16xi32>,
    }
    %scan3A_5 = arith.constant 24 : i32
    %scan3A_6 = arith.constant 0 : i32
    %scan3A_7 = arith.constant 0 : i32
    %scan3A_8 = arith.constant 24 : i32
    %scan3A_9 = arith.addi %scan3A_7, %scan3A_8 : i32
    %scan3A_10 = arith.constant 1 : i32
    scf.for %scan3A_20 = %scan3A_7 to %scan3A_9 step %scan3A_10  : i32 {
      %dma_start3A = arith.constant 0 : i32
      %dma_start3A_21 = tpu.memref_slice %arg11[%scan3A_20, %dma_start3A] : memref<24x128xf32, #tpu.memory_space<vmem>> -> memref<1x128xf32, #tpu.memory_space<vmem>>
      %dma_start3A_22 = tpu.memref_squeeze %dma_start3A_21 : memref<1x128xf32, #tpu.memory_space<vmem>> -> memref<128xf32, #tpu.memory_space<vmem>>
      %dma_start3A_23 = arith.constant 0 : i32
      %dma_start3A_24 = tpu.memref_slice %arg10[%scan3A_20, %dma_start3A_23] : memref<24x128xi32, #tpu.memory_space<vmem>> -> memref<1x128xi32, #tpu.memory_space<vmem>>
      %dma_start3A_25 = tpu.memref_squeeze %dma_start3A_24 : memref<1x128xi32, #tpu.memory_space<vmem>> -> memref<128xi32, #tpu.memory_space<vmem>>
      %dma_start3A_26 = arith.constant 0 : i32
      %dma_start3A_27 = tpu.memref_slice %arg6[%dma_start3A_26] : memref<600000xf32, #tpu.memory_space<hbm>> -> memref<600000xf32, #tpu.memory_space<hbm>>
      tpu.enqueue_indirect_dma source(%dma_start3A_27 : memref<600000xf32, #tpu.memory_space<hbm>>) target(%dma_start3A_22 : memref<128xf32, #tpu.memory_space<vmem>>) offsets(%dma_start3A_25 : memref<128xi32, #tpu.memory_space<vmem>>) semaphore(%arg17 : memref<!tpu.dma_semaphore, #tpu.memory_space<semaphore_mem>>)
    }
    %scan3A_11 = arith.constant 24 : i32
    tpu.wait_dma2 semaphore(%arg17 : memref<!tpu.dma_semaphore, #tpu.memory_space<semaphore_mem>>) src(%arg7 : memref<24x128xf32, #tpu.memory_space<hbm>>) dst(%arg11 : memref<24x128xf32, #tpu.memory_space<vmem>>)
    %scan3A_12 = arith.constant 0 : i32
    %scan3A_13 = arith.constant 0 : i32
    %scan3A_14 = arith.constant 32 : i32
    %scan3A_15 = arith.addi %scan3A_13, %scan3A_14 : i32
    %scan3A_16 = arith.constant 1 : i32
    scf.for %scan3A_20 = %scan3A_13 to %scan3A_15 step %scan3A_16  : i32 {
      %jit3A = arith.constant 8 : i32
      %div3A = arith.divsi %scan3A_20, %jit3A : i32
      %sign3A = arith.constant 0 : i32
      %sign3A_21 = arith.cmpi sgt, %scan3A_20, %sign3A : i32
      %sign3A_22 = arith.extui %sign3A_21 : i1 to i32
      %sign3A_23 = arith.constant 0 : i32
      %sign3A_24 = arith.cmpi slt, %scan3A_20, %sign3A_23 : i32
      %sign3A_25 = arith.extui %sign3A_24 : i1 to i32
      %sign3A_26 = arith.subi %sign3A_22, %sign3A_25 : i32
      %sign3A_27 = arith.constant 0 : i32
      %sign3A_28 = arith.cmpi sgt, %jit3A, %sign3A_27 : i32
      %sign3A_29 = arith.extui %sign3A_28 : i1 to i32
      %sign3A_30 = arith.constant 0 : i32
      %sign3A_31 = arith.cmpi slt, %jit3A, %sign3A_30 : i32
      %sign3A_32 = arith.extui %sign3A_31 : i1 to i32
      %sign3A_33 = arith.subi %sign3A_29, %sign3A_32 : i32
      %ne3A = arith.cmpi ne, %sign3A_26, %sign3A_33 : i32
      %rem3A = arith.remsi %scan3A_20, %jit3A : i32
      %ne3A_34 = arith.constant 0 : i32
      %ne3A_35 = arith.cmpi ne, %rem3A, %ne3A_34 : i32
      %and3A = arith.andi %ne3A, %ne3A_35 : i1
      %sub3A = arith.constant 1 : i32
      %sub3A_36 = arith.subi %div3A, %sub3A : i32
      %select_n3A = arith.select %and3A, %sub3A_36, %div3A : i32
      %jit3A_37 = arith.constant 8 : i32
      %eq3A = arith.constant 0 : i32
      %eq3A_38 = arith.cmpi eq, %jit3A_37, %eq3A : i32
      %jit3A_39 = arith.constant 1 : i32
      %select_n3A_40 = arith.select %eq3A_38, %jit3A_39, %jit3A_37 : i32
      %rem3A_41 = arith.remsi %scan3A_20, %select_n3A_40 : i32
      %ne3A_42 = arith.constant 0 : i32
      %ne3A_43 = arith.cmpi ne, %rem3A_41, %ne3A_42 : i32
      %lt3A = arith.constant 0 : i32
      %lt3A_44 = arith.cmpi slt, %rem3A_41, %lt3A : i32
      %lt3A_45 = arith.constant 0 : i32
      %lt3A_46 = arith.cmpi slt, %select_n3A_40, %lt3A_45 : i32
      %ne3A_47 = arith.xori %lt3A_44, %lt3A_46 : i1
      %and3A_48 = arith.andi %ne3A_47, %ne3A_43 : i1
      %add3A_49 = arith.addi %rem3A_41, %select_n3A_40 : i32
      %select_n3A_50 = arith.select %and3A_48, %add3A_49, %rem3A_41 : i32
      %mul3A_51 = arith.constant 16 : i32
      %mul3A_52 = arith.muli %select_n3A_50, %mul3A_51 : i32
      %get3A = arith.index_cast %select_n3A : i32 to index
      %get3A_53 = arith.index_cast %mul3A_52 : i32 to index
      %get3A_54 = tpu.vector_load %arg11[%get3A, %get3A_53] {strides = array<i32>} : memref<24x128xf32, #tpu.memory_space<vmem>>, vector<1x16xf32>,
      %get3A_55 = vector.shape_cast %get3A_54 : vector<1x16xf32> to vector<16xf32>
      %add3A_56 = arith.constant 4 : i32
      %add3A_57 = arith.addi %add3A_56, %select_n3A : i32
      %get3A_58 = arith.index_cast %add3A_57 : i32 to index
      %get3A_59 = arith.index_cast %mul3A_52 : i32 to index
      %get3A_60 = tpu.vector_load %arg11[%get3A_58, %get3A_59] {strides = array<i32>} : memref<24x128xf32, #tpu.memory_space<vmem>>, vector<1x16xf32>,
      %get3A_61 = vector.shape_cast %get3A_60 : vector<1x16xf32> to vector<16xf32>
      %add3A_62 = arith.addf %get3A_55, %get3A_61 : vector<16xf32>
      %add3A_63 = arith.constant 8 : i32
      %add3A_64 = arith.addi %add3A_63, %select_n3A : i32
      %get3A_65 = arith.index_cast %add3A_64 : i32 to index
      %get3A_66 = arith.index_cast %mul3A_52 : i32 to index
      %get3A_67 = tpu.vector_load %arg11[%get3A_65, %get3A_66] {strides = array<i32>} : memref<24x128xf32, #tpu.memory_space<vmem>>, vector<1x16xf32>,
      %get3A_68 = vector.shape_cast %get3A_67 : vector<1x16xf32> to vector<16xf32>
      %add3A_69 = arith.addf %add3A_62, %get3A_68 : vector<16xf32>
      %add3A_70 = arith.constant 12 : i32
      %add3A_71 = arith.addi %add3A_70, %select_n3A : i32
      %get3A_72 = arith.index_cast %add3A_71 : i32 to index
      %get3A_73 = arith.index_cast %mul3A_52 : i32 to index
      %get3A_74 = tpu.vector_load %arg11[%get3A_72, %get3A_73] {strides = array<i32>} : memref<24x128xf32, #tpu.memory_space<vmem>>, vector<1x16xf32>,
      %get3A_75 = vector.shape_cast %get3A_74 : vector<1x16xf32> to vector<16xf32>
      %add3A_76 = arith.addf %add3A_69, %get3A_75 : vector<16xf32>
      %add3A_77 = arith.constant 16 : i32
      %add3A_78 = arith.addi %add3A_77, %select_n3A : i32
      %get3A_79 = arith.index_cast %add3A_78 : i32 to index
      %get3A_80 = arith.index_cast %mul3A_52 : i32 to index
      %get3A_81 = tpu.vector_load %arg11[%get3A_79, %get3A_80] {strides = array<i32>} : memref<24x128xf32, #tpu.memory_space<vmem>>, vector<1x16xf32>,
      %get3A_82 = vector.shape_cast %get3A_81 : vector<1x16xf32> to vector<16xf32>
      %add3A_83 = arith.addf %add3A_76, %get3A_82 : vector<16xf32>
      %add3A_84 = arith.constant 20 : i32
      %add3A_85 = arith.addi %add3A_84, %select_n3A : i32
      %get3A_86 = arith.index_cast %add3A_85 : i32 to index
      %get3A_87 = arith.index_cast %mul3A_52 : i32 to index
      %get3A_88 = tpu.vector_load %arg11[%get3A_86, %get3A_87] {strides = array<i32>} : memref<24x128xf32, #tpu.memory_space<vmem>>, vector<1x16xf32>,
      %get3A_89 = vector.shape_cast %get3A_88 : vector<1x16xf32> to vector<16xf32>
      %add3A_90 = arith.addf %add3A_83, %get3A_89 : vector<16xf32>
      %mul3A_91 = arith.constant 16 : i32
      %mul3A_92 = arith.muli %scan3A_20, %mul3A_91 : i32
      %swap3A = arith.index_cast %mul3A_92 : i32 to index
      %swap3A_93 = tpu.vector_load %arg16[%swap3A] {strides = array<i32>} : memref<512xf32, #tpu.memory_space<vmem>>, vector<16xf32>,
      %swap3A_94 = vector.shape_cast %swap3A_93 : vector<16xf32> to vector<16xf32>
      %swap3A_95 = vector.shape_cast %add3A_90 : vector<16xf32> to vector<16xf32>
      tpu.vector_store %arg16[%swap3A], %swap3A_95 {strides = array<i32>} : memref<512xf32, #tpu.memory_space<vmem>>, vector<16xf32>,
    }
    %scan3A_17 = arith.constant 32 : i32
    %mul3A_18 = arith.constant 512 : i32
    %mul3A_19 = arith.muli %add3A, %mul3A_18 : i32
    "tpu.region"() ({
      %run_scoped3A = tpu.sem_alloc : memref<!tpu.dma_semaphore, #tpu.memory_space<semaphore_mem>>
      %dma_start3A = tpu.memref_slice %arg9[%mul3A_19] : memref<16384xf32, #tpu.memory_space<hbm>> -> memref<512xf32, #tpu.memory_space<hbm>>
      %dma_start3A_20 = tpu.memref_slice %arg9[%mul3A_19] : memref<16384xf32, #tpu.memory_space<hbm>> -> memref<512xf32, #tpu.memory_space<hbm>>
      tpu.enqueue_dma source(%arg16 : memref<512xf32, #tpu.memory_space<vmem>>) target(%dma_start3A_20 : memref<512xf32, #tpu.memory_space<hbm>>) target_semaphore(%run_scoped3A : memref<!tpu.dma_semaphore, #tpu.memory_space<semaphore_mem>>)
      %dma_wait3A = tpu.memref_slice %arg9[%mul3A_19] : memref<16384xf32, #tpu.memory_space<hbm>> -> memref<512xf32, #tpu.memory_space<hbm>>
      %dma_wait3A_21 = tpu.memref_slice %arg9[%mul3A_19] : memref<16384xf32, #tpu.memory_space<hbm>> -> memref<512xf32, #tpu.memory_space<hbm>>
      tpu.wait_dma2 semaphore(%run_scoped3A : memref<!tpu.dma_semaphore, #tpu.memory_space<semaphore_mem>>) src(%arg16 : memref<512xf32, #tpu.memory_space<vmem>>) dst(%dma_wait3A_21 : memref<512xf32, #tpu.memory_space<hbm>>)
      tpu.yield
    }) : () -> ()
    return
  }
}

</mosaic_0001>

<sc_bundles>
// kernel: kernel.12.cloned.1.call-start
scs
__scs_entry_jumppad:
0x0: {  	(pc) =	sbr.rel $0x88, $3  }
0x1: {  	(tag) =	ssettag $0x0;
	lr =	simm.s32 $0x1  }
0x2: {  	[smem:$0x3F9B] =	sst lr;
	_ =	strace $0xD0000000  }
0x3: {  	_ = 	snop  }
0x4: {  	_ = 	snop  }
0x5: {  	_ = 	snop  }
0x6: {  	_ = 	snop  }
0x7: {  	_ = 	snop  }
__scs_overlays_trampoline_lowered:
0x8: {  	[smem:$0x3FAA] =	sst s0  }
0x9: {  	[smem:$0x3FAB] =	sst s1  }
0xa: {  	[smem:$0x3FAC] =	sst s2  }
0xb: {  	[smem:$0x3FAD] =	sst s3  }
0xc: {  	[smem:$0x3FAE] =	sst s4  }
0xd: {  	[smem:$0x3FAF] =	sst s5  }
0xe: {  	[smem:$0x3FB0] =	sst s6  }
0xf: {  	[smem:$0x3FB1] =	sst s7  }
0x10: {  	[smem:$0x3FB2] =	sst s8  }
0x11: {  	[smem:$0x3FB3] =	sst s9;
	s0 =	simm.s32 @!p0 $0x0  }
0x12: {  	s1 =	sld [smem:$0x3F99];
	s0 =	simm.s32 @p0 $0x1  }
0x13: {  	[smem:$0x3FB4] =	sst s0;
	s0 =	simm.s32 @!p1 $0x0  }
0x14: {  	s2 =	sld [smem:$0x3F98];
	s0 =	simm.s32 @p1 $0x1  }
0x15: {  	[smem:$0x3FB5] =	sst s0;
	s0 =	simm.s32 @!p2 $0x0  }
0x16: {  	s3 =	sld [smem:$0x3FDB];
	s0 =	simm.s32 @p2 $0x1  }
0x17: {  	s4 =	simm.s32 $0x1BF5;
	[smem:$0x3FB7] =	sst s0  }
0x18: {  	s0 =	sld [smem:$0x3F9A];
	_ =	swait.ge [sflag:s4], $0x0  }
0x19: {  	s7 =	sld [smem:$0x3F9B]  }
0x1a: {  	s8 =	sadd.s32 $0xFFFFE003, lr  }
0x1b: {  	s9 =	sadd.s32 $0xFFFFFEF7, lr;
	s5 =	simm.s32 $0xFFFFFFFF;
	p2 =	slt.u32 s8, $0xFFFFF086  }
0x1c: {  	p1 =	slt.u32 s9, $0xF7A;
	s5 =	simm.s32 @!p2 $0x0  }
0x1d: {  	s5 =	simm.s32 @p1 $0x1;
	p0 =	seq.s32 s7, s2  }
0x1e: {  	s7 =	smul.u32 @!p0 $0xF7A, s2;
	p2 =	seq.s32 @!p0 s5, $0x0  }
0x1f: {  	s9 =	smul.u32 $0xF7A, s1;
	s8 =	simm.s32 @!p0 $0x1BF5;
	p2 =	por !p2, p0  }
0x20: {  	[sflag:s8] =	ssyncset.s32 @!p0 $0xFFFFF086;
	s6 =	sadd.s32 @!p0 s3, s7;
	s7 =	simm.s32 @!p0 $0x108  }
0x21: {  	s3 =	sadd.s32 s3, s9;
	s6 =	sadd.s32 @!p0 $0x88, s6;
	s7 =	simm.s32 @p2 $0x1082  }
0x22: {  	[simem:s7], [sflag:s8] =	dma.local @!p0 [hbm:s6], $0xF7A  }
0x23: {  	s9 =	sor.u32 $0xD0000000, s2;
	s6 =	simm.s32 $0x108;
	_ =	swait.ge @!p0 [sflag:s8], $0x0  }
0x24: {  	s3 =	sadd.s32 $0x88, s3;
	s6 =	simm.s32 @!p1 $0x1082;
	[sflag:s4] =	ssyncset.s32 $0xFFFFF086  }
0x25: {  	[simem:s6], [sflag:s4] =	dma.local [hbm:s3], $0xF7A  }
0x26: {  	[smem:$0x3F9B] =	sst s1;
	(tag) =	ssettag s2;
	_ =	strace s9  }
0x27: {  	s1 =	sld [smem:$0x3FAB]  }
0x28: {  	s2 =	sld [smem:$0x3FAC]  }
0x29: {  	s4 =	sld [smem:$0x3FAE]  }
0x2a: {  	p0 =	seq.s32 s5, $0x0;
	s5 =	sld [smem:$0x3FAF]  }
0x2b: {  	s6 =	sld [smem:$0x3FB0]  }
0x2c: {  	s7 =	sld [smem:$0x3FB1]  }
0x2d: {  	s3 =	simm.s32 $0x108;
	s8 =	sld [smem:$0x3FB2]  }
0x2e: {  	s3 =	simm.s32 @!p0 $0x1082;
	s9 =	sld [smem:$0x3FB3]  }
0x2f: {  	lr =	sadd.s32 s0, s3;
	s0 =	sld [smem:$0x3FAA]  }
0x30: {  	s3 =	sld [smem:$0x3FAD]  }
0x31: {  	[smem:$0x3FB6] =	sst s10  }
0x32: {  	s10 =	sld [smem:$0x3FB4];
	_ =	sdelay $0x3  }
0x33: {  	p0 =	seq.s32 s10, $0x1;
	s10 =	sld [smem:$0x3FB6];
	_ =	sdelay $0x3  }
0x34: {  	[smem:$0x3FB6] =	sst s10  }
0x35: {  	s10 =	sld [smem:$0x3FB5];
	_ =	sdelay $0x3  }
0x36: {  	p1 =	seq.s32 s10, $0x1;
	s10 =	sld [smem:$0x3FB6];
	_ =	sdelay $0x3  }
0x37: {  	[smem:$0x3FB6] =	sst s10  }
0x38: {  	s10 =	sld [smem:$0x3FB7]  }
0x39: {  	_ = 	snop;
	(pc) =	sbr.ind lr, $3  }
0x3a: {  	_ = 	snop  }
0x3b: {  	_ = 	snop  }
0x3c: {  	p2 =	seq.s32 s10, $0x1;
	s10 =	sld [smem:$0x3FB6]  }
0x3d: {  	_ =	shalt  }
0x3e: {  	_ =	shalt  }
0x3f: {  	_ =	shalt  }
0x40: {  	_ =	shalt  }
0x41: {  	_ =	shalt  }
0x42: {  	_ =	shalt  }
0x43: {  	_ =	shalt  }
0x44: {  	_ =	shalt  }
0x45: {  	_ =	shalt  }
0x46: {  	_ =	shalt  }
0x47: {  	_ =	shalt  }
0x48: {  	_ =	shalt  }
0x49: {  	_ =	shalt  }
0x4a: {  	_ =	shalt  }
0x4b: {  	_ =	shalt  }
0x4c: {  	_ =	shalt  }
0x4d: {  	_ =	shalt  }
0x4e: {  	_ =	shalt  }
0x4f: {  	_ =	shalt  }
0x50: {  	_ =	shalt  }
0x51: {  	_ =	shalt  }
0x52: {  	_ =	shalt  }
0x53: {  	_ =	shalt  }
0x54: {  	_ =	shalt  }
0x55: {  	_ =	shalt  }
0x56: {  	_ =	shalt  }
0x57: {  	_ =	shalt  }
0x58: {  	_ =	shalt  }
0x59: {  	_ =	shalt  }
0x5a: {  	_ =	shalt  }
0x5b: {  	_ =	shalt  }
0x5c: {  	_ =	shalt  }
0x5d: {  	_ =	shalt  }
0x5e: {  	_ =	shalt  }
0x5f: {  	_ =	shalt  }
0x60: {  	_ =	shalt  }
0x61: {  	_ =	shalt  }
0x62: {  	_ =	shalt  }
0x63: {  	_ =	shalt  }
0x64: {  	_ =	shalt  }
0x65: {  	_ =	shalt  }
0x66: {  	_ =	shalt  }
0x67: {  	_ =	shalt  }
0x68: {  	_ =	shalt  }
0x69: {  	_ =	shalt  }
0x6a: {  	_ =	shalt  }
0x6b: {  	_ =	shalt  }
0x6c: {  	_ =	shalt  }
0x6d: {  	_ =	shalt  }
0x6e: {  	_ =	shalt  }
0x6f: {  	_ =	shalt  }
0x70: {  	_ =	shalt  }
0x71: {  	_ =	shalt  }
0x72: {  	_ =	shalt  }
0x73: {  	_ =	shalt  }
0x74: {  	_ =	shalt  }
0x75: {  	_ =	shalt  }
0x76: {  	_ =	shalt  }
0x77: {  	_ =	shalt  }
0x78: {  	_ =	shalt  }
0x79: {  	_ =	shalt  }
0x7a: {  	_ =	shalt  }
0x7b: {  	_ =	shalt  }
0x7c: {  	_ =	shalt  }
0x7d: {  	_ =	shalt  }
0x7e: {  	_ =	shalt  }
0x7f: {  	_ =	shalt  }
0x80: {  	_ =	shalt  }
0x81: {  	_ =	shalt  }
0x82: {  	_ =	shalt  }
0x83: {  	_ =	shalt  }
0x84: {  	_ =	shalt  }
0x85: {  	_ =	shalt  }
0x86: {  	_ =	shalt  }
0x87: {  	_ =	shalt  }
.Lfunc_end0:
.L_simem_size_0:
called_computation.2_lowered:
.L_overlay_start_0:
0x88: {  	s2 =	sld [smem:$0x3FD9]  }
0x89: {  	s3 =	sld [smem:$0x3FFE];
	_ =	sdelay $0x1  }
0x8a: {  	s1 =	srdreg.scid  }
0x8b: {  	s0 =	sand.u32 $0x1, s1  }
0x8c: {  	s17 =	sshll.u32 s0, $0xA;
	s2 =	sadd.s32 s3, s2  }
0x8d: {  	s2 =	sadd.s32 s2, s17  }
0x8e: {  	[smem:$0x3FC2] =	sst s2  }
0x8f: {  	_ = 	snop  }
0x90: {  	(tm) =	ssettm $0x1  }
0x91: {  	s18 =	sld [smem:$0x3FFB];
	_ =	sdelay $0x3  }
0x92: {  	_ =	strace s18  }
0x93: {  	s2 =	sld [smem:$0x3FFC];
	_ =	sdelay $0x3  }
0x94: {  	_ =	strace s2  }
0x95: {  	s2 =	sld [smem:$0x3FFD];
	_ =	sdelay $0x3  }
0x96: {  	_ =	strace s2  }
0x97: {  	_ =	strace $0x8FFFFFFF  }
0x98: {  	s19 =	sld [smem:$0x3FDB];
	_ =	sdelay $0x1  }
0x99: {  	s20 =	simm.s32 $_scs_section_size  }
0x9a: {  	s4 =	simm.s32 $_size__tile_overlayer_lowered;
	s5 =	simm.s32 $_tile_overlayer_lowered  }
0x9b: {  	s6 =	simm.s32 $0x1BFF;
	s21 =	sshll.u32 s5, $0x1;
	s3 =	sadd.s32 s20, s19  }
0x9c: {  	s22 =	simm.s32 $0x0;
	s4 =	sshll.u32 s4, $0x1;
	s5 =	sadd.s32 s21, s3  }
0x9d: {  	[timem:s22], [sflag:s6] =	dma.local [hbm:s5], s4  }
0x9e: {  	_ =	swait.ge [sflag:s6], s4  }
0x9f: {  	s4 =	ssub.s32 $0x0, s4;
	[sflag:s6] =	ssyncset.done $0x0  }
0xa0: {  	[sflag:s6] =	ssyncadd.s32 s4;
	_ =	sdelay $0x1  }
0xa1: {  	s23 =	simm.s32 $0x1B8B  }
0xa2: {  	_ =	swait.ge [sflag:s23], $0x1  }
0xa3: {  	[sflag:s23] =	ssyncset.done $0x0  }
0xa4: {  	[sflag:s23] =	ssyncadd.s32 $0xFFFFFFFF  }
0xa5: {  	s4 =	sld [smem:$0x0]  }
0xa6: {  	s5 =	sand.u32 $0xFFFFFFFE, s1  }
0xa7: {  	p0 =	sne.s32 s1, s5  }
0xa8: {  	s5 =	sshll.u32 @p0 s5, $0xE  }
0xa9: {  	s5 =	sadd.s32 @p0 $0x11B8D, s5;
	s6 =	sshll.u32 @p0 s4, $0x11  }
0xaa: {  	s5 =	sor.u32 @p0 s6, s5  }
0xab: {  	[sflag:s5] =	ssyncadd.remote.s32 @p0 $0x1;
	_ =	sdelay $0x1  }
0xac: {  	s5 =	simm.s32 @p0 $0x1B8D  }
0xad: {  	_ =	swait.eq @p0 [sflag:s5], $0x1  }
0xae: {  	[sflag:s5] =	ssyncadd.s32 @p0 $0xFFFFFFFF  }
0xaf: {  	s6 =	sshll.u32 @!p0 s1, $0xE  }
0xb0: {  	s6 =	sor.u32 @!p0 $0x4000, s6;
	s5 =	simm.s32 @!p0 $0x1B8D  }
0xb1: {  	s4 =	sshll.u32 @!p0 s4, $0x11;
	s6 =	sadd.s32 @!p0 $0x11B8D, s6;
	_ =	swait.eq @!p0 [sflag:s5], $0x1  }
0xb2: {  	s4 =	sor.u32 @!p0 s4, s6;
	[sflag:s5] =	ssyncadd.s32 @!p0 $0xFFFFFFFF  }
0xb3: {  	s25 =	simm.s32 $0x1B8E;
	s24 =	sld [smem:$0x3FFE];
	[sflag:s4] =	ssyncadd.remote.s32 @!p0 $0x1  }
0xb4: {  	s26 =	simm.s32 $execute0_lowered;
	[smem:$0x3FD2] =	sst s25  }
0xb5: {  	s5 =	sshll.u32 s26, $0x1;
	_ =	strace $0x8000004C;
	[dreg:$0x1] =	wrdreg $0xFFFFFFFF  }
0xb6: {  	s28 =	simm.s32 $_size_execute0_lowered;
	s3 =	sadd.s32 s3, s5;
	[dreg:$0x0] =	wrdreg $0x0  }
0xb7: {  	s5 =	sshll.u32 s28, $0x1;
	[dreg:$0x2] =	wrdreg s3  }
0xb8: {  	[dreg:$0x3] =	wrdreg s5  }
0xb9: {  	[dreg:$0x4] =	wrdreg $0xC0  }
0xba: {  	_ =	task [dreg:s22], $0x5FFFF  }
0xbb: {  	[dreg:$0x1] =	wrdreg $0xFFFFFFFF  }
0xbc: {  	[dreg:$0x0] =	wrdreg $0x60  }
0xbd: {  	[dreg:$0x2] =	wrdreg s24  }
0xbe: {  	[dreg:$0x3] =	wrdreg $0xB  }
0xbf: {  	_ =	task.clear_ibuf [dreg:s22], $0x4FFFF;
	_ =	strace $0x9000004C  }
0xc0: {  	s29 =	simm.s32 $0xB;
	_ =	strace $0x8000004E  }
0xc1: {  	_ =	swait.ge [sflag:s29], $0x1  }
0xc2: {  	[sflag:s29] =	ssyncadd.s32 $0xFFFFFFFF  }
0xc3: {  	_ =	strace $0x9000004E  }
0xc4: {  	_ =	sfence  }
0xc5: {  	s30 =	sld [smem:$0x0];
	_ =	sdelay $0x2  }
0xc6: {  	s31 =	sshll.u32 s1, $0xD;
	s1 =	sshrl.u32 s1, $0x2  }
0xc7: {  	s4 =	sand.u32 $0x4000, s31;
	s1 =	sadd.s32 s1, s30  }
0xc8: {  	s0 =	sor.u32 s4, s0;
	s1 =	sshll.u32 s1, $0x11  }
0xc9: {  	s0 =	sor.u32 s1, s0  }
0xca: {  	s0 =	sadd.s32 $0x8F2B, s0  }
0xcb: {  	[sflag:s0] =	ssyncadd.remote.s32 $0x1  }
0xcc: {  	_ =	sfence.sel $0xFFFF  }
0xcd: {  	[dreg:$0x0] =	wrdreg $0xFFFFFFFF;
	(pc) =	sbr.abs _section_cstart, $3  }
0xce: {  	[dreg:$0x1] =	wrdreg $0xFFFFFFFF  }
0xcf: {  	_ =	task.clear_ibuf [dreg:s22], $0x2FFFF;
	_ =	strace $0x9FFFFFFF  }
0xd0: {  	(tm) =	ssettm $0x7FFFFFFF  }
0xd1: {  	_ =	shalt  }
tec
execute0_lowered:
.L_overlay_start_1:
0x0: {  	(tag) =	ssettag $0x1  }
0x1: {  	s0 =	srdreg.scid  }
0x2: {  	s1 =	stileid.u32;
	s5 =	rddreg [dreg:$0x0];
	s2 =	simm.s32 $0x0  }
0x3: {  	s8 =	simm.s32 $0x2;
	s10 =	simm.s32 $0x80;
	s29 =	simm.s32 $0xA80  }
0x4: {  	s30 =	simm.s32 $0x1880;
	s31 =	simm.s32 $0xB00;
	s9 =	simm.s32 $0x1980  }
0x5: {  	s11 =	simm.s32 $0xC00;
	s12 =	simm.s32 $0x1A00;
	s13 =	simm.s32 $0xC80  }
0x6: {  	s14 =	simm.s32 $0x1A80;
	s15 =	simm.s32 $0xD00;
	s16 =	simm.s32 $0x1B00  }
0x7: {  	s17 =	simm.s32 $0xD80;
	s18 =	simm.s32 $0x1B80;
	s19 =	simm.s32 $0x1  }
0x8: {  	s20 =	simm.s32 $0x1C70;
	s0 =	sand.u32 $0x1, s0;
	s1 =	sshll.u32 s1, $0x1  }
0x9: {  	s21 =	simm.s32 $0x0;
	[smem:$0x7FF] =	sst s2;
	s1 =	sor.u32 s0, s1  }
0xa: {  	s4 =	sadd.s32 $0x38000, s5;
	s0 =	ssub.s32 $0x2, s0;
	s3 =	smul.u32 $0x1C0, s1  }
0xb: {  	_ =	strace $0x8000004D;
	s1 =	sshll.u32 s1, $0x6;
	s7 =	sshrl.u32 s0, $0x1  }
0xc: {  	s1 =	sadd.s32 s1, s5;
	s0 =	ssub.s32 s0, s7;
	s6 =	sadd.s32 s3, s5  }
0xd: {  	s3 =	sadd.s32 $0x34600, s5;
	s7 =	smax.u32 s0, $0x1;
	s0 =	simm.s32 $0xB80  }
0xe: {  	s5 =	sadd.s32 $0x34800, s6;
	s6 =	sadd.s32 $0x62E00, s1;
	s1 =	simm.s32 $0x1900  }
.LBB2_1:
0xf: {  	[tilespmem:s2], [sflag:$0x2] =	stream.linear.gather [hbm4b:s5+s2], $0xE00, $0x38;
	[tilespmem:$0x1E70] =	vst v63  }
0x10: {  	_ =	swait.ge [sflag:s8], $0xE00  }
0x11: {  	[sflag:s8] =	ssyncset.done $0x0  }
0x12: {  	s22 =	simm.s32 $0x1C00;
	[sflag:s8] =	ssyncadd.s32 $0xFFFFF200  }
0x13: {  	[tilespmem:s22], [sflag:$0x2] =	stream.linear.gather [hbm4b:s3+s2], $0x70, $0x38;
	[tilespmem:$0x1E70] =	vst v63  }
0x14: {  	_ =	swait.ge [sflag:s8], $0x70  }
0x15: {  	[sflag:s8] =	ssyncset.done $0x0  }
0x16: {  	s22 =	simm.s32 $0x40;
	[sflag:s8] =	ssyncadd.s32 $0xFFFFFF90  }
0x17: {  	v6 =	vld [tilespmem:s22+$0xFFFFFFC0]  }
0x18: {  	s23 =	sand.u32 $0x1C0, s2;
	v7 =	vld [tilespmem:s22+$0x30]  }
0x19: {  	s23 =	sshrl.u32 s23, $0x2;
	v9 =	vld [tilespmem:s22+$0xFFFFFFD0]  }
0x1a: {  	v2 =	vld [tilespmem:s23+$0x1C00]  }
0x1b: {  	v0 =	vld [tilespmem:s22+$0xFFFFFFF0]  }
0x1c: {  	v1 =	vld [tilespmem:s22+$0x10]  }
0x1d: {  	v3 =	vld [tilespmem:s22+$0x20]  }
0x1e: {  	v5 =	vld [tilespmem:s22+$0xFFFFFFE0]  }
0x1f: {  	v4 =	vld [tilespmem:s22+$0x0];
	_ =	sdelay $0x1  }
0x20: {  	s24 =	simm.s32 $0x40;
	s23 =	simm.s32 $0x10;
	v8 =	vadd.s32 v2, v6;
	v6 =	vadd.s32 v2, v9;
	v7 =	vadd.s32 v2, v7  }
.LBB2_2:
0x21: {  	p0 =	sne.s32 s23, $0x1B0  }
0x22: {  	[tilespmem:s22+$0xFFFFFFC0] =	vst v8;
	v5 =	vadd.s32 v2, v5;
	v8 =	vadd.s32 v2, v0;
	v3 =	vadd.s32 v2, v3;
	s24 =	sadd.s32 $0x80, s24;
	s25 =	smov.u32 s23;
	s23 =	sadd.s32 $0x10, s23  }
0x23: {  	v1 =	vadd.s32 v2, v1;
	v4 =	vadd.s32 v2, v4;
	[tilespmem:s22+$0x30] =	vst v7  }
0x24: {  	v0 =	vld [tilespmem:s24+$0xFFFFFFF0];
	[tilespmem:s22+$0xFFFFFFD0] =	vst v6  }
0x25: {  	v6 =	vld [tilespmem:s24+$0xFFFFFFC0];
	[tilespmem:s22+$0x10] =	vst v1  }
0x26: {  	v1 =	vld [tilespmem:s24+$0x10];
	[tilespmem:s22+$0x20] =	vst v3  }
0x27: {  	v7 =	vld [tilespmem:s24+$0x30];
	[tilespmem:s22+$0xFFFFFFE0] =	vst v5  }
0x28: {  	s25 =	sand.u32 $0x1C0, s25;
	v9 =	vld [tilespmem:s24+$0xFFFFFFD0];
	[tilespmem:s22+$0xFFFFFFF0] =	vst v8  }
0x29: {  	s25 =	sshrl.u32 s25, $0x2;
	v3 =	vld [tilespmem:s24+$0x20];
	[tilespmem:s22+$0x0] =	vst v4;
	s22 =	smov.u32 s24  }
0x2a: {  	v2 =	vld [tilespmem:s25+$0x1C00]  }
.Ltmp0:
0x2b: {  	v5 =	vld [tilespmem:s24+$0xFFFFFFE0];
	(pc) =	sbr.rel @p0 .LBB2_2-.Ltmp0, $2  }
0x2c: {  	v4 =	vld [tilespmem:s24+$0x0];
	_ =	sdelay $0x2  }
0x2d: {  	v8 =	vadd.s32 v2, v6;
	v6 =	vadd.s32 v2, v9;
	v7 =	vadd.s32 v2, v7  }
0x2e: {  	[tilespmem:s22+$0xFFFFFFC0] =	vst v8  }
0x2f: {  	[tilespmem:s22+$0x30] =	vst v7  }
0x30: {  	v1 =	vadd.s32 v2, v1;
	[tilespmem:s22+$0xFFFFFFD0] =	vst v6  }
0x31: {  	v3 =	vadd.s32 v2, v3;
	[tilespmem:s22+$0x10] =	vst v1  }
0x32: {  	v0 =	vadd.s32 v2, v0;
	[tilespmem:s22+$0x20] =	vst v3  }
0x33: {  	v1 =	vadd.s32 v2, v5;
	[tilespmem:s22+$0xFFFFFFF0] =	vst v0  }
0x34: {  	[tilespmem:s22+$0xFFFFFFE0] =	vst v1;
	v1 =	vadd.s32 v2, v4  }
0x35: {  	s23 =	simm.s32 $0xE00;
	[tilespmem:s22+$0x0] =	vst v1;
	s22 =	simm.s32 $0x0  }
0x36: {  	[tilespmem:s23], [sflag:$0x1] =	stream.indirect.gather [hbm4b:s4+s10], $0x1, s22, s10, $0xb8;
	[tilespmem:$0x1E70] =	vst v63  }
0x37: {  	s25 =	simm.s32 $0xE80  }
0x38: {  	[tilespmem:s25], [sflag:$0x1] =	stream.indirect.gather [hbm4b:s4+s10], $0x1, s10, s10, $0xb8;
	[tilespmem:$0x1E70] =	vst v63  }
0x39: {  	s26 =	simm.s32 $0x100;
	s24 =	simm.s32 $0xF00  }
0x3a: {  	[tilespmem:s24], [sflag:$0x1] =	stream.indirect.gather [hbm4b:s4+s10], $0x1, s26, s10, $0xb8;
	[tilespmem:$0x1E70] =	vst v63  }
0x3b: {  	s25 =	simm.s32 $0x180;
	s26 =	simm.s32 $0xF80  }
0x3c: {  	[tilespmem:s26], [sflag:$0x1] =	stream.indirect.gather [hbm4b:s4+s10], $0x1, s25, s10, $0xb8;
	[tilespmem:$0x1E70] =	vst v63  }
0x3d: {  	s25 =	simm.s32 $0x200;
	s26 =	simm.s32 $0x1000  }
0x3e: {  	[tilespmem:s26], [sflag:$0x1] =	stream.indirect.gather [hbm4b:s4+s10], $0x1, s25, s10, $0xb8;
	[tilespmem:$0x1E70] =	vst v63  }
0x3f: {  	s25 =	simm.s32 $0x280;
	s26 =	simm.s32 $0x1080  }
0x40: {  	[tilespmem:s26], [sflag:$0x1] =	stream.indirect.gather [hbm4b:s4+s10], $0x1, s25, s10, $0xb8;
	[tilespmem:$0x1E70] =	vst v63  }
0x41: {  	s25 =	simm.s32 $0x300;
	s26 =	simm.s32 $0x1100  }
0x42: {  	[tilespmem:s26], [sflag:$0x1] =	stream.indirect.gather [hbm4b:s4+s10], $0x1, s25, s10, $0xb8;
	[tilespmem:$0x1E70] =	vst v63  }
0x43: {  	s25 =	simm.s32 $0x380;
	s26 =	simm.s32 $0x1180  }
0x44: {  	[tilespmem:s26], [sflag:$0x1] =	stream.indirect.gather [hbm4b:s4+s10], $0x1, s25, s10, $0xb8;
	[tilespmem:$0x1E70] =	vst v63  }
0x45: {  	s25 =	simm.s32 $0x400;
	s26 =	simm.s32 $0x1200  }
0x46: {  	[tilespmem:s26], [sflag:$0x1] =	stream.indirect.gather [hbm4b:s4+s10], $0x1, s25, s10, $0xb8;
	[tilespmem:$0x1E70] =	vst v63  }
0x47: {  	s25 =	simm.s32 $0x480;
	s26 =	simm.s32 $0x1280  }
0x48: {  	[tilespmem:s26], [sflag:$0x1] =	stream.indirect.gather [hbm4b:s4+s10], $0x1, s25, s10, $0xb8;
	[tilespmem:$0x1E70] =	vst v63  }
0x49: {  	s25 =	simm.s32 $0x500;
	s26 =	simm.s32 $0x1300  }
0x4a: {  	[tilespmem:s26], [sflag:$0x1] =	stream.indirect.gather [hbm4b:s4+s10], $0x1, s25, s10, $0xb8;
	[tilespmem:$0x1E70] =	vst v63  }
0x4b: {  	s25 =	simm.s32 $0x580;
	s26 =	simm.s32 $0x1380  }
0x4c: {  	[tilespmem:s26], [sflag:$0x1] =	stream.indirect.gather [hbm4b:s4+s10], $0x1, s25, s10, $0xb8;
	[tilespmem:$0x1E70] =	vst v63  }
0x4d: {  	s25 =	simm.s32 $0x600;
	s26 =	simm.s32 $0x1400  }
0x4e: {  	[tilespmem:s26], [sflag:$0x1] =	stream.indirect.gather [hbm4b:s4+s10], $0x1, s25, s10, $0xb8;
	[tilespmem:$0x1E70] =	vst v63  }
0x4f: {  	s25 =	simm.s32 $0x680;
	s26 =	simm.s32 $0x1480  }
0x50: {  	[tilespmem:s26], [sflag:$0x1] =	stream.indirect.gather [hbm4b:s4+s10], $0x1, s25, s10, $0xb8;
	[tilespmem:$0x1E70] =	vst v63  }
0x51: {  	s25 =	simm.s32 $0x700;
	s26 =	simm.s32 $0x1500  }
0x52: {  	[tilespmem:s26], [sflag:$0x1] =	stream.indirect.gather [hbm4b:s4+s10], $0x1, s25, s10, $0xb8;
	[tilespmem:$0x1E70] =	vst v63  }
0x53: {  	s25 =	simm.s32 $0x780;
	s26 =	simm.s32 $0x1580  }
0x54: {  	[tilespmem:s26], [sflag:$0x1] =	stream.indirect.gather [hbm4b:s4+s10], $0x1, s25, s10, $0xb8;
	[tilespmem:$0x1E70] =	vst v63  }
0x55: {  	s25 =	simm.s32 $0x800;
	s26 =	simm.s32 $0x1600  }
0x56: {  	[tilespmem:s26], [sflag:$0x1] =	stream.indirect.gather [hbm4b:s4+s10], $0x1, s25, s10, $0xb8;
	[tilespmem:$0x1E70] =	vst v63  }
0x57: {  	s25 =	simm.s32 $0x880;
	s26 =	simm.s32 $0x1680  }
0x58: {  	[tilespmem:s26], [sflag:$0x1] =	stream.indirect.gather [hbm4b:s4+s10], $0x1, s25, s10, $0xb8;
	[tilespmem:$0x1E70] =	vst v63  }
0x59: {  	s25 =	simm.s32 $0x900;
	s26 =	simm.s32 $0x1700  }
0x5a: {  	[tilespmem:s26], [sflag:$0x1] =	stream.indirect.gather [hbm4b:s4+s10], $0x1, s25, s10, $0xb8;
	[tilespmem:$0x1E70] =	vst v63  }
0x5b: {  	s25 =	simm.s32 $0x980;
	s26 =	simm.s32 $0x1780  }
0x5c: {  	[tilespmem:s26], [sflag:$0x1] =	stream.indirect.gather [hbm4b:s4+s10], $0x1, s25, s10, $0xb8;
	[tilespmem:$0x1E70] =	vst v63  }
0x5d: {  	s24 =	simm.s32 $0xA00;
	s25 =	simm.s32 $0x1800  }
0x5e: {  	[tilespmem:s25], [sflag:$0x1] =	stream.indirect.gather [hbm4b:s4+s10], $0x1, s24, s10, $0xb8;
	[tilespmem:$0x1E70] =	vst v63  }
0x5f: {  	_ = 	snop  }
0x60: {  	[tilespmem:s30], [sflag:$0x1] =	stream.indirect.gather [hbm4b:s4+s10], $0x1, s29, s10, $0xb8;
	[tilespmem:$0x1E70] =	vst v63  }
0x61: {  	_ = 	snop  }
0x62: {  	[tilespmem:s1], [sflag:$0x1] =	stream.indirect.gather [hbm4b:s4+s10], $0x1, s31, s10, $0xb8;
	[tilespmem:$0x1E70] =	vst v63  }
0x63: {  	_ = 	snop  }
0x64: {  	[tilespmem:s9], [sflag:$0x1] =	stream.indirect.gather [hbm4b:s4+s10], $0x1, s0, s10, $0xb8;
	[tilespmem:$0x1E70] =	vst v63  }
0x65: {  	_ = 	snop  }
0x66: {  	[tilespmem:s12], [sflag:$0x1] =	stream.indirect.gather [hbm4b:s4+s10], $0x1, s11, s10, $0xb8;
	[tilespmem:$0x1E70] =	vst v63  }
0x67: {  	_ = 	snop  }
0x68: {  	[tilespmem:s14], [sflag:$0x1] =	stream.indirect.gather [hbm4b:s4+s10], $0x1, s13, s10, $0xb8;
	[tilespmem:$0x1E70] =	vst v63  }
0x69: {  	_ = 	snop  }
0x6a: {  	[tilespmem:s16], [sflag:$0x1] =	stream.indirect.gather [hbm4b:s4+s10], $0x1, s15, s10, $0xb8;
	[tilespmem:$0x1E70] =	vst v63  }
0x6b: {  	_ = 	snop  }
0x6c: {  	[tilespmem:s18], [sflag:$0x1] =	stream.indirect.gather [hbm4b:s4+s10], $0x1, s17, s10, $0xb8;
	[tilespmem:$0x1E70] =	vst v63  }
0x6d: {  	s26 =	simm.s32 $0x0;
	_ =	swait.ge [sflag:s19], $0xE00  }
0x6e: {  	s22 =	sand.u32 $0x70, s22;
	s23 =	sand.u32 $0x180, s26;
	[sflag:s19] =	ssyncset.done $0x0  }
0x6f: {  	s22 =	sor.u32 s22, s23;
	[sflag:s19] =	ssyncadd.s32 $0xFFFFF200  }
0x70: {  	v0 =	vld [tilespmem:s22+$0x1000]  }
0x71: {  	v1 =	vld [tilespmem:s22+$0xE00];
	_ =	sdelay $0x1  }
0x72: {  	v2 =	vld [tilespmem:s22+$0x1200];
	_ =	sdelay $0x1  }
0x73: {  	v3 =	vld [tilespmem:s22+$0x1400]  }
0x74: {  	v0 =	vadd.f32 v0, v1  }
0x75: {  	v1 =	vld [tilespmem:s22+$0x1600]  }
0x76: {  	v0 =	vadd.f32 v2, v0  }
0x77: {  	v2 =	vld [tilespmem:s22+$0x1800]  }
0x78: {  	v0 =	vadd.f32 v3, v0  }
0x79: {  	v3 =	vld [tilespmem:s22+$0x1A00]  }
0x7a: {  	v0 =	vadd.f32 v1, v0;
	_ =	sdelay $0x1  }
0x7b: {  	v0 =	vadd.f32 v2, v0  }
0x7c: {  	s23 =	simm.s32 $0x10  }
0x7d: {  	s24 =	simm.s32 $0x10;
	s25 =	simm.s32 $0x0;
	s26 =	sand.u32 $0x70, s23;
	v0 =	vadd.f32 v3, v0  }
0x7e: {  	s28 =	sand.u32 $0x180, s24;
	s24 =	simm.s32 $0x80;
	s22 =	simm.s32 $0x40  }
.LBB2_4:
0x7f: {  	p0 =	sne.s32 s24, $0x7C0;
	s26 =	sor.u32 s26, s28;
	[tilespmem:s25+$0x1C70] =	vst v0;
	s25 =	smov.u32 s22  }
0x80: {  	s22 =	smov.u32 s24;
	v0 =	vld [tilespmem:s26+$0x1000]  }
0x81: {  	v1 =	vld [tilespmem:s26+$0xE00];
	_ =	sdelay $0x1  }
0x82: {  	v2 =	vld [tilespmem:s26+$0x1200];
	_ =	sdelay $0x1  }
0x83: {  	v3 =	vld [tilespmem:s26+$0x1400]  }
0x84: {  	v0 =	vadd.f32 v0, v1  }
0x85: {  	v1 =	vld [tilespmem:s26+$0x1600]  }
0x86: {  	v0 =	vadd.f32 v2, v0  }
0x87: {  	v2 =	vld [tilespmem:s26+$0x1800]  }
0x88: {  	v0 =	vadd.f32 v3, v0  }
0x89: {  	v3 =	vld [tilespmem:s26+$0x1A00]  }
0x8a: {  	v0 =	vadd.f32 v1, v0  }
.Ltmp1:
0x8b: {  	(pc) =	sbr.rel @p0 .LBB2_4-.Ltmp1, $3  }
0x8c: {  	v0 =	vadd.f32 v2, v0;
	_ =	sdelay $0x1  }
0x8d: {  	s28 =	sshrl.u32 s24, $0x2;
	s23 =	sadd.s32 $0x10, s23;
	s25 =	sshra.s32 s25, $0x2;
	v0 =	vadd.f32 v3, v0  }
0x8e: {  	s24 =	sadd.s32 $0x40, s24;
	s28 =	sand.u32 $0x180, s28;
	s26 =	sand.u32 $0x70, s23  }
0x8f: {  	s23 =	sor.u32 s26, s28;
	[tilespmem:s25+$0x1C70] =	vst v0  }
0x90: {  	v0 =	vld [tilespmem:s23+$0x1000]  }
0x91: {  	v1 =	vld [tilespmem:s23+$0xE00];
	_ =	sdelay $0x1  }
0x92: {  	v2 =	vld [tilespmem:s23+$0x1200];
	_ =	sdelay $0x1  }
0x93: {  	v3 =	vld [tilespmem:s23+$0x1400]  }
0x94: {  	v0 =	vadd.f32 v0, v1  }
0x95: {  	v61 =	vld [tilespmem:s23+$0x1600]  }
0x96: {  	v0 =	vadd.f32 v2, v0  }
0x97: {  	v62 =	vld [tilespmem:s23+$0x1800]  }
0x98: {  	v0 =	vadd.f32 v3, v0  }
0x99: {  	v63 =	vld [tilespmem:s23+$0x1A00]  }
0x9a: {  	v0 =	vadd.f32 v61, v0;
	_ =	sdelay $0x1  }
0x9b: {  	v0 =	vadd.f32 v62, v0;
	_ =	sdelay $0x1  }
0x9c: {  	s21 =	sadd.s32 $0x1, s21;
	v0 =	vadd.f32 v63, v0  }
0x9d: {  	s22 =	sshra.s32 s22, $0x2;
	p0 =	sne.s32 s21, s7  }
.Ltmp2:
0x9e: {  	[tilespmem:s22+$0x1C70] =	vst v0;
	(pc) =	sbr.rel @p0 .LBB2_1-.Ltmp2, $4  }
0x9f: {  	[hbm4b:s6+s2] =	stream.linear.scatter [tilespmem:s20], [sflag:$0x2], $0x200, $0x38;
	[tilespmem:$0x1E70] =	vst v63  }
0xa0: {  	_ =	swait.ge [sflag:s8], $0x200  }
0xa1: {  	[sflag:s8] =	ssyncset.done $0x0  }
0xa2: {  	[sflag:s8] =	ssyncadd.s32 $0xFFFFFE00  }
0xa3: {  	_ =	sfence.sel $0x180000  }
0xa4: {  	[bflag:$0x0] =	sbarrier.arrive $0xFFFF  }
0xa5: {  	_ =	strace $0x9000004D  }
0xa6: {  	s0 =	stileid.u32;
	[bflag:$0x2] =	sbarrier.arrive $0xFFFF  }
0xa7: {  	p0 =	sne.s32 s0, $0x0;
	s0 =	rddreg [dreg:$0x1]  }
0xa8: {  	s0 =	sadd.s32 @!p0 $0x100000, s0  }
0xa9: {  	[sflag:s0] =	ssyncadd.tile.s32 @!p0 $0x1;
	_ =	shalt  }
.Lfunc_end2:
_tile_overlayer_lowered:
.L_overlay_start_2:
0xaa: {  	(tag) =	ssettag $0x2  }
0xab: {  	s0 =	rddreg [dreg:$0x0];
	s2 =	stileid.u32  }
0xac: {  	s1 =	rddreg [dreg:$0x1];
	p0 =	sne.s32 s2, $0x0  }
0xad: {  	s3 =	rddreg [dreg:$0x2];
	[bflag:$0x3] =	sbarrier.arrive $0xFFFF;
	s2 =	simm.s32 @!p0 $0x1C02  }
0xae: {  	[timem:s3], [sflag:s2] =	dma.local @!p0 [hbm:s0], s1  }
0xaf: {  	s0 =	simm.s32 @!p0 $0x2  }
0xb0: {  	_ =	swait.ge @!p0 [sflag:s0], s1  }
0xb1: {  	s1 =	ssub.s32 @!p0 $0x0, s1;
	[sflag:s0] =	ssyncset.done @!p0 $0x0  }
0xb2: {  	[sflag:s0] =	ssyncadd.s32 @!p0 s1  }
0xb3: {  	[bflag:$0x3] =	sbarrier.arrive $0xFFFF  }
0xb4: {  	_ =	shalt  }

// kernel: kernel.15.cloned.1.call-start
scs
__scs_entry_jumppad:
0x0: {  	(pc) =	sbr.rel $0x88, $3  }
0x1: {  	(tag) =	ssettag $0x0;
	lr =	simm.s32 $0x1  }
0x2: {  	[smem:$0x3F9B] =	sst lr;
	_ =	strace $0xD0000000  }
0x3: {  	_ = 	snop  }
0x4: {  	_ = 	snop  }
0x5: {  	_ = 	snop  }
0x6: {  	_ = 	snop  }
0x7: {  	_ = 	snop  }
__scs_overlays_trampoline_lowered:
0x8: {  	[smem:$0x3FAA] =	sst s0  }
0x9: {  	[smem:$0x3FAB] =	sst s1  }
0xa: {  	[smem:$0x3FAC] =	sst s2  }
0xb: {  	[smem:$0x3FAD] =	sst s3  }
0xc: {  	[smem:$0x3FAE] =	sst s4  }
0xd: {  	[smem:$0x3FAF] =	sst s5  }
0xe: {  	[smem:$0x3FB0] =	sst s6  }
0xf: {  	[smem:$0x3FB1] =	sst s7  }
0x10: {  	[smem:$0x3FB2] =	sst s8  }
0x11: {  	[smem:$0x3FB3] =	sst s9;
	s0 =	simm.s32 @!p0 $0x0  }
0x12: {  	s1 =	sld [smem:$0x3F99];
	s0 =	simm.s32 @p0 $0x1  }
0x13: {  	[smem:$0x3FB4] =	sst s0;
	s0 =	simm.s32 @!p1 $0x0  }
0x14: {  	s2 =	sld [smem:$0x3F98];
	s0 =	simm.s32 @p1 $0x1  }
0x15: {  	[smem:$0x3FB5] =	sst s0;
	s0 =	simm.s32 @!p2 $0x0  }
0x16: {  	s3 =	sld [smem:$0x3FDB];
	s0 =	simm.s32 @p2 $0x1  }
0x17: {  	s4 =	simm.s32 $0x1BF5;
	[smem:$0x3FB7] =	sst s0  }
0x18: {  	s0 =	sld [smem:$0x3F9A];
	_ =	swait.ge [sflag:s4], $0x0  }
0x19: {  	s7 =	sld [smem:$0x3F9B]  }
0x1a: {  	s8 =	sadd.s32 $0xFFFFE003, lr  }
0x1b: {  	s9 =	sadd.s32 $0xFFFFFEF7, lr;
	s5 =	simm.s32 $0xFFFFFFFF;
	p2 =	slt.u32 s8, $0xFFFFF086  }
0x1c: {  	p1 =	slt.u32 s9, $0xF7A;
	s5 =	simm.s32 @!p2 $0x0  }
0x1d: {  	s5 =	simm.s32 @p1 $0x1;
	p0 =	seq.s32 s7, s2  }
0x1e: {  	s7 =	smul.u32 @!p0 $0xF7A, s2;
	p2 =	seq.s32 @!p0 s5, $0x0  }
0x1f: {  	s9 =	smul.u32 $0xF7A, s1;
	s8 =	simm.s32 @!p0 $0x1BF5;
	p2 =	por !p2, p0  }
0x20: {  	[sflag:s8] =	ssyncset.s32 @!p0 $0xFFFFF086;
	s6 =	sadd.s32 @!p0 s3, s7;
	s7 =	simm.s32 @!p0 $0x108  }
0x21: {  	s3 =	sadd.s32 s3, s9;
	s6 =	sadd.s32 @!p0 $0x88, s6;
	s7 =	simm.s32 @p2 $0x1082  }
0x22: {  	[simem:s7], [sflag:s8] =	dma.local @!p0 [hbm:s6], $0xF7A  }
0x23: {  	s9 =	sor.u32 $0xD0000000, s2;
	s6 =	simm.s32 $0x108;
	_ =	swait.ge @!p0 [sflag:s8], $0x0  }
0x24: {  	s3 =	sadd.s32 $0x88, s3;
	s6 =	simm.s32 @!p1 $0x1082;
	[sflag:s4] =	ssyncset.s32 $0xFFFFF086  }
0x25: {  	[simem:s6], [sflag:s4] =	dma.local [hbm:s3], $0xF7A  }
0x26: {  	[smem:$0x3F9B] =	sst s1;
	(tag) =	ssettag s2;
	_ =	strace s9  }
0x27: {  	s1 =	sld [smem:$0x3FAB]  }
0x28: {  	s2 =	sld [smem:$0x3FAC]  }
0x29: {  	s4 =	sld [smem:$0x3FAE]  }
0x2a: {  	p0 =	seq.s32 s5, $0x0;
	s5 =	sld [smem:$0x3FAF]  }
0x2b: {  	s6 =	sld [smem:$0x3FB0]  }
0x2c: {  	s7 =	sld [smem:$0x3FB1]  }
0x2d: {  	s3 =	simm.s32 $0x108;
	s8 =	sld [smem:$0x3FB2]  }
0x2e: {  	s3 =	simm.s32 @!p0 $0x1082;
	s9 =	sld [smem:$0x3FB3]  }
0x2f: {  	lr =	sadd.s32 s0, s3;
	s0 =	sld [smem:$0x3FAA]  }
0x30: {  	s3 =	sld [smem:$0x3FAD]  }
0x31: {  	[smem:$0x3FB6] =	sst s10  }
0x32: {  	s10 =	sld [smem:$0x3FB4];
	_ =	sdelay $0x3  }
0x33: {  	p0 =	seq.s32 s10, $0x1;
	s10 =	sld [smem:$0x3FB6];
	_ =	sdelay $0x3  }
0x34: {  	[smem:$0x3FB6] =	sst s10  }
0x35: {  	s10 =	sld [smem:$0x3FB5];
	_ =	sdelay $0x3  }
0x36: {  	p1 =	seq.s32 s10, $0x1;
	s10 =	sld [smem:$0x3FB6];
	_ =	sdelay $0x3  }
0x37: {  	[smem:$0x3FB6] =	sst s10  }
0x38: {  	s10 =	sld [smem:$0x3FB7]  }
0x39: {  	_ = 	snop;
	(pc) =	sbr.ind lr, $3  }
0x3a: {  	_ = 	snop  }
0x3b: {  	_ = 	snop  }
0x3c: {  	p2 =	seq.s32 s10, $0x1;
	s10 =	sld [smem:$0x3FB6]  }
0x3d: {  	_ =	shalt  }
0x3e: {  	_ =	shalt  }
0x3f: {  	_ =	shalt  }
0x40: {  	_ =	shalt  }
0x41: {  	_ =	shalt  }
0x42: {  	_ =	shalt  }
0x43: {  	_ =	shalt  }
0x44: {  	_ =	shalt  }
0x45: {  	_ =	shalt  }
0x46: {  	_ =	shalt  }
0x47: {  	_ =	shalt  }
0x48: {  	_ =	shalt  }
0x49: {  	_ =	shalt  }
0x4a: {  	_ =	shalt  }
0x4b: {  	_ =	shalt  }
0x4c: {  	_ =	shalt  }
0x4d: {  	_ =	shalt  }
0x4e: {  	_ =	shalt  }
0x4f: {  	_ =	shalt  }
0x50: {  	_ =	shalt  }
0x51: {  	_ =	shalt  }
0x52: {  	_ =	shalt  }
0x53: {  	_ =	shalt  }
0x54: {  	_ =	shalt  }
0x55: {  	_ =	shalt  }
0x56: {  	_ =	shalt  }
0x57: {  	_ =	shalt  }
0x58: {  	_ =	shalt  }
0x59: {  	_ =	shalt  }
0x5a: {  	_ =	shalt  }
0x5b: {  	_ =	shalt  }
0x5c: {  	_ =	shalt  }
0x5d: {  	_ =	shalt  }
0x5e: {  	_ =	shalt  }
0x5f: {  	_ =	shalt  }
0x60: {  	_ =	shalt  }
0x61: {  	_ =	shalt  }
0x62: {  	_ =	shalt  }
0x63: {  	_ =	shalt  }
0x64: {  	_ =	shalt  }
0x65: {  	_ =	shalt  }
0x66: {  	_ =	shalt  }
0x67: {  	_ =	shalt  }
0x68: {  	_ =	shalt  }
0x69: {  	_ =	shalt  }
0x6a: {  	_ =	shalt  }
0x6b: {  	_ =	shalt  }
0x6c: {  	_ =	shalt  }
0x6d: {  	_ =	shalt  }
0x6e: {  	_ =	shalt  }
0x6f: {  	_ =	shalt  }
0x70: {  	_ =	shalt  }
0x71: {  	_ =	shalt  }
0x72: {  	_ =	shalt  }
0x73: {  	_ =	shalt  }
0x74: {  	_ =	shalt  }
0x75: {  	_ =	shalt  }
0x76: {  	_ =	shalt  }
0x77: {  	_ =	shalt  }
0x78: {  	_ =	shalt  }
0x79: {  	_ =	shalt  }
0x7a: {  	_ =	shalt  }
0x7b: {  	_ =	shalt  }
0x7c: {  	_ =	shalt  }
0x7d: {  	_ =	shalt  }
0x7e: {  	_ =	shalt  }
0x7f: {  	_ =	shalt  }
0x80: {  	_ =	shalt  }
0x81: {  	_ =	shalt  }
0x82: {  	_ =	shalt  }
0x83: {  	_ =	shalt  }
0x84: {  	_ =	shalt  }
0x85: {  	_ =	shalt  }
0x86: {  	_ =	shalt  }
0x87: {  	_ =	shalt  }
.Lfunc_end0:
.L_simem_size_0:
called_computation.3_lowered:
.L_overlay_start_0:
0x88: {  	s2 =	sld [smem:$0x3FD9]  }
0x89: {  	s3 =	sld [smem:$0x3FFE];
	_ =	sdelay $0x1  }
0x8a: {  	s1 =	srdreg.scid  }
0x8b: {  	s0 =	sand.u32 $0x1, s1  }
0x8c: {  	s16 =	sshll.u32 s0, $0xA;
	s2 =	sadd.s32 s3, s2  }
0x8d: {  	s2 =	sadd.s32 s2, s16  }
0x8e: {  	[smem:$0x3FC2] =	sst s2  }
0x8f: {  	_ = 	snop  }
0x90: {  	(tm) =	ssettm $0x1  }
0x91: {  	s17 =	sld [smem:$0x3FFB];
	_ =	sdelay $0x3  }
0x92: {  	_ =	strace s17  }
0x93: {  	s2 =	sld [smem:$0x3FFC];
	_ =	sdelay $0x3  }
0x94: {  	_ =	strace s2  }
0x95: {  	s2 =	sld [smem:$0x3FFD];
	_ =	sdelay $0x3  }
0x96: {  	_ =	strace s2  }
0x97: {  	_ =	strace $0x8FFFFFFF  }
0x98: {  	s18 =	sld [smem:$0x3FDB];
	_ =	sdelay $0x1  }
0x99: {  	s19 =	simm.s32 $_scs_section_size  }
0x9a: {  	s4 =	simm.s32 $_size__tile_overlayer_lowered;
	s5 =	simm.s32 $_tile_overlayer_lowered  }
0x9b: {  	s22 =	simm.s32 $0x1BFF;
	s21 =	sshll.u32 s5, $0x1;
	s2 =	sadd.s32 s19, s18  }
0x9c: {  	s6 =	simm.s32 $0x0;
	s20 =	sshll.u32 s4, $0x1;
	s4 =	sadd.s32 s21, s2  }
0x9d: {  	[timem:s6], [sflag:s22] =	dma.local [hbm:s4], s20  }
0x9e: {  	_ =	swait.ge [sflag:s22], s20  }
0x9f: {  	s3 =	ssub.s32 $0x0, s20;
	[sflag:s22] =	ssyncset.done $0x0  }
0xa0: {  	[sflag:s22] =	ssyncadd.s32 s3;
	_ =	sdelay $0x1  }
0xa1: {  	s23 =	simm.s32 $0x1B8B  }
0xa2: {  	_ =	swait.ge [sflag:s23], $0x1  }
0xa3: {  	[sflag:s23] =	ssyncset.done $0x0  }
0xa4: {  	s25 =	simm.s32 $0x1B8E;
	s24 =	sld [smem:$0x3FFE];
	[sflag:s23] =	ssyncadd.s32 $0xFFFFFFFF  }
0xa5: {  	s26 =	simm.s32 $execute0_lowered;
	[smem:$0x3FD2] =	sst s25  }
0xa6: {  	s4 =	sshll.u32 s26, $0x1;
	_ =	strace $0x80000046;
	[dreg:$0x1] =	wrdreg $0xFFFFFFFF  }
0xa7: {  	s28 =	simm.s32 $_size_execute0_lowered;
	s2 =	sadd.s32 s2, s4;
	[dreg:$0x0] =	wrdreg $0x0  }
0xa8: {  	s4 =	sshll.u32 s28, $0x1;
	[dreg:$0x2] =	wrdreg s2  }
0xa9: {  	[dreg:$0x3] =	wrdreg s4  }
0xaa: {  	[dreg:$0x4] =	wrdreg $0xC0  }
0xab: {  	_ =	task [dreg:s6], $0x5FFFF  }
0xac: {  	[dreg:$0x1] =	wrdreg $0xFFFFFFFF  }
0xad: {  	[dreg:$0x0] =	wrdreg $0x60  }
0xae: {  	[dreg:$0x2] =	wrdreg s24  }
0xaf: {  	[dreg:$0x3] =	wrdreg $0xC  }
0xb0: {  	_ =	task.clear_ibuf [dreg:s6], $0x4FFFF;
	_ =	strace $0x90000046  }
0xb1: {  	s29 =	simm.s32 $0xC;
	_ =	strace $0x80000048  }
0xb2: {  	_ =	swait.ge [sflag:s29], $0x1  }
0xb3: {  	[sflag:s29] =	ssyncadd.s32 $0xFFFFFFFF  }
0xb4: {  	_ =	strace $0x90000048  }
0xb5: {  	_ =	sfence  }
0xb6: {  	s30 =	sld [smem:$0x0];
	_ =	sdelay $0x2  }
0xb7: {  	s31 =	sshll.u32 s1, $0xD;
	s1 =	sshrl.u32 s1, $0x2  }
0xb8: {  	s3 =	sand.u32 $0x4000, s31;
	s1 =	sadd.s32 s1, s30  }
0xb9: {  	s0 =	sor.u32 s3, s0;
	s1 =	sshll.u32 s1, $0x11  }
0xba: {  	s0 =	sor.u32 s1, s0  }
0xbb: {  	s0 =	sadd.s32 $0x8F2B, s0  }
0xbc: {  	[sflag:s0] =	ssyncadd.remote.s32 $0x1  }
0xbd: {  	_ =	sfence.sel $0xFFFF  }
0xbe: {  	[dreg:$0x0] =	wrdreg $0xFFFFFFFF;
	(pc) =	sbr.abs _section_cstart, $3  }
0xbf: {  	[dreg:$0x1] =	wrdreg $0xFFFFFFFF  }
0xc0: {  	_ =	task.clear_ibuf [dreg:s6], $0x2FFFF;
	_ =	strace $0x9FFFFFFF  }
0xc1: {  	(tm) =	ssettm $0x7FFFFFFF  }
tec
execute0_lowered:
.L_overlay_start_1:
0x0: {  	(tag) =	ssettag $0x1  }
0x1: {  	s0 =	srdreg.scid  }
0x2: {  	s1 =	stileid.u32;
	s7 =	rddreg [dreg:$0x0];
	s2 =	simm.s32 $0x0  }
0x3: {  	s11 =	simm.s32 $0x2;
	s13 =	simm.s32 $0x80;
	s12 =	simm.s32 $0x1600  }
0x4: {  	s14 =	simm.s32 $0xA80;
	s15 =	simm.s32 $0x1680;
	s16 =	simm.s32 $0xB00  }
0x5: {  	s17 =	simm.s32 $0x1700;
	s18 =	simm.s32 $0xB80;
	s19 =	simm.s32 $0x1780  }
0x6: {  	s20 =	simm.s32 $0x1800;
	s21 =	simm.s32 $0x3200;
	s22 =	simm.s32 $0x32D0  }
0x7: {  	s23 =	simm.s32 $0x1;
	s24 =	simm.s32 $0x3340;
	s25 =	simm.s32 $0x0  }
0x8: {  	s0 =	sand.u32 $0x1, s0;
	s1 =	sshll.u32 s1, $0x1;
	[smem:$0x7FF] =	sst s2  }
0x9: {  	s4 =	sadd.s32 $0x30000, s7;
	s5 =	sadd.s32 $0x1800, s7;
	s1 =	sor.u32 s0, s1  }
0xa: {  	s6 =	sadd.s32 $0xB400, s7;
	s0 =	ssub.s32 $0x2, s0;
	s3 =	smul.u32 $0x180, s1  }
0xb: {  	s9 =	smul.u32 $0x340, s1;
	s1 =	sshll.u32 s1, $0x6;
	s31 =	sshrl.u32 s0, $0x1  }
0xc: {  	_ =	strace $0x80000047;
	s1 =	sadd.s32 s1, s7;
	s0 =	ssub.s32 s0, s31  }
0xd: {  	s8 =	sadd.s32 s3, s7;
	s3 =	sadd.s32 $0x1A00, s7;
	s9 =	sadd.s32 s9, s7  }
0xe: {  	s10 =	smax.u32 s0, $0x1;
	s0 =	simm.s32 $0xA00;
	s7 =	sadd.s32 $0x8400, s8  }
0xf: {  	s8 =	sadd.s32 $0x1C00, s9;
	s9 =	sadd.s32 $0x30400, s1;
	s1 =	simm.s32 $0x1580  }
.LBB2_1:
0x10: {  	[tilespmem:s2], [sflag:$0x2] =	stream.linear.gather [hbm4b:s7+s2], $0xC00, $0x38;
	[tilespmem:$0x3540] =	vst v63  }
0x11: {  	_ =	swait.ge [sflag:s11], $0xC00  }
0x12: {  	[sflag:s11] =	ssyncset.done $0x0  }
0x13: {  	s26 =	simm.s32 $0x32E0;
	[sflag:s11] =	ssyncadd.s32 $0xFFFFF400  }
0x14: {  	[tilespmem:s26], [sflag:$0x2] =	stream.linear.gather [hbm4b:s5+s2], $0x60, $0x38;
	[tilespmem:$0x3540] =	vst v63  }
0x15: {  	_ =	swait.ge [sflag:s11], $0x60  }
0x16: {  	[sflag:s11] =	ssyncset.done $0x0  }
0x17: {  	s26 =	simm.s32 $0x40;
	[sflag:s11] =	ssyncadd.s32 $0xFFFFFFA0  }
0x18: {  	v6 =	vld [tilespmem:s26+$0xFFFFFFC0]  }
0x19: {  	s28 =	sand.u32 $0x1C0, s2;
	v7 =	vld [tilespmem:s26+$0x30]  }
0x1a: {  	s28 =	sshrl.u32 s28, $0x2;
	v9 =	vld [tilespmem:s26+$0xFFFFFFD0]  }
0x1b: {  	v2 =	vld [tilespmem:s28+$0x32E0]  }
0x1c: {  	v0 =	vld [tilespmem:s26+$0xFFFFFFF0]  }
0x1d: {  	v1 =	vld [tilespmem:s26+$0x10]  }
0x1e: {  	v3 =	vld [tilespmem:s26+$0x20]  }
0x1f: {  	v5 =	vld [tilespmem:s26+$0xFFFFFFE0]  }
0x20: {  	v4 =	vld [tilespmem:s26+$0x0];
	_ =	sdelay $0x1  }
0x21: {  	s29 =	simm.s32 $0x40;
	s28 =	simm.s32 $0x10;
	v8 =	vadd.s32 v2, v6;
	v6 =	vadd.s32 v2, v9;
	v7 =	vadd.s32 v2, v7  }
.LBB2_2:
0x22: {  	p0 =	sne.s32 s28, $0x170  }
0x23: {  	[tilespmem:s26+$0xFFFFFFC0] =	vst v8;
	v5 =	vadd.s32 v2, v5;
	v8 =	vadd.s32 v2, v0;
	v3 =	vadd.s32 v2, v3;
	s29 =	sadd.s32 $0x80, s29;
	s30 =	smov.u32 s28;
	s28 =	sadd.s32 $0x10, s28  }
0x24: {  	v1 =	vadd.s32 v2, v1;
	v4 =	vadd.s32 v2, v4;
	[tilespmem:s26+$0x30] =	vst v7  }
0x25: {  	v0 =	vld [tilespmem:s29+$0xFFFFFFF0];
	[tilespmem:s26+$0xFFFFFFD0] =	vst v6  }
0x26: {  	v6 =	vld [tilespmem:s29+$0xFFFFFFC0];
	[tilespmem:s26+$0x10] =	vst v1  }
0x27: {  	v1 =	vld [tilespmem:s29+$0x10];
	[tilespmem:s26+$0x20] =	vst v3  }
0x28: {  	v7 =	vld [tilespmem:s29+$0x30];
	[tilespmem:s26+$0xFFFFFFE0] =	vst v5  }
0x29: {  	s30 =	sand.u32 $0x1C0, s30;
	v9 =	vld [tilespmem:s29+$0xFFFFFFD0];
	[tilespmem:s26+$0xFFFFFFF0] =	vst v8  }
0x2a: {  	s30 =	sshrl.u32 s30, $0x2;
	v3 =	vld [tilespmem:s29+$0x20];
	[tilespmem:s26+$0x0] =	vst v4;
	s26 =	smov.u32 s29  }
0x2b: {  	v2 =	vld [tilespmem:s30+$0x32E0]  }
.Ltmp0:
0x2c: {  	v5 =	vld [tilespmem:s29+$0xFFFFFFE0];
	(pc) =	sbr.rel @p0 .LBB2_2-.Ltmp0, $2  }
0x2d: {  	v4 =	vld [tilespmem:s29+$0x0];
	_ =	sdelay $0x2  }
0x2e: {  	v8 =	vadd.s32 v2, v6;
	v6 =	vadd.s32 v2, v9;
	v7 =	vadd.s32 v2, v7  }
0x2f: {  	[tilespmem:s26+$0xFFFFFFC0] =	vst v8  }
0x30: {  	[tilespmem:s26+$0x30] =	vst v7  }
0x31: {  	v1 =	vadd.s32 v2, v1;
	[tilespmem:s26+$0xFFFFFFD0] =	vst v6  }
0x32: {  	v3 =	vadd.s32 v2, v3;
	[tilespmem:s26+$0x10] =	vst v1  }
0x33: {  	v0 =	vadd.s32 v2, v0;
	[tilespmem:s26+$0x20] =	vst v3  }
0x34: {  	v1 =	vadd.s32 v2, v5;
	[tilespmem:s26+$0xFFFFFFF0] =	vst v0  }
0x35: {  	[tilespmem:s26+$0xFFFFFFE0] =	vst v1;
	v1 =	vadd.s32 v2, v4  }
0x36: {  	s31 =	simm.s32 $0x0;
	s28 =	simm.s32 $0xC00;
	[tilespmem:s26+$0x0] =	vst v1  }
0x37: {  	[tilespmem:s28], [sflag:$0x1] =	stream.indirect.gather [hbm4b:s6+s13], $0x1, s31, s13, $0xb8;
	[tilespmem:$0x3540] =	vst v63  }
0x38: {  	s28 =	simm.s32 $0xC80  }
0x39: {  	[tilespmem:s28], [sflag:$0x1] =	stream.indirect.gather [hbm4b:s6+s13], $0x1, s13, s13, $0xb8;
	[tilespmem:$0x3540] =	vst v63  }
0x3a: {  	s29 =	simm.s32 $0xD00;
	s28 =	simm.s32 $0x100  }
0x3b: {  	[tilespmem:s29], [sflag:$0x1] =	stream.indirect.gather [hbm4b:s6+s13], $0x1, s28, s13, $0xb8;
	[tilespmem:$0x3540] =	vst v63  }
0x3c: {  	s28 =	simm.s32 $0x180;
	s29 =	simm.s32 $0xD80  }
0x3d: {  	[tilespmem:s29], [sflag:$0x1] =	stream.indirect.gather [hbm4b:s6+s13], $0x1, s28, s13, $0xb8;
	[tilespmem:$0x3540] =	vst v63  }
0x3e: {  	s28 =	simm.s32 $0x200;
	s29 =	simm.s32 $0xE00  }
0x3f: {  	[tilespmem:s29], [sflag:$0x1] =	stream.indirect.gather [hbm4b:s6+s13], $0x1, s28, s13, $0xb8;
	[tilespmem:$0x3540] =	vst v63  }
0x40: {  	s28 =	simm.s32 $0x280;
	s29 =	simm.s32 $0xE80  }
0x41: {  	[tilespmem:s29], [sflag:$0x1] =	stream.indirect.gather [hbm4b:s6+s13], $0x1, s28, s13, $0xb8;
	[tilespmem:$0x3540] =	vst v63  }
0x42: {  	s28 =	simm.s32 $0x300;
	s29 =	simm.s32 $0xF00  }
0x43: {  	[tilespmem:s29], [sflag:$0x1] =	stream.indirect.gather [hbm4b:s6+s13], $0x1, s28, s13, $0xb8;
	[tilespmem:$0x3540] =	vst v63  }
0x44: {  	s28 =	simm.s32 $0x380;
	s29 =	simm.s32 $0xF80  }
0x45: {  	[tilespmem:s29], [sflag:$0x1] =	stream.indirect.gather [hbm4b:s6+s13], $0x1, s28, s13, $0xb8;
	[tilespmem:$0x3540] =	vst v63  }
0x46: {  	s28 =	simm.s32 $0x400;
	s29 =	simm.s32 $0x1000  }
0x47: {  	[tilespmem:s29], [sflag:$0x1] =	stream.indirect.gather [hbm4b:s6+s13], $0x1, s28, s13, $0xb8;
	[tilespmem:$0x3540] =	vst v63  }
0x48: {  	s28 =	simm.s32 $0x480;
	s29 =	simm.s32 $0x1080  }
0x49: {  	[tilespmem:s29], [sflag:$0x1] =	stream.indirect.gather [hbm4b:s6+s13], $0x1, s28, s13, $0xb8;
	[tilespmem:$0x3540] =	vst v63  }
0x4a: {  	s28 =	simm.s32 $0x500;
	s29 =	simm.s32 $0x1100  }
0x4b: {  	[tilespmem:s29], [sflag:$0x1] =	stream.indirect.gather [hbm4b:s6+s13], $0x1, s28, s13, $0xb8;
	[tilespmem:$0x3540] =	vst v63  }
0x4c: {  	s28 =	simm.s32 $0x580;
	s29 =	simm.s32 $0x1180  }
0x4d: {  	[tilespmem:s29], [sflag:$0x1] =	stream.indirect.gather [hbm4b:s6+s13], $0x1, s28, s13, $0xb8;
	[tilespmem:$0x3540] =	vst v63  }
0x4e: {  	s28 =	simm.s32 $0x600;
	s29 =	simm.s32 $0x1200  }
0x4f: {  	[tilespmem:s29], [sflag:$0x1] =	stream.indirect.gather [hbm4b:s6+s13], $0x1, s28, s13, $0xb8;
	[tilespmem:$0x3540] =	vst v63  }
0x50: {  	s28 =	simm.s32 $0x680;
	s29 =	simm.s32 $0x1280  }
0x51: {  	[tilespmem:s29], [sflag:$0x1] =	stream.indirect.gather [hbm4b:s6+s13], $0x1, s28, s13, $0xb8;
	[tilespmem:$0x3540] =	vst v63  }
0x52: {  	s28 =	simm.s32 $0x700;
	s29 =	simm.s32 $0x1300  }
0x53: {  	[tilespmem:s29], [sflag:$0x1] =	stream.indirect.gather [hbm4b:s6+s13], $0x1, s28, s13, $0xb8;
	[tilespmem:$0x3540] =	vst v63  }
0x54: {  	s28 =	simm.s32 $0x780;
	s29 =	simm.s32 $0x1380  }
0x55: {  	[tilespmem:s29], [sflag:$0x1] =	stream.indirect.gather [hbm4b:s6+s13], $0x1, s28, s13, $0xb8;
	[tilespmem:$0x3540] =	vst v63  }
0x56: {  	s28 =	simm.s32 $0x800;
	s29 =	simm.s32 $0x1400  }
0x57: {  	[tilespmem:s29], [sflag:$0x1] =	stream.indirect.gather [hbm4b:s6+s13], $0x1, s28, s13, $0xb8;
	[tilespmem:$0x3540] =	vst v63  }
0x58: {  	s28 =	simm.s32 $0x880;
	s29 =	simm.s32 $0x1480  }
0x59: {  	[tilespmem:s29], [sflag:$0x1] =	stream.indirect.gather [hbm4b:s6+s13], $0x1, s28, s13, $0xb8;
	[tilespmem:$0x3540] =	vst v63  }
0x5a: {  	s28 =	simm.s32 $0x900;
	s29 =	simm.s32 $0x1500  }
0x5b: {  	[tilespmem:s29], [sflag:$0x1] =	stream.indirect.gather [hbm4b:s6+s13], $0x1, s28, s13, $0xb8;
	[tilespmem:$0x3540] =	vst v63  }
0x5c: {  	s28 =	simm.s32 $0x980  }
0x5d: {  	[tilespmem:s1], [sflag:$0x1] =	stream.indirect.gather [hbm4b:s6+s13], $0x1, s28, s13, $0xb8;
	[tilespmem:$0x3540] =	vst v63  }
0x5e: {  	_ = 	snop  }
0x5f: {  	[tilespmem:s12], [sflag:$0x1] =	stream.indirect.gather [hbm4b:s6+s13], $0x1, s0, s13, $0xb8;
	[tilespmem:$0x3540] =	vst v63  }
0x60: {  	_ = 	snop  }
0x61: {  	[tilespmem:s15], [sflag:$0x1] =	stream.indirect.gather [hbm4b:s6+s13], $0x1, s14, s13, $0xb8;
	[tilespmem:$0x3540] =	vst v63  }
0x62: {  	_ = 	snop  }
0x63: {  	[tilespmem:s17], [sflag:$0x1] =	stream.indirect.gather [hbm4b:s6+s13], $0x1, s16, s13, $0xb8;
	[tilespmem:$0x3540] =	vst v63  }
0x64: {  	_ = 	snop  }
0x65: {  	[tilespmem:s19], [sflag:$0x1] =	stream.indirect.gather [hbm4b:s6+s13], $0x1, s18, s13, $0xb8;
	[tilespmem:$0x3540] =	vst v63  }
0x66: {  	_ = 	snop  }
0x67: {  	[tilespmem:s20], [sflag:$0x2] =	stream.linear.gather [hbm4b:s8+s31], $0x1A00, $0x38;
	[tilespmem:$0x3540] =	vst v63  }
0x68: {  	_ =	swait.ge [sflag:s11], $0x1A00  }
0x69: {  	[sflag:s11] =	ssyncset.done $0x0  }
0x6a: {  	[sflag:s11] =	ssyncadd.s32 $0xFFFFE600  }
0x6b: {  	[tilespmem:s21], [sflag:$0x2] =	stream.linear.gather [hbm4b:s3+s31], $0xD0, $0x38;
	[tilespmem:$0x3540] =	vst v63  }
0x6c: {  	_ =	swait.ge [sflag:s11], $0xD0  }
0x6d: {  	[sflag:s11] =	ssyncset.done $0x0  }
0x6e: {  	[sflag:s11] =	ssyncadd.s32 $0xFFFFFF30  }
0x6f: {  	[tilespmem:s22], [sflag:$0x2] =	stream.linear.gather [hbm4b:s4+s31], $0x10, $0x38;
	[tilespmem:$0x3540] =	vst v63  }
0x70: {  	_ =	swait.ge [sflag:s11], $0x10  }
0x71: {  	[sflag:s11] =	ssyncset.done $0x0  }
0x72: {  	[sflag:s11] =	ssyncadd.s32 $0xFFFFFFF0  }
0x73: {  	v12 =	vld [tilespmem:$0x3200]  }
0x74: {  	v11 =	vld [tilespmem:$0x3210]  }
0x75: {  	v10 =	vld [tilespmem:$0x3220]  }
0x76: {  	v9 =	vld [tilespmem:$0x3230]  }
0x77: {  	v8 =	vld [tilespmem:$0x3240]  }
0x78: {  	v7 =	vld [tilespmem:$0x3250]  }
0x79: {  	v5 =	vld [tilespmem:$0x3260]  }
0x7a: {  	s28 =	simm.s32 $0x0;
	v0 =	vld [tilespmem:$0x3270]  }
0x7b: {  	v2 =	vld [tilespmem:s28+$0x1800]  }
0x7c: {  	v13 =	vld [tilespmem:$0x32D0]  }
0x7d: {  	v4 =	vld [tilespmem:s28+$0x1A00]  }
0x7e: {  	v3 =	vld [tilespmem:$0x3280]  }
0x7f: {  	v6 =	vld [tilespmem:s28+$0x1C00]  }
0x80: {  	v1 =	vld [tilespmem:$0x3290];
	v14 =	vmul.f32 v2, v12  }
0x81: {  	v15 =	vld [tilespmem:s28+$0x1E00]  }
0x82: {  	v17 =	vld [tilespmem:s28+$0x2000];
	v16 =	vmul.f32 v4, v11;
	v14 =	vadd.f32 v14, v13  }
0x83: {  	s26 =	simm.s32 $0x10;
	v18 =	vld [tilespmem:s28+$0x2200]  }
0x84: {  	v19 =	vld [tilespmem:s26+$0x1800];
	v14 =	vadd.f32 v16, v14;
	v16 =	vmul.f32 v6, v10  }
0x85: {  	v20 =	vld [tilespmem:s26+$0x1A00]  }
0x86: {  	v21 =	vld [tilespmem:s26+$0x1C00];
	v15 =	vmul.f32 v15, v9;
	v14 =	vadd.f32 v16, v14  }
0x87: {  	v16 =	vld [tilespmem:s28+$0x2400]  }
0x88: {  	v22 =	vld [tilespmem:s26+$0x1E00];
	v14 =	vadd.f32 v15, v14;
	v15 =	vmul.f32 v17, v8  }
0x89: {  	v17 =	vld [tilespmem:s28+$0x2600]  }
0x8a: {  	v23 =	vld [tilespmem:s28+$0x2C00];
	v14 =	vadd.f32 v15, v14;
	v15 =	vmul.f32 v18, v7  }
0x8b: {  	v18 =	vld [tilespmem:s28+$0x2800]  }
0x8c: {  	v2 =	vld [tilespmem:$0x32A0];
	v14 =	vadd.f32 v15, v14;
	v15 =	vmul.f32 v16, v5  }
0x8d: {  	v16 =	vmul.f32 v19, v12;
	v19 =	vld [tilespmem:s28+$0x2A00]  }
0x8e: {  	v4 =	vld [tilespmem:$0x32B0];
	v17 =	vmul.f32 v17, v0;
	v15 =	vadd.f32 v15, v14  }
0x8f: {  	v20 =	vmul.f32 v20, v11;
	v6 =	vld [tilespmem:$0x32C0];
	v16 =	vadd.f32 v16, v13  }
0x90: {  	v14 =	vld [tilespmem:s26+$0x2000];
	v18 =	vmul.f32 v18, v3;
	v24 =	vadd.f32 v17, v15  }
0x91: {  	v16 =	vadd.f32 v20, v16;
	v20 =	vmul.f32 v21, v10;
	v17 =	vld [tilespmem:s28+$0x2E00]  }
0x92: {  	v15 =	vld [tilespmem:s26+$0x2200];
	v63 =	vmul.f32 v19, v1;
	v21 =	vadd.f32 v18, v24  }
0x93: {  	v19 =	vadd.f32 v20, v16;
	v16 =	vld [tilespmem:s28+$0x3000];
	v20 =	vmul.f32 v22, v9  }
0x94: {  	s30 =	simm.s32 $0xC0;
	s29 =	simm.s32 $0x20;
	v18 =	vld [tilespmem:s26+$0x2400];
	v22 =	vmul.f32 v23, v2;
	v21 =	vadd.f32 v63, v21  }
.LBB2_4:
0x95: {  	p0 =	sne.s32 s30, $0x7C0;
	v23 =	vld [tilespmem:s29+$0x1800];
	v19 =	vadd.f32 v20, v19;
	v14 =	vmul.f32 v14, v8  }
0x96: {  	v20 =	vld [tilespmem:s26+$0x2600];
	v21 =	vadd.f32 v22, v21;
	v17 =	vmul.f32 v17, v4  }
0x97: {  	v22 =	vld [tilespmem:s29+$0x1A00];
	v14 =	vadd.f32 v14, v19;
	v15 =	vmul.f32 v15, v7  }
0x98: {  	v19 =	vld [tilespmem:s26+$0x2800];
	v17 =	vadd.f32 v17, v21;
	v16 =	vmul.f32 v16, v6  }
0x99: {  	v21 =	vld [tilespmem:s29+$0x1C00];
	v14 =	vadd.f32 v15, v14;
	v15 =	vmul.f32 v18, v5  }
0x9a: {  	v18 =	vmul.f32 v23, v12;
	v23 =	vld [tilespmem:s26+$0x2A00];
	v16 =	vadd.f32 v16, v17  }
0x9b: {  	v24 =	vld [tilespmem:s29+$0x1E00];
	v15 =	vadd.f32 v15, v14;
	v17 =	vmul.f32 v20, v0  }
0x9c: {  	v18 =	vadd.f32 v18, v13;
	v20 =	vmul.f32 v22, v11;
	v22 =	vld [tilespmem:s26+$0x2C00];
	[tilespmem:s28+$0x3340] =	vst v16;
	s28 =	smov.u32 s26;
	s26 =	smov.u32 s29  }
.Ltmp1:
0x9d: {  	v14 =	vld [tilespmem:s26+$0x2000];
	v16 =	vadd.f32 v17, v15;
	v19 =	vmul.f32 v19, v3;
	(pc) =	sbr.rel @p0 .LBB2_4-.Ltmp1, $4  }
0x9e: {  	v18 =	vadd.f32 v20, v18;
	v20 =	vmul.f32 v21, v10;
	v17 =	vld [tilespmem:s28+$0x2E00]  }
0x9f: {  	v15 =	vld [tilespmem:s26+$0x2200];
	v21 =	vadd.f32 v19, v16;
	v23 =	vmul.f32 v23, v1  }
0xa0: {  	v19 =	vadd.f32 v20, v18;
	v20 =	vmul.f32 v24, v9;
	v16 =	vld [tilespmem:s28+$0x3000]  }
0xa1: {  	s29 =	sshra.s32 s30, $0x2;
	s30 =	sadd.s32 $0x40, s30;
	v18 =	vld [tilespmem:s26+$0x2400];
	v21 =	vadd.f32 v23, v21;
	v22 =	vmul.f32 v22, v2  }
0xa2: {  	v23 =	vld [tilespmem:s29+$0x1800];
	v19 =	vadd.f32 v20, v19;
	v14 =	vmul.f32 v14, v8  }
0xa3: {  	v39 =	vld [tilespmem:s26+$0x2600];
	v21 =	vadd.f32 v22, v21;
	v17 =	vmul.f32 v17, v4  }
0xa4: {  	v40 =	vld [tilespmem:s29+$0x1A00];
	v14 =	vadd.f32 v14, v19;
	v15 =	vmul.f32 v15, v7  }
0xa5: {  	v41 =	vld [tilespmem:s26+$0x2800];
	v17 =	vadd.f32 v17, v21;
	v16 =	vmul.f32 v16, v6  }
0xa6: {  	v42 =	vld [tilespmem:s29+$0x1C00];
	v14 =	vadd.f32 v15, v14  }
0xa7: {  	v44 =	vld [tilespmem:s26+$0x2A00];
	v43 =	vmul.f32 v18, v5;
	v12 =	vmul.f32 v23, v12;
	v16 =	vadd.f32 v16, v17  }
0xa8: {  	v45 =	vld [tilespmem:s29+$0x1E00];
	v46 =	vmul.f32 v39, v0  }
0xa9: {  	v47 =	vld [tilespmem:s26+$0x2C00];
	v11 =	vmul.f32 v40, v11;
	v14 =	vadd.f32 v43, v14;
	v12 =	vadd.f32 v12, v13;
	[tilespmem:s28+$0x3340] =	vst v16  }
0xaa: {  	v49 =	vmul.f32 v41, v3;
	v48 =	vld [tilespmem:s29+$0x2000]  }
0xab: {  	v10 =	vmul.f32 v42, v10;
	v14 =	vadd.f32 v46, v14;
	v50 =	vld [tilespmem:s26+$0x2E00];
	v11 =	vadd.f32 v11, v12  }
0xac: {  	v51 =	vmul.f32 v44, v1;
	v16 =	vld [tilespmem:s29+$0x2200]  }
0xad: {  	v9 =	vmul.f32 v45, v9;
	v52 =	vld [tilespmem:s26+$0x3000];
	v14 =	vadd.f32 v49, v14;
	v10 =	vadd.f32 v10, v11  }
0xae: {  	v54 =	vmul.f32 v47, v2;
	v53 =	vld [tilespmem:s29+$0x2400]  }
0xaf: {  	v14 =	vadd.f32 v51, v14;
	v9 =	vadd.f32 v9, v10;
	v55 =	vmul.f32 v48, v8  }
0xb0: {  	v56 =	vld [tilespmem:s29+$0x2600];
	v12 =	vmul.f32 v50, v4  }
0xb1: {  	v58 =	vmul.f32 v16, v7;
	v57 =	vadd.f32 v54, v14;
	v8 =	vadd.f32 v55, v9  }
0xb2: {  	v59 =	vld [tilespmem:s29+$0x2800];
	v11 =	vmul.f32 v52, v6  }
0xb3: {  	v60 =	vmul.f32 v53, v5;
	v12 =	vadd.f32 v12, v57;
	v7 =	vadd.f32 v58, v8  }
0xb4: {  	v61 =	vld [tilespmem:s29+$0x2A00]  }
0xb5: {  	v0 =	vmul.f32 v56, v0;
	v11 =	vadd.f32 v11, v12;
	v5 =	vadd.f32 v60, v7  }
0xb6: {  	v62 =	vld [tilespmem:s29+$0x2C00]  }
0xb7: {  	v3 =	vmul.f32 v59, v3;
	[tilespmem:s26+$0x3340] =	vst v11;
	v0 =	vadd.f32 v0, v5  }
0xb8: {  	v63 =	vld [tilespmem:s29+$0x2E00]  }
0xb9: {  	v1 =	vmul.f32 v61, v1;
	v0 =	vadd.f32 v3, v0  }
0xba: {  	v3 =	vld [tilespmem:s29+$0x3000]  }
0xbb: {  	v0 =	vadd.f32 v1, v0;
	v1 =	vmul.f32 v62, v2;
	_ =	sdelay $0x1  }
0xbc: {  	v0 =	vadd.f32 v1, v0;
	v1 =	vmul.f32 v63, v4;
	_ =	sdelay $0x1  }
0xbd: {  	v0 =	vadd.f32 v1, v0;
	v1 =	vmul.f32 v3, v6;
	_ =	sdelay $0x1  }
0xbe: {  	v0 =	vadd.f32 v1, v0;
	_ =	sdelay $0x1  }
0xbf: {  	[tilespmem:s29+$0x3340] =	vst v0  }
0xc0: {  	s28 =	simm.s32 $0x0;
	s26 =	simm.s32 $0x0;
	_ =	swait.ge [sflag:s23], $0xC00  }
0xc1: {  	s28 =	sand.u32 $0x180, s28;
	s26 =	sand.u32 $0x70, s26;
	[sflag:s23] =	ssyncset.done $0x0  }
0xc2: {  	s28 =	sor.u32 s26, s28;
	[sflag:s23] =	ssyncadd.s32 $0xFFFFF400  }
0xc3: {  	s26 =	simm.s32 $0x0;
	v0 =	vld [tilespmem:s28+$0xC00]  }
0xc4: {  	v1 =	vld [tilespmem:s26+$0x3340];
	_ =	sdelay $0x1  }
0xc5: {  	v2 =	vld [tilespmem:s28+$0xE00];
	_ =	sdelay $0x1  }
0xc6: {  	v3 =	vld [tilespmem:s28+$0x1000]  }
0xc7: {  	v0 =	vadd.f32 v0, v1  }
0xc8: {  	v1 =	vld [tilespmem:s28+$0x1200]  }
0xc9: {  	v0 =	vadd.f32 v2, v0  }
0xca: {  	v2 =	vld [tilespmem:s28+$0x1400]  }
0xcb: {  	v0 =	vadd.f32 v3, v0  }
0xcc: {  	v3 =	vld [tilespmem:s28+$0x1600]  }
0xcd: {  	v0 =	vadd.f32 v1, v0;
	_ =	sdelay $0x1  }
0xce: {  	v0 =	vadd.f32 v2, v0  }
0xcf: {  	s31 =	simm.s32 $0x10  }
0xd0: {  	s31 =	sand.u32 $0x180, s31;
	s29 =	simm.s32 $0x10;
	v0 =	vadd.f32 v3, v0  }
0xd1: {  	s30 =	sand.u32 $0x70, s29;
	s29 =	simm.s32 $0x20;
	s28 =	simm.s32 $0x40  }
.LBB2_6:
0xd2: {  	p0 =	sne.s32 s29, $0x1F0;
	s30 =	sor.u32 s30, s31;
	[tilespmem:s26+$0x3340] =	vst v0  }
0xd3: {  	s26 =	sshra.s32 s28, $0x2;
	v0 =	vld [tilespmem:s30+$0xC00]  }
0xd4: {  	v1 =	vld [tilespmem:s26+$0x3340];
	_ =	sdelay $0x1  }
0xd5: {  	v2 =	vld [tilespmem:s30+$0xE00];
	_ =	sdelay $0x1  }
0xd6: {  	v3 =	vld [tilespmem:s30+$0x1000]  }
0xd7: {  	v0 =	vadd.f32 v0, v1  }
0xd8: {  	v1 =	vld [tilespmem:s30+$0x1200]  }
0xd9: {  	v0 =	vadd.f32 v2, v0  }
0xda: {  	v2 =	vld [tilespmem:s30+$0x1400]  }
0xdb: {  	v0 =	vadd.f32 v3, v0  }
0xdc: {  	v3 =	vld [tilespmem:s30+$0x1600]  }
0xdd: {  	v0 =	vadd.f32 v1, v0  }
.Ltmp2:
0xde: {  	(pc) =	sbr.rel @p0 .LBB2_6-.Ltmp2, $4  }
0xdf: {  	v0 =	vadd.f32 v2, v0  }
0xe0: {  	s28 =	sadd.s32 $0x40, s28  }
0xe1: {  	s31 =	sshrl.u32 s28, $0x2;
	v0 =	vadd.f32 v3, v0  }
0xe2: {  	s31 =	sand.u32 $0x180, s31;
	s30 =	sand.u32 $0x70, s29;
	s29 =	sadd.s32 $0x10, s29  }
0xe3: {  	s29 =	sor.u32 s30, s31;
	[tilespmem:s26+$0x3340] =	vst v0  }
0xe4: {  	s31 =	sshra.s32 s28, $0x2;
	v0 =	vld [tilespmem:s29+$0xC00]  }
0xe5: {  	v1 =	vld [tilespmem:s31+$0x3340];
	_ =	sdelay $0x1  }
0xe6: {  	v2 =	vld [tilespmem:s29+$0xE00];
	_ =	sdelay $0x1  }
0xe7: {  	v3 =	vld [tilespmem:s29+$0x1000]  }
0xe8: {  	v0 =	vadd.f32 v0, v1  }
0xe9: {  	v61 =	vld [tilespmem:s29+$0x1200]  }
0xea: {  	v0 =	vadd.f32 v2, v0  }
0xeb: {  	v62 =	vld [tilespmem:s29+$0x1400]  }
0xec: {  	v0 =	vadd.f32 v3, v0  }
0xed: {  	v63 =	vld [tilespmem:s29+$0x1600]  }
0xee: {  	v0 =	vadd.f32 v61, v0;
	_ =	sdelay $0x1  }
0xef: {  	v0 =	vadd.f32 v62, v0;
	_ =	sdelay $0x1  }
0xf0: {  	s25 =	sadd.s32 $0x1, s25;
	v0 =	vadd.f32 v63, v0  }
0xf1: {  	p0 =	sne.s32 s25, s10  }
.Ltmp3:
0xf2: {  	[tilespmem:s31+$0x3340] =	vst v0;
	(pc) =	sbr.rel @p0 .LBB2_1-.Ltmp3, $4  }
0xf3: {  	[hbm4b:s9+s2] =	stream.linear.scatter [tilespmem:s24], [sflag:$0x2], $0x200, $0x38;
	[tilespmem:$0x3540] =	vst v63  }
0xf4: {  	_ =	swait.ge [sflag:s11], $0x200  }
0xf5: {  	[sflag:s11] =	ssyncset.done $0x0  }
0xf6: {  	[sflag:s11] =	ssyncadd.s32 $0xFFFFFE00  }
0xf7: {  	_ =	sfence.sel $0x180000  }
0xf8: {  	[bflag:$0x0] =	sbarrier.arrive $0xFFFF  }
0xf9: {  	_ =	strace $0x90000047  }
0xfa: {  	s0 =	stileid.u32;
	[bflag:$0x2] =	sbarrier.arrive $0xFFFF  }
0xfb: {  	p0 =	sne.s32 s0, $0x0;
	s0 =	rddreg [dreg:$0x1]  }
0xfc: {  	s0 =	sadd.s32 @!p0 $0x100000, s0  }
0xfd: {  	[sflag:s0] =	ssyncadd.tile.s32 @!p0 $0x1;
	_ =	shalt  }
.Lfunc_end2:
_tile_overlayer_lowered:
.L_overlay_start_2:
0xfe: {  	(tag) =	ssettag $0x2  }
0xff: {  	s0 =	rddreg [dreg:$0x0];
	s2 =	stileid.u32  }
0x100: {  	s1 =	rddreg [dreg:$0x1];
	p0 =	sne.s32 s2, $0x0  }
0x101: {  	s3 =	rddreg [dreg:$0x2];
	[bflag:$0x3] =	sbarrier.arrive $0xFFFF;
	s2 =	simm.s32 @!p0 $0x1C02  }
0x102: {  	[timem:s3], [sflag:s2] =	dma.local @!p0 [hbm:s0], s1  }
0x103: {  	s0 =	simm.s32 @!p0 $0x2  }
0x104: {  	_ =	swait.ge @!p0 [sflag:s0], s1  }
0x105: {  	s1 =	ssub.s32 @!p0 $0x0, s1;
	[sflag:s0] =	ssyncset.done @!p0 $0x0  }
0x106: {  	[sflag:s0] =	ssyncadd.s32 @!p0 s1  }
0x107: {  	[bflag:$0x3] =	sbarrier.arrive $0xFFFF  }
0x108: {  	_ =	shalt  }

// kernel: kernel.6.cloned.1.call-start
scs
__scs_entry_jumppad:
0x0: {  	(pc) =	sbr.rel $0x88, $3  }
0x1: {  	(tag) =	ssettag $0x0;
	lr =	simm.s32 $0x1  }
0x2: {  	[smem:$0x3F9B] =	sst lr;
	_ =	strace $0xD0000000  }
0x3: {  	_ = 	snop  }
0x4: {  	_ = 	snop  }
0x5: {  	_ = 	snop  }
0x6: {  	_ = 	snop  }
0x7: {  	_ = 	snop  }
__scs_overlays_trampoline_lowered:
0x8: {  	[smem:$0x3FAA] =	sst s0  }
0x9: {  	[smem:$0x3FAB] =	sst s1  }
0xa: {  	[smem:$0x3FAC] =	sst s2  }
0xb: {  	[smem:$0x3FAD] =	sst s3  }
0xc: {  	[smem:$0x3FAE] =	sst s4  }
0xd: {  	[smem:$0x3FAF] =	sst s5  }
0xe: {  	[smem:$0x3FB0] =	sst s6  }
0xf: {  	[smem:$0x3FB1] =	sst s7  }
0x10: {  	[smem:$0x3FB2] =	sst s8  }
0x11: {  	[smem:$0x3FB3] =	sst s9;
	s0 =	simm.s32 @!p0 $0x0  }
0x12: {  	s1 =	sld [smem:$0x3F99];
	s0 =	simm.s32 @p0 $0x1  }
0x13: {  	[smem:$0x3FB4] =	sst s0;
	s0 =	simm.s32 @!p1 $0x0  }
0x14: {  	s2 =	sld [smem:$0x3F98];
	s0 =	simm.s32 @p1 $0x1  }
0x15: {  	[smem:$0x3FB5] =	sst s0;
	s0 =	simm.s32 @!p2 $0x0  }
0x16: {  	s3 =	sld [smem:$0x3FDB];
	s0 =	simm.s32 @p2 $0x1  }
0x17: {  	s4 =	simm.s32 $0x1BF5;
	[smem:$0x3FB7] =	sst s0  }
0x18: {  	s0 =	sld [smem:$0x3F9A];
	_ =	swait.ge [sflag:s4], $0x0  }
0x19: {  	s7 =	sld [smem:$0x3F9B]  }
0x1a: {  	s8 =	sadd.s32 $0xFFFFE003, lr  }
0x1b: {  	s9 =	sadd.s32 $0xFFFFFEF7, lr;
	s5 =	simm.s32 $0xFFFFFFFF;
	p2 =	slt.u32 s8, $0xFFFFF086  }
0x1c: {  	p1 =	slt.u32 s9, $0xF7A;
	s5 =	simm.s32 @!p2 $0x0  }
0x1d: {  	s5 =	simm.s32 @p1 $0x1;
	p0 =	seq.s32 s7, s2  }
0x1e: {  	s7 =	smul.u32 @!p0 $0xF7A, s2;
	p2 =	seq.s32 @!p0 s5, $0x0  }
0x1f: {  	s9 =	smul.u32 $0xF7A, s1;
	s8 =	simm.s32 @!p0 $0x1BF5;
	p2 =	por !p2, p0  }
0x20: {  	[sflag:s8] =	ssyncset.s32 @!p0 $0xFFFFF086;
	s6 =	sadd.s32 @!p0 s3, s7;
	s7 =	simm.s32 @!p0 $0x108  }
0x21: {  	s3 =	sadd.s32 s3, s9;
	s6 =	sadd.s32 @!p0 $0x88, s6;
	s7 =	simm.s32 @p2 $0x1082  }
0x22: {  	[simem:s7], [sflag:s8] =	dma.local @!p0 [hbm:s6], $0xF7A  }
0x23: {  	s9 =	sor.u32 $0xD0000000, s2;
	s6 =	simm.s32 $0x108;
	_ =	swait.ge @!p0 [sflag:s8], $0x0  }
0x24: {  	s3 =	sadd.s32 $0x88, s3;
	s6 =	simm.s32 @!p1 $0x1082;
	[sflag:s4] =	ssyncset.s32 $0xFFFFF086  }
0x25: {  	[simem:s6], [sflag:s4] =	dma.local [hbm:s3], $0xF7A  }
0x26: {  	[smem:$0x3F9B] =	sst s1;
	(tag) =	ssettag s2;
	_ =	strace s9  }
0x27: {  	s1 =	sld [smem:$0x3FAB]  }
0x28: {  	s2 =	sld [smem:$0x3FAC]  }
0x29: {  	s4 =	sld [smem:$0x3FAE]  }
0x2a: {  	p0 =	seq.s32 s5, $0x0;
	s5 =	sld [smem:$0x3FAF]  }
0x2b: {  	s6 =	sld [smem:$0x3FB0]  }
0x2c: {  	s7 =	sld [smem:$0x3FB1]  }
0x2d: {  	s3 =	simm.s32 $0x108;
	s8 =	sld [smem:$0x3FB2]  }
0x2e: {  	s3 =	simm.s32 @!p0 $0x1082;
	s9 =	sld [smem:$0x3FB3]  }
0x2f: {  	lr =	sadd.s32 s0, s3;
	s0 =	sld [smem:$0x3FAA]  }
0x30: {  	s3 =	sld [smem:$0x3FAD]  }
0x31: {  	[smem:$0x3FB6] =	sst s10  }
0x32: {  	s10 =	sld [smem:$0x3FB4];
	_ =	sdelay $0x3  }
0x33: {  	p0 =	seq.s32 s10, $0x1;
	s10 =	sld [smem:$0x3FB6];
	_ =	sdelay $0x3  }
0x34: {  	[smem:$0x3FB6] =	sst s10  }
0x35: {  	s10 =	sld [smem:$0x3FB5];
	_ =	sdelay $0x3  }
0x36: {  	p1 =	seq.s32 s10, $0x1;
	s10 =	sld [smem:$0x3FB6];
	_ =	sdelay $0x3  }
0x37: {  	[smem:$0x3FB6] =	sst s10  }
0x38: {  	s10 =	sld [smem:$0x3FB7]  }
0x39: {  	_ = 	snop;
	(pc) =	sbr.ind lr, $3  }
0x3a: {  	_ = 	snop  }
0x3b: {  	_ = 	snop  }
0x3c: {  	p2 =	seq.s32 s10, $0x1;
	s10 =	sld [smem:$0x3FB6]  }
0x3d: {  	_ =	shalt  }
0x3e: {  	_ =	shalt  }
0x3f: {  	_ =	shalt  }
0x40: {  	_ =	shalt  }
0x41: {  	_ =	shalt  }
0x42: {  	_ =	shalt  }
0x43: {  	_ =	shalt  }
0x44: {  	_ =	shalt  }
0x45: {  	_ =	shalt  }
0x46: {  	_ =	shalt  }
0x47: {  	_ =	shalt  }
0x48: {  	_ =	shalt  }
0x49: {  	_ =	shalt  }
0x4a: {  	_ =	shalt  }
0x4b: {  	_ =	shalt  }
0x4c: {  	_ =	shalt  }
0x4d: {  	_ =	shalt  }
0x4e: {  	_ =	shalt  }
0x4f: {  	_ =	shalt  }
0x50: {  	_ =	shalt  }
0x51: {  	_ =	shalt  }
0x52: {  	_ =	shalt  }
0x53: {  	_ =	shalt  }
0x54: {  	_ =	shalt  }
0x55: {  	_ =	shalt  }
0x56: {  	_ =	shalt  }
0x57: {  	_ =	shalt  }
0x58: {  	_ =	shalt  }
0x59: {  	_ =	shalt  }
0x5a: {  	_ =	shalt  }
0x5b: {  	_ =	shalt  }
0x5c: {  	_ =	shalt  }
0x5d: {  	_ =	shalt  }
0x5e: {  	_ =	shalt  }
0x5f: {  	_ =	shalt  }
0x60: {  	_ =	shalt  }
0x61: {  	_ =	shalt  }
0x62: {  	_ =	shalt  }
0x63: {  	_ =	shalt  }
0x64: {  	_ =	shalt  }
0x65: {  	_ =	shalt  }
0x66: {  	_ =	shalt  }
0x67: {  	_ =	shalt  }
0x68: {  	_ =	shalt  }
0x69: {  	_ =	shalt  }
0x6a: {  	_ =	shalt  }
0x6b: {  	_ =	shalt  }
0x6c: {  	_ =	shalt  }
0x6d: {  	_ =	shalt  }
0x6e: {  	_ =	shalt  }
0x6f: {  	_ =	shalt  }
0x70: {  	_ =	shalt  }
0x71: {  	_ =	shalt  }
0x72: {  	_ =	shalt  }
0x73: {  	_ =	shalt  }
0x74: {  	_ =	shalt  }
0x75: {  	_ =	shalt  }
0x76: {  	_ =	shalt  }
0x77: {  	_ =	shalt  }
0x78: {  	_ =	shalt  }
0x79: {  	_ =	shalt  }
0x7a: {  	_ =	shalt  }
0x7b: {  	_ =	shalt  }
0x7c: {  	_ =	shalt  }
0x7d: {  	_ =	shalt  }
0x7e: {  	_ =	shalt  }
0x7f: {  	_ =	shalt  }
0x80: {  	_ =	shalt  }
0x81: {  	_ =	shalt  }
0x82: {  	_ =	shalt  }
0x83: {  	_ =	shalt  }
0x84: {  	_ =	shalt  }
0x85: {  	_ =	shalt  }
0x86: {  	_ =	shalt  }
0x87: {  	_ =	shalt  }
.Lfunc_end0:
.L_simem_size_0:
called_computation_lowered:
.L_overlay_start_0:
0x88: {  	s2 =	sld [smem:$0x3FD9]  }
0x89: {  	s3 =	sld [smem:$0x3FFE];
	_ =	sdelay $0x1  }
0x8a: {  	s1 =	srdreg.scid  }
0x8b: {  	s0 =	sand.u32 $0x1, s1  }
0x8c: {  	s17 =	sshll.u32 s0, $0xA;
	s2 =	sadd.s32 s3, s2  }
0x8d: {  	s2 =	sadd.s32 s2, s17  }
0x8e: {  	[smem:$0x3FC2] =	sst s2  }
0x8f: {  	_ = 	snop  }
0x90: {  	(tm) =	ssettm $0x1  }
0x91: {  	s18 =	sld [smem:$0x3FFB];
	_ =	sdelay $0x3  }
0x92: {  	_ =	strace s18  }
0x93: {  	s2 =	sld [smem:$0x3FFC];
	_ =	sdelay $0x3  }
0x94: {  	_ =	strace s2  }
0x95: {  	s2 =	sld [smem:$0x3FFD];
	_ =	sdelay $0x3  }
0x96: {  	_ =	strace s2  }
0x97: {  	_ =	strace $0x8FFFFFFF  }
0x98: {  	s19 =	sld [smem:$0x3FDB];
	_ =	sdelay $0x1  }
0x99: {  	s20 =	simm.s32 $_scs_section_size  }
0x9a: {  	s4 =	simm.s32 $_size__tile_overlayer_lowered;
	s5 =	simm.s32 $_tile_overlayer_lowered  }
0x9b: {  	s6 =	simm.s32 $0x1BFF;
	s21 =	sshll.u32 s5, $0x1;
	s3 =	sadd.s32 s20, s19  }
0x9c: {  	s22 =	simm.s32 $0x0;
	s4 =	sshll.u32 s4, $0x1;
	s5 =	sadd.s32 s21, s3  }
0x9d: {  	[timem:s22], [sflag:s6] =	dma.local [hbm:s5], s4  }
0x9e: {  	_ =	swait.ge [sflag:s6], s4  }
0x9f: {  	s4 =	ssub.s32 $0x0, s4;
	[sflag:s6] =	ssyncset.done $0x0  }
0xa0: {  	[sflag:s6] =	ssyncadd.s32 s4;
	_ =	sdelay $0x1  }
0xa1: {  	s23 =	simm.s32 $0x1B8B  }
0xa2: {  	_ =	swait.ge [sflag:s23], $0x1  }
0xa3: {  	[sflag:s23] =	ssyncset.done $0x0  }
0xa4: {  	[sflag:s23] =	ssyncadd.s32 $0xFFFFFFFF  }
0xa5: {  	s4 =	sld [smem:$0x0]  }
0xa6: {  	s5 =	sand.u32 $0xFFFFFFFE, s1  }
0xa7: {  	p0 =	sne.s32 s1, s5  }
0xa8: {  	s5 =	sshll.u32 @p0 s5, $0xE  }
0xa9: {  	s5 =	sadd.s32 @p0 $0x11B8D, s5;
	s6 =	sshll.u32 @p0 s4, $0x11  }
0xaa: {  	s5 =	sor.u32 @p0 s6, s5  }
0xab: {  	[sflag:s5] =	ssyncadd.remote.s32 @p0 $0x1;
	_ =	sdelay $0x1  }
0xac: {  	s5 =	simm.s32 @p0 $0x1B8D  }
0xad: {  	_ =	swait.eq @p0 [sflag:s5], $0x1  }
0xae: {  	[sflag:s5] =	ssyncadd.s32 @p0 $0xFFFFFFFF  }
0xaf: {  	s6 =	sshll.u32 @!p0 s1, $0xE  }
0xb0: {  	s6 =	sor.u32 @!p0 $0x4000, s6;
	s5 =	simm.s32 @!p0 $0x1B8D  }
0xb1: {  	s4 =	sshll.u32 @!p0 s4, $0x11;
	s6 =	sadd.s32 @!p0 $0x11B8D, s6;
	_ =	swait.eq @!p0 [sflag:s5], $0x1  }
0xb2: {  	s4 =	sor.u32 @!p0 s4, s6;
	[sflag:s5] =	ssyncadd.s32 @!p0 $0xFFFFFFFF  }
0xb3: {  	s25 =	simm.s32 $0x1B8E;
	s24 =	sld [smem:$0x3FFE];
	[sflag:s4] =	ssyncadd.remote.s32 @!p0 $0x1  }
0xb4: {  	s26 =	simm.s32 $execute0_lowered;
	[smem:$0x3FD2] =	sst s25  }
0xb5: {  	s5 =	sshll.u32 s26, $0x1;
	_ =	strace $0x80000049;
	[dreg:$0x1] =	wrdreg $0xFFFFFFFF  }
0xb6: {  	s28 =	simm.s32 $_size_execute0_lowered;
	s3 =	sadd.s32 s3, s5;
	[dreg:$0x0] =	wrdreg $0x0  }
0xb7: {  	s5 =	sshll.u32 s28, $0x1;
	[dreg:$0x2] =	wrdreg s3  }
0xb8: {  	[dreg:$0x3] =	wrdreg s5  }
0xb9: {  	[dreg:$0x4] =	wrdreg $0xC0  }
0xba: {  	_ =	task [dreg:s22], $0x5FFFF  }
0xbb: {  	[dreg:$0x1] =	wrdreg $0xFFFFFFFF  }
0xbc: {  	[dreg:$0x0] =	wrdreg $0x60  }
0xbd: {  	[dreg:$0x2] =	wrdreg s24  }
0xbe: {  	[dreg:$0x3] =	wrdreg $0x9  }
0xbf: {  	_ =	task.clear_ibuf [dreg:s22], $0x4FFFF;
	_ =	strace $0x90000049  }
0xc0: {  	s29 =	simm.s32 $0x9;
	_ =	strace $0x8000004B  }
0xc1: {  	_ =	swait.ge [sflag:s29], $0x1  }
0xc2: {  	[sflag:s29] =	ssyncadd.s32 $0xFFFFFFFF  }
0xc3: {  	_ =	strace $0x9000004B  }
0xc4: {  	_ =	sfence  }
0xc5: {  	s30 =	sld [smem:$0x0];
	_ =	sdelay $0x2  }
0xc6: {  	s31 =	sshll.u32 s1, $0xD;
	s1 =	sshrl.u32 s1, $0x2  }
0xc7: {  	s4 =	sand.u32 $0x4000, s31;
	s1 =	sadd.s32 s1, s30  }
0xc8: {  	s0 =	sor.u32 s4, s0;
	s1 =	sshll.u32 s1, $0x11  }
0xc9: {  	s0 =	sor.u32 s1, s0  }
0xca: {  	s0 =	sadd.s32 $0x8F2B, s0  }
0xcb: {  	[sflag:s0] =	ssyncadd.remote.s32 $0x1  }
0xcc: {  	_ =	sfence.sel $0xFFFF  }
0xcd: {  	[dreg:$0x0] =	wrdreg $0xFFFFFFFF;
	(pc) =	sbr.abs _section_cstart, $3  }
0xce: {  	[dreg:$0x1] =	wrdreg $0xFFFFFFFF  }
0xcf: {  	_ =	task.clear_ibuf [dreg:s22], $0x2FFFF;
	_ =	strace $0x9FFFFFFF  }
0xd0: {  	(tm) =	ssettm $0x7FFFFFFF  }
0xd1: {  	_ =	shalt  }
tec
execute0_lowered:
.L_overlay_start_1:
0x0: {  	(tag) =	ssettag $0x1  }
0x1: {  	s0 =	srdreg.scid  }
0x2: {  	s2 =	stileid.u32;
	s1 =	rddreg [dreg:$0x0];
	s8 =	simm.s32 $0x2  }
0x3: {  	s10 =	simm.s32 $0x80;
	s20 =	simm.s32 $0x880;
	s21 =	simm.s32 $0x1480  }
0x4: {  	s22 =	simm.s32 $0x900;
	s23 =	simm.s32 $0x1500;
	s24 =	simm.s32 $0x980  }
0x5: {  	s25 =	simm.s32 $0x1580;
	s26 =	simm.s32 $0xA00;
	s28 =	simm.s32 $0x1600  }
0x6: {  	s29 =	simm.s32 $0xA80;
	s30 =	simm.s32 $0x1680;
	s31 =	simm.s32 $0xB00  }
0x7: {  	s9 =	simm.s32 $0x1780;
	s11 =	simm.s32 $0x1;
	s12 =	simm.s32 $0x1860  }
0x8: {  	s13 =	simm.s32 $0x0;
	s0 =	sand.u32 $0x1, s0;
	s3 =	sshll.u32 s2, $0x1  }
0x9: {  	s2 =	simm.s32 $0x0;
	s4 =	sadd.s32 $0x1DA00, s1;
	s5 =	sor.u32 s0, s3  }
0xa: {  	[smem:$0x7FF] =	sst s2;
	s0 =	ssub.s32 $0x2, s0;
	s3 =	smul.u32 $0x180, s5  }
0xb: {  	_ =	strace $0x8000004A;
	s5 =	sshll.u32 s5, $0x6;
	s7 =	sshrl.u32 s0, $0x1  }
0xc: {  	s0 =	ssub.s32 s0, s7;
	s6 =	sadd.s32 s3, s1;
	s3 =	sadd.s32 $0x30C00, s1  }
0xd: {  	s1 =	sadd.s32 s5, s1;
	s7 =	smax.u32 s0, $0x1;
	s0 =	simm.s32 $0xB80  }
0xe: {  	s5 =	sadd.s32 $0x30E00, s6;
	s6 =	sadd.s32 $0x33E00, s1;
	s1 =	simm.s32 $0x1700  }
.LBB2_1:
0xf: {  	[tilespmem:s2], [sflag:$0x2] =	stream.linear.gather [hbm4b:s5+s2], $0xC00, $0x38;
	[tilespmem:$0x1A60] =	vst v63  }
0x10: {  	_ =	swait.ge [sflag:s8], $0xC00  }
0x11: {  	[sflag:s8] =	ssyncset.done $0x0  }
0x12: {  	s14 =	simm.s32 $0x1800;
	[sflag:s8] =	ssyncadd.s32 $0xFFFFF400  }
0x13: {  	[tilespmem:s14], [sflag:$0x2] =	stream.linear.gather [hbm4b:s3+s2], $0x60, $0x38;
	[tilespmem:$0x1A60] =	vst v63  }
0x14: {  	_ =	swait.ge [sflag:s8], $0x60  }
0x15: {  	[sflag:s8] =	ssyncset.done $0x0  }
0x16: {  	s14 =	simm.s32 $0x40;
	[sflag:s8] =	ssyncadd.s32 $0xFFFFFFA0  }
0x17: {  	v6 =	vld [tilespmem:s14+$0xFFFFFFC0]  }
0x18: {  	s15 =	sand.u32 $0x1C0, s2;
	v7 =	vld [tilespmem:s14+$0x30]  }
0x19: {  	s15 =	sshrl.u32 s15, $0x2;
	v9 =	vld [tilespmem:s14+$0xFFFFFFD0]  }
0x1a: {  	v2 =	vld [tilespmem:s15+$0x1800]  }
0x1b: {  	v0 =	vld [tilespmem:s14+$0xFFFFFFF0]  }
0x1c: {  	v1 =	vld [tilespmem:s14+$0x10]  }
0x1d: {  	v3 =	vld [tilespmem:s14+$0x20]  }
0x1e: {  	v5 =	vld [tilespmem:s14+$0xFFFFFFE0]  }
0x1f: {  	v4 =	vld [tilespmem:s14+$0x0];
	_ =	sdelay $0x1  }
0x20: {  	s16 =	simm.s32 $0x40;
	s15 =	simm.s32 $0x10;
	v8 =	vadd.s32 v2, v6;
	v6 =	vadd.s32 v2, v9;
	v7 =	vadd.s32 v2, v7  }
.LBB2_2:
0x21: {  	p0 =	sne.s32 s15, $0x170  }
0x22: {  	[tilespmem:s14+$0xFFFFFFC0] =	vst v8;
	v5 =	vadd.s32 v2, v5;
	v8 =	vadd.s32 v2, v0;
	v3 =	vadd.s32 v2, v3;
	s16 =	sadd.s32 $0x80, s16;
	s17 =	smov.u32 s15;
	s15 =	sadd.s32 $0x10, s15  }
0x23: {  	v1 =	vadd.s32 v2, v1;
	v4 =	vadd.s32 v2, v4;
	[tilespmem:s14+$0x30] =	vst v7  }
0x24: {  	v0 =	vld [tilespmem:s16+$0xFFFFFFF0];
	[tilespmem:s14+$0xFFFFFFD0] =	vst v6  }
0x25: {  	v6 =	vld [tilespmem:s16+$0xFFFFFFC0];
	[tilespmem:s14+$0x10] =	vst v1  }
0x26: {  	v1 =	vld [tilespmem:s16+$0x10];
	[tilespmem:s14+$0x20] =	vst v3  }
0x27: {  	v7 =	vld [tilespmem:s16+$0x30];
	[tilespmem:s14+$0xFFFFFFE0] =	vst v5  }
0x28: {  	s17 =	sand.u32 $0x1C0, s17;
	v9 =	vld [tilespmem:s16+$0xFFFFFFD0];
	[tilespmem:s14+$0xFFFFFFF0] =	vst v8  }
0x29: {  	s17 =	sshrl.u32 s17, $0x2;
	v3 =	vld [tilespmem:s16+$0x20];
	[tilespmem:s14+$0x0] =	vst v4;
	s14 =	smov.u32 s16  }
0x2a: {  	v2 =	vld [tilespmem:s17+$0x1800]  }
.Ltmp0:
0x2b: {  	v5 =	vld [tilespmem:s16+$0xFFFFFFE0];
	(pc) =	sbr.rel @p0 .LBB2_2-.Ltmp0, $2  }
0x2c: {  	v4 =	vld [tilespmem:s16+$0x0];
	_ =	sdelay $0x2  }
0x2d: {  	v8 =	vadd.s32 v2, v6;
	v6 =	vadd.s32 v2, v9;
	v7 =	vadd.s32 v2, v7  }
0x2e: {  	[tilespmem:s14+$0xFFFFFFC0] =	vst v8  }
0x2f: {  	[tilespmem:s14+$0x30] =	vst v7  }
0x30: {  	v1 =	vadd.s32 v2, v1;
	[tilespmem:s14+$0xFFFFFFD0] =	vst v6  }
0x31: {  	v3 =	vadd.s32 v2, v3;
	[tilespmem:s14+$0x10] =	vst v1  }
0x32: {  	v0 =	vadd.s32 v2, v0;
	[tilespmem:s14+$0x20] =	vst v3  }
0x33: {  	v1 =	vadd.s32 v2, v5;
	[tilespmem:s14+$0xFFFFFFF0] =	vst v0  }
0x34: {  	[tilespmem:s14+$0xFFFFFFE0] =	vst v1;
	v1 =	vadd.s32 v2, v4  }
0x35: {  	s15 =	simm.s32 $0xC00;
	[tilespmem:s14+$0x0] =	vst v1;
	s14 =	simm.s32 $0x0  }
0x36: {  	[tilespmem:s15], [sflag:$0x1] =	stream.indirect.gather [hbm4b:s4+s10], $0x1, s14, s10, $0xb8;
	[tilespmem:$0x1A60] =	vst v63  }
0x37: {  	s16 =	simm.s32 $0xC80  }
0x38: {  	[tilespmem:s16], [sflag:$0x1] =	stream.indirect.gather [hbm4b:s4+s10], $0x1, s10, s10, $0xb8;
	[tilespmem:$0x1A60] =	vst v63  }
0x39: {  	s17 =	simm.s32 $0x100;
	s16 =	simm.s32 $0xD00  }
0x3a: {  	[tilespmem:s16], [sflag:$0x1] =	stream.indirect.gather [hbm4b:s4+s10], $0x1, s17, s10, $0xb8;
	[tilespmem:$0x1A60] =	vst v63  }
0x3b: {  	s18 =	simm.s32 $0x180;
	s19 =	simm.s32 $0xD80  }
0x3c: {  	[tilespmem:s19], [sflag:$0x1] =	stream.indirect.gather [hbm4b:s4+s10], $0x1, s18, s10, $0xb8;
	[tilespmem:$0x1A60] =	vst v63  }
0x3d: {  	s16 =	simm.s32 $0x200;
	s17 =	simm.s32 $0xE00  }
0x3e: {  	[tilespmem:s17], [sflag:$0x1] =	stream.indirect.gather [hbm4b:s4+s10], $0x1, s16, s10, $0xb8;
	[tilespmem:$0x1A60] =	vst v63  }
0x3f: {  	s18 =	simm.s32 $0x280;
	s19 =	simm.s32 $0xE80  }
0x40: {  	[tilespmem:s19], [sflag:$0x1] =	stream.indirect.gather [hbm4b:s4+s10], $0x1, s18, s10, $0xb8;
	[tilespmem:$0x1A60] =	vst v63  }
0x41: {  	s16 =	simm.s32 $0x300;
	s17 =	simm.s32 $0xF00  }
0x42: {  	[tilespmem:s17], [sflag:$0x1] =	stream.indirect.gather [hbm4b:s4+s10], $0x1, s16, s10, $0xb8;
	[tilespmem:$0x1A60] =	vst v63  }
0x43: {  	s18 =	simm.s32 $0x380;
	s19 =	simm.s32 $0xF80  }
0x44: {  	[tilespmem:s19], [sflag:$0x1] =	stream.indirect.gather [hbm4b:s4+s10], $0x1, s18, s10, $0xb8;
	[tilespmem:$0x1A60] =	vst v63  }
0x45: {  	s16 =	simm.s32 $0x400;
	s17 =	simm.s32 $0x1000  }
0x46: {  	[tilespmem:s17], [sflag:$0x1] =	stream.indirect.gather [hbm4b:s4+s10], $0x1, s16, s10, $0xb8;
	[tilespmem:$0x1A60] =	vst v63  }
0x47: {  	s18 =	simm.s32 $0x480;
	s19 =	simm.s32 $0x1080  }
0x48: {  	[tilespmem:s19], [sflag:$0x1] =	stream.indirect.gather [hbm4b:s4+s10], $0x1, s18, s10, $0xb8;
	[tilespmem:$0x1A60] =	vst v63  }
0x49: {  	s16 =	simm.s32 $0x500;
	s17 =	simm.s32 $0x1100  }
0x4a: {  	[tilespmem:s17], [sflag:$0x1] =	stream.indirect.gather [hbm4b:s4+s10], $0x1, s16, s10, $0xb8;
	[tilespmem:$0x1A60] =	vst v63  }
0x4b: {  	s18 =	simm.s32 $0x580;
	s19 =	simm.s32 $0x1180  }
0x4c: {  	[tilespmem:s19], [sflag:$0x1] =	stream.indirect.gather [hbm4b:s4+s10], $0x1, s18, s10, $0xb8;
	[tilespmem:$0x1A60] =	vst v63  }
0x4d: {  	s16 =	simm.s32 $0x600;
	s17 =	simm.s32 $0x1200  }
0x4e: {  	[tilespmem:s17], [sflag:$0x1] =	stream.indirect.gather [hbm4b:s4+s10], $0x1, s16, s10, $0xb8;
	[tilespmem:$0x1A60] =	vst v63  }
0x4f: {  	s18 =	simm.s32 $0x680;
	s19 =	simm.s32 $0x1280  }
0x50: {  	[tilespmem:s19], [sflag:$0x1] =	stream.indirect.gather [hbm4b:s4+s10], $0x1, s18, s10, $0xb8;
	[tilespmem:$0x1A60] =	vst v63  }
0x51: {  	s16 =	simm.s32 $0x700;
	s17 =	simm.s32 $0x1300  }
0x52: {  	[tilespmem:s17], [sflag:$0x1] =	stream.indirect.gather [hbm4b:s4+s10], $0x1, s16, s10, $0xb8;
	[tilespmem:$0x1A60] =	vst v63  }
0x53: {  	s18 =	simm.s32 $0x780;
	s19 =	simm.s32 $0x1380  }
0x54: {  	[tilespmem:s19], [sflag:$0x1] =	stream.indirect.gather [hbm4b:s4+s10], $0x1, s18, s10, $0xb8;
	[tilespmem:$0x1A60] =	vst v63  }
0x55: {  	s16 =	simm.s32 $0x800;
	s17 =	simm.s32 $0x1400  }
0x56: {  	[tilespmem:s17], [sflag:$0x1] =	stream.indirect.gather [hbm4b:s4+s10], $0x1, s16, s10, $0xb8;
	[tilespmem:$0x1A60] =	vst v63  }
0x57: {  	_ = 	snop  }
0x58: {  	[tilespmem:s21], [sflag:$0x1] =	stream.indirect.gather [hbm4b:s4+s10], $0x1, s20, s10, $0xb8;
	[tilespmem:$0x1A60] =	vst v63  }
0x59: {  	_ = 	snop  }
0x5a: {  	[tilespmem:s23], [sflag:$0x1] =	stream.indirect.gather [hbm4b:s4+s10], $0x1, s22, s10, $0xb8;
	[tilespmem:$0x1A60] =	vst v63  }
0x5b: {  	_ = 	snop  }
0x5c: {  	[tilespmem:s25], [sflag:$0x1] =	stream.indirect.gather [hbm4b:s4+s10], $0x1, s24, s10, $0xb8;
	[tilespmem:$0x1A60] =	vst v63  }
0x5d: {  	_ = 	snop  }
0x5e: {  	[tilespmem:s28], [sflag:$0x1] =	stream.indirect.gather [hbm4b:s4+s10], $0x1, s26, s10, $0xb8;
	[tilespmem:$0x1A60] =	vst v63  }
0x5f: {  	_ = 	snop  }
0x60: {  	[tilespmem:s30], [sflag:$0x1] =	stream.indirect.gather [hbm4b:s4+s10], $0x1, s29, s10, $0xb8;
	[tilespmem:$0x1A60] =	vst v63  }
0x61: {  	_ = 	snop  }
0x62: {  	[tilespmem:s1], [sflag:$0x1] =	stream.indirect.gather [hbm4b:s4+s10], $0x1, s31, s10, $0xb8;
	[tilespmem:$0x1A60] =	vst v63  }
0x63: {  	_ = 	snop  }
0x64: {  	[tilespmem:s9], [sflag:$0x1] =	stream.indirect.gather [hbm4b:s4+s10], $0x1, s0, s10, $0xb8;
	[tilespmem:$0x1A60] =	vst v63  }
0x65: {  	s18 =	simm.s32 $0x0;
	_ =	swait.ge [sflag:s11], $0xC00  }
0x66: {  	s14 =	sand.u32 $0x70, s14;
	s15 =	sand.u32 $0x180, s18;
	[sflag:s11] =	ssyncset.done $0x0  }
0x67: {  	s14 =	sor.u32 s14, s15;
	[sflag:s11] =	ssyncadd.s32 $0xFFFFF400  }
0x68: {  	v0 =	vld [tilespmem:s14+$0xE00]  }
0x69: {  	v1 =	vld [tilespmem:s14+$0xC00];
	_ =	sdelay $0x1  }
0x6a: {  	v2 =	vld [tilespmem:s14+$0x1000];
	_ =	sdelay $0x1  }
0x6b: {  	v3 =	vld [tilespmem:s14+$0x1200]  }
0x6c: {  	v0 =	vadd.f32 v0, v1  }
0x6d: {  	v1 =	vld [tilespmem:s14+$0x1400]  }
0x6e: {  	v0 =	vadd.f32 v2, v0  }
0x6f: {  	v2 =	vld [tilespmem:s14+$0x1600]  }
0x70: {  	v0 =	vadd.f32 v3, v0;
	_ =	sdelay $0x1  }
0x71: {  	v0 =	vadd.f32 v1, v0  }
0x72: {  	s19 =	simm.s32 $0x10  }
0x73: {  	s19 =	sand.u32 $0x180, s19;
	s17 =	simm.s32 $0x0;
	s15 =	simm.s32 $0x10;
	v0 =	vadd.f32 v2, v0  }
0x74: {  	s16 =	simm.s32 $0x80;
	s18 =	sand.u32 $0x70, s15;
	s14 =	simm.s32 $0x40  }
.LBB2_4:
0x75: {  	p0 =	sne.s32 s16, $0x7C0;
	s18 =	sor.u32 s18, s19;
	[tilespmem:s17+$0x1860] =	vst v0;
	s17 =	smov.u32 s14  }
0x76: {  	s14 =	smov.u32 s16;
	v0 =	vld [tilespmem:s18+$0xE00]  }
0x77: {  	v1 =	vld [tilespmem:s18+$0xC00];
	_ =	sdelay $0x1  }
0x78: {  	v2 =	vld [tilespmem:s18+$0x1000];
	_ =	sdelay $0x1  }
0x79: {  	v3 =	vld [tilespmem:s18+$0x1200]  }
0x7a: {  	v0 =	vadd.f32 v0, v1  }
0x7b: {  	v1 =	vld [tilespmem:s18+$0x1400]  }
0x7c: {  	v0 =	vadd.f32 v2, v0  }
0x7d: {  	v2 =	vld [tilespmem:s18+$0x1600]  }
0x7e: {  	v0 =	vadd.f32 v3, v0  }
.Ltmp1:
0x7f: {  	(pc) =	sbr.rel @p0 .LBB2_4-.Ltmp1, $3  }
0x80: {  	v0 =	vadd.f32 v1, v0;
	_ =	sdelay $0x1  }
0x81: {  	s19 =	sshrl.u32 s16, $0x2;
	s15 =	sadd.s32 $0x10, s15;
	s17 =	sshra.s32 s17, $0x2;
	v0 =	vadd.f32 v2, v0  }
0x82: {  	s16 =	sadd.s32 $0x40, s16;
	s19 =	sand.u32 $0x180, s19;
	s18 =	sand.u32 $0x70, s15  }
0x83: {  	s15 =	sor.u32 s18, s19;
	[tilespmem:s17+$0x1860] =	vst v0  }
0x84: {  	v0 =	vld [tilespmem:s15+$0xE00]  }
0x85: {  	v1 =	vld [tilespmem:s15+$0xC00];
	_ =	sdelay $0x1  }
0x86: {  	v2 =	vld [tilespmem:s15+$0x1000];
	_ =	sdelay $0x1  }
0x87: {  	v3 =	vld [tilespmem:s15+$0x1200]  }
0x88: {  	v0 =	vadd.f32 v0, v1  }
0x89: {  	v62 =	vld [tilespmem:s15+$0x1400]  }
0x8a: {  	v0 =	vadd.f32 v2, v0  }
0x8b: {  	v63 =	vld [tilespmem:s15+$0x1600]  }
0x8c: {  	v0 =	vadd.f32 v3, v0;
	_ =	sdelay $0x1  }
0x8d: {  	v0 =	vadd.f32 v62, v0;
	_ =	sdelay $0x1  }
0x8e: {  	s13 =	sadd.s32 $0x1, s13;
	v0 =	vadd.f32 v63, v0  }
0x8f: {  	s14 =	sshra.s32 s14, $0x2;
	p0 =	sne.s32 s13, s7  }
.Ltmp2:
0x90: {  	[tilespmem:s14+$0x1860] =	vst v0;
	(pc) =	sbr.rel @p0 .LBB2_1-.Ltmp2, $4  }
0x91: {  	[hbm4b:s6+s2] =	stream.linear.scatter [tilespmem:s12], [sflag:$0x2], $0x200, $0x38;
	[tilespmem:$0x1A60] =	vst v63  }
0x92: {  	_ =	swait.ge [sflag:s8], $0x200  }
0x93: {  	[sflag:s8] =	ssyncset.done $0x0  }
0x94: {  	[sflag:s8] =	ssyncadd.s32 $0xFFFFFE00  }
0x95: {  	_ =	sfence.sel $0x180000  }
0x96: {  	[bflag:$0x0] =	sbarrier.arrive $0xFFFF  }
0x97: {  	_ =	strace $0x9000004A  }
0x98: {  	s0 =	stileid.u32;
	[bflag:$0x2] =	sbarrier.arrive $0xFFFF  }
0x99: {  	p0 =	sne.s32 s0, $0x0;
	s0 =	rddreg [dreg:$0x1]  }
0x9a: {  	s0 =	sadd.s32 @!p0 $0x100000, s0  }
0x9b: {  	[sflag:s0] =	ssyncadd.tile.s32 @!p0 $0x1;
	_ =	shalt  }
.Lfunc_end2:
_tile_overlayer_lowered:
.L_overlay_start_2:
0x9c: {  	(tag) =	ssettag $0x2  }
0x9d: {  	s0 =	rddreg [dreg:$0x0];
	s2 =	stileid.u32  }
0x9e: {  	s1 =	rddreg [dreg:$0x1];
	p0 =	sne.s32 s2, $0x0  }
0x9f: {  	s3 =	rddreg [dreg:$0x2];
	[bflag:$0x3] =	sbarrier.arrive $0xFFFF;
	s2 =	simm.s32 @!p0 $0x1C02  }
0xa0: {  	[timem:s3], [sflag:s2] =	dma.local @!p0 [hbm:s0], s1  }
0xa1: {  	s0 =	simm.s32 @!p0 $0x2  }
0xa2: {  	_ =	swait.ge @!p0 [sflag:s0], s1  }
0xa3: {  	s1 =	ssub.s32 @!p0 $0x0, s1;
	[sflag:s0] =	ssyncset.done @!p0 $0x0  }
0xa4: {  	[sflag:s0] =	ssyncadd.s32 @!p0 s1  }
0xa5: {  	[bflag:$0x3] =	sbarrier.arrive $0xFFFF  }
0xa6: {  	_ =	shalt  }

// kernel: kernel.9.cloned.1.call-start
scs
__scs_entry_jumppad:
0x0: {  	(pc) =	sbr.rel $0x88, $3  }
0x1: {  	(tag) =	ssettag $0x0;
	lr =	simm.s32 $0x1  }
0x2: {  	[smem:$0x3F9B] =	sst lr;
	_ =	strace $0xD0000000  }
0x3: {  	_ = 	snop  }
0x4: {  	_ = 	snop  }
0x5: {  	_ = 	snop  }
0x6: {  	_ = 	snop  }
0x7: {  	_ = 	snop  }
__scs_overlays_trampoline_lowered:
0x8: {  	[smem:$0x3FAA] =	sst s0  }
0x9: {  	[smem:$0x3FAB] =	sst s1  }
0xa: {  	[smem:$0x3FAC] =	sst s2  }
0xb: {  	[smem:$0x3FAD] =	sst s3  }
0xc: {  	[smem:$0x3FAE] =	sst s4  }
0xd: {  	[smem:$0x3FAF] =	sst s5  }
0xe: {  	[smem:$0x3FB0] =	sst s6  }
0xf: {  	[smem:$0x3FB1] =	sst s7  }
0x10: {  	[smem:$0x3FB2] =	sst s8  }
0x11: {  	[smem:$0x3FB3] =	sst s9;
	s0 =	simm.s32 @!p0 $0x0  }
0x12: {  	s1 =	sld [smem:$0x3F99];
	s0 =	simm.s32 @p0 $0x1  }
0x13: {  	[smem:$0x3FB4] =	sst s0;
	s0 =	simm.s32 @!p1 $0x0  }
0x14: {  	s2 =	sld [smem:$0x3F98];
	s0 =	simm.s32 @p1 $0x1  }
0x15: {  	[smem:$0x3FB5] =	sst s0;
	s0 =	simm.s32 @!p2 $0x0  }
0x16: {  	s3 =	sld [smem:$0x3FDB];
	s0 =	simm.s32 @p2 $0x1  }
0x17: {  	s4 =	simm.s32 $0x1BF5;
	[smem:$0x3FB7] =	sst s0  }
0x18: {  	s0 =	sld [smem:$0x3F9A];
	_ =	swait.ge [sflag:s4], $0x0  }
0x19: {  	s7 =	sld [smem:$0x3F9B]  }
0x1a: {  	s8 =	sadd.s32 $0xFFFFE003, lr  }
0x1b: {  	s9 =	sadd.s32 $0xFFFFFEF7, lr;
	s5 =	simm.s32 $0xFFFFFFFF;
	p2 =	slt.u32 s8, $0xFFFFF086  }
0x1c: {  	p1 =	slt.u32 s9, $0xF7A;
	s5 =	simm.s32 @!p2 $0x0  }
0x1d: {  	s5 =	simm.s32 @p1 $0x1;
	p0 =	seq.s32 s7, s2  }
0x1e: {  	s7 =	smul.u32 @!p0 $0xF7A, s2;
	p2 =	seq.s32 @!p0 s5, $0x0  }
0x1f: {  	s9 =	smul.u32 $0xF7A, s1;
	s8 =	simm.s32 @!p0 $0x1BF5;
	p2 =	por !p2, p0  }
0x20: {  	[sflag:s8] =	ssyncset.s32 @!p0 $0xFFFFF086;
	s6 =	sadd.s32 @!p0 s3, s7;
	s7 =	simm.s32 @!p0 $0x108  }
0x21: {  	s3 =	sadd.s32 s3, s9;
	s6 =	sadd.s32 @!p0 $0x88, s6;
	s7 =	simm.s32 @p2 $0x1082  }
0x22: {  	[simem:s7], [sflag:s8] =	dma.local @!p0 [hbm:s6], $0xF7A  }
0x23: {  	s9 =	sor.u32 $0xD0000000, s2;
	s6 =	simm.s32 $0x108;
	_ =	swait.ge @!p0 [sflag:s8], $0x0  }
0x24: {  	s3 =	sadd.s32 $0x88, s3;
	s6 =	simm.s32 @!p1 $0x1082;
	[sflag:s4] =	ssyncset.s32 $0xFFFFF086  }
0x25: {  	[simem:s6], [sflag:s4] =	dma.local [hbm:s3], $0xF7A  }
0x26: {  	[smem:$0x3F9B] =	sst s1;
	(tag) =	ssettag s2;
	_ =	strace s9  }
0x27: {  	s1 =	sld [smem:$0x3FAB]  }
0x28: {  	s2 =	sld [smem:$0x3FAC]  }
0x29: {  	s4 =	sld [smem:$0x3FAE]  }
0x2a: {  	p0 =	seq.s32 s5, $0x0;
	s5 =	sld [smem:$0x3FAF]  }
0x2b: {  	s6 =	sld [smem:$0x3FB0]  }
0x2c: {  	s7 =	sld [smem:$0x3FB1]  }
0x2d: {  	s3 =	simm.s32 $0x108;
	s8 =	sld [smem:$0x3FB2]  }
0x2e: {  	s3 =	simm.s32 @!p0 $0x1082;
	s9 =	sld [smem:$0x3FB3]  }
0x2f: {  	lr =	sadd.s32 s0, s3;
	s0 =	sld [smem:$0x3FAA]  }
0x30: {  	s3 =	sld [smem:$0x3FAD]  }
0x31: {  	[smem:$0x3FB6] =	sst s10  }
0x32: {  	s10 =	sld [smem:$0x3FB4];
	_ =	sdelay $0x3  }
0x33: {  	p0 =	seq.s32 s10, $0x1;
	s10 =	sld [smem:$0x3FB6];
	_ =	sdelay $0x3  }
0x34: {  	[smem:$0x3FB6] =	sst s10  }
0x35: {  	s10 =	sld [smem:$0x3FB5];
	_ =	sdelay $0x3  }
0x36: {  	p1 =	seq.s32 s10, $0x1;
	s10 =	sld [smem:$0x3FB6];
	_ =	sdelay $0x3  }
0x37: {  	[smem:$0x3FB6] =	sst s10  }
0x38: {  	s10 =	sld [smem:$0x3FB7]  }
0x39: {  	_ = 	snop;
	(pc) =	sbr.ind lr, $3  }
0x3a: {  	_ = 	snop  }
0x3b: {  	_ = 	snop  }
0x3c: {  	p2 =	seq.s32 s10, $0x1;
	s10 =	sld [smem:$0x3FB6]  }
0x3d: {  	_ =	shalt  }
0x3e: {  	_ =	shalt  }
0x3f: {  	_ =	shalt  }
0x40: {  	_ =	shalt  }
0x41: {  	_ =	shalt  }
0x42: {  	_ =	shalt  }
0x43: {  	_ =	shalt  }
0x44: {  	_ =	shalt  }
0x45: {  	_ =	shalt  }
0x46: {  	_ =	shalt  }
0x47: {  	_ =	shalt  }
0x48: {  	_ =	shalt  }
0x49: {  	_ =	shalt  }
0x4a: {  	_ =	shalt  }
0x4b: {  	_ =	shalt  }
0x4c: {  	_ =	shalt  }
0x4d: {  	_ =	shalt  }
0x4e: {  	_ =	shalt  }
0x4f: {  	_ =	shalt  }
0x50: {  	_ =	shalt  }
0x51: {  	_ =	shalt  }
0x52: {  	_ =	shalt  }
0x53: {  	_ =	shalt  }
0x54: {  	_ =	shalt  }
0x55: {  	_ =	shalt  }
0x56: {  	_ =	shalt  }
0x57: {  	_ =	shalt  }
0x58: {  	_ =	shalt  }
0x59: {  	_ =	shalt  }
0x5a: {  	_ =	shalt  }
0x5b: {  	_ =	shalt  }
0x5c: {  	_ =	shalt  }
0x5d: {  	_ =	shalt  }
0x5e: {  	_ =	shalt  }
0x5f: {  	_ =	shalt  }
0x60: {  	_ =	shalt  }
0x61: {  	_ =	shalt  }
0x62: {  	_ =	shalt  }
0x63: {  	_ =	shalt  }
0x64: {  	_ =	shalt  }
0x65: {  	_ =	shalt  }
0x66: {  	_ =	shalt  }
0x67: {  	_ =	shalt  }
0x68: {  	_ =	shalt  }
0x69: {  	_ =	shalt  }
0x6a: {  	_ =	shalt  }
0x6b: {  	_ =	shalt  }
0x6c: {  	_ =	shalt  }
0x6d: {  	_ =	shalt  }
0x6e: {  	_ =	shalt  }
0x6f: {  	_ =	shalt  }
0x70: {  	_ =	shalt  }
0x71: {  	_ =	shalt  }
0x72: {  	_ =	shalt  }
0x73: {  	_ =	shalt  }
0x74: {  	_ =	shalt  }
0x75: {  	_ =	shalt  }
0x76: {  	_ =	shalt  }
0x77: {  	_ =	shalt  }
0x78: {  	_ =	shalt  }
0x79: {  	_ =	shalt  }
0x7a: {  	_ =	shalt  }
0x7b: {  	_ =	shalt  }
0x7c: {  	_ =	shalt  }
0x7d: {  	_ =	shalt  }
0x7e: {  	_ =	shalt  }
0x7f: {  	_ =	shalt  }
0x80: {  	_ =	shalt  }
0x81: {  	_ =	shalt  }
0x82: {  	_ =	shalt  }
0x83: {  	_ =	shalt  }
0x84: {  	_ =	shalt  }
0x85: {  	_ =	shalt  }
0x86: {  	_ =	shalt  }
0x87: {  	_ =	shalt  }
.Lfunc_end0:
.L_simem_size_0:
called_computation.1_lowered:
.L_overlay_start_0:
0x88: {  	s2 =	sld [smem:$0x3FD9]  }
0x89: {  	s3 =	sld [smem:$0x3FFE];
	_ =	sdelay $0x1  }
0x8a: {  	s1 =	srdreg.scid  }
0x8b: {  	s0 =	sand.u32 $0x1, s1  }
0x8c: {  	s17 =	sshll.u32 s0, $0xA;
	s2 =	sadd.s32 s3, s2  }
0x8d: {  	s2 =	sadd.s32 s2, s17  }
0x8e: {  	[smem:$0x3FC2] =	sst s2  }
0x8f: {  	_ = 	snop  }
0x90: {  	s18 =	sld [smem:$0x3FD0];
	(tm) =	ssettm $0x1  }
0x91: {  	s19 =	sld [smem:$0x3FFB];
	_ =	sdelay $0x3  }
0x92: {  	_ =	strace s19  }
0x93: {  	s2 =	sld [smem:$0x3FFC];
	_ =	sdelay $0x3  }
0x94: {  	_ =	strace s2  }
0x95: {  	s2 =	sld [smem:$0x3FFD];
	_ =	sdelay $0x3  }
0x96: {  	_ =	strace s2  }
0x97: {  	_ =	strace $0x8FFFFFFF  }
0x98: {  	s20 =	sld [smem:$0x3FDB];
	_ =	sdelay $0x1  }
0x99: {  	s4 =	simm.s32 $_scs_section_size  }
0x9a: {  	s5 =	simm.s32 $_size__tile_overlayer_lowered;
	s6 =	simm.s32 $_tile_overlayer_lowered  }
0x9b: {  	s7 =	simm.s32 $0x1BFF;
	s21 =	sshll.u32 s6, $0x1;
	s4 =	sadd.s32 s4, s20  }
0x9c: {  	s22 =	simm.s32 $0x0;
	s5 =	sshll.u32 s5, $0x1;
	s6 =	sadd.s32 s21, s4  }
0x9d: {  	[timem:s22], [sflag:s7] =	dma.local [hbm:s6], s5  }
0x9e: {  	_ =	swait.ge [sflag:s7], s5  }
0x9f: {  	s5 =	ssub.s32 $0x0, s5;
	[sflag:s7] =	ssyncset.done $0x0  }
0xa0: {  	[sflag:s7] =	ssyncadd.s32 s5;
	_ =	sdelay $0x1  }
0xa1: {  	s23 =	simm.s32 $0x1B8B  }
0xa2: {  	_ =	swait.ge [sflag:s23], $0x1  }
0xa3: {  	[sflag:s23] =	ssyncset.done $0x0  }
0xa4: {  	[sflag:s23] =	ssyncadd.s32 $0xFFFFFFFF  }
0xa5: {  	s5 =	sld [smem:$0x0]  }
0xa6: {  	s6 =	sand.u32 $0xFFFFFFFE, s1  }
0xa7: {  	p0 =	sne.s32 s1, s6  }
0xa8: {  	s6 =	sshll.u32 @p0 s6, $0xE  }
0xa9: {  	s6 =	sadd.s32 @p0 $0x11B8D, s6;
	s7 =	sshll.u32 @p0 s5, $0x11  }
0xaa: {  	s6 =	sor.u32 @p0 s7, s6  }
0xab: {  	[sflag:s6] =	ssyncadd.remote.s32 @p0 $0x1;
	_ =	sdelay $0x1  }
0xac: {  	s6 =	simm.s32 @p0 $0x1B8D  }
0xad: {  	_ =	swait.eq @p0 [sflag:s6], $0x1  }
0xae: {  	[sflag:s6] =	ssyncadd.s32 @p0 $0xFFFFFFFF  }
0xaf: {  	s7 =	sshll.u32 @!p0 s1, $0xE  }
0xb0: {  	s7 =	sor.u32 @!p0 $0x4000, s7;
	s6 =	simm.s32 @!p0 $0x1B8D  }
0xb1: {  	s5 =	sshll.u32 @!p0 s5, $0x11;
	s7 =	sadd.s32 @!p0 $0x11B8D, s7;
	_ =	swait.eq @!p0 [sflag:s6], $0x1  }
0xb2: {  	s5 =	sor.u32 @!p0 s5, s7;
	[sflag:s6] =	ssyncadd.s32 @!p0 $0xFFFFFFFF  }
0xb3: {  	s25 =	simm.s32 $0x1B8E;
	s24 =	sld [smem:$0x3FFE];
	[sflag:s5] =	ssyncadd.remote.s32 @!p0 $0x1  }
0xb4: {  	s26 =	simm.s32 $execute0_lowered;
	[smem:$0x3FD2] =	sst s25  }
0xb5: {  	s6 =	sshll.u32 s26, $0x1;
	_ =	strace $0x8000004F;
	[dreg:$0x1] =	wrdreg $0xFFFFFFFF  }
0xb6: {  	s28 =	simm.s32 $_size_execute0_lowered;
	s4 =	sadd.s32 s4, s6;
	[dreg:$0x0] =	wrdreg $0x0  }
0xb7: {  	s6 =	sshll.u32 s28, $0x1;
	[dreg:$0x2] =	wrdreg s4  }
0xb8: {  	[dreg:$0x3] =	wrdreg s6  }
0xb9: {  	[dreg:$0x4] =	wrdreg $0xC0  }
0xba: {  	_ =	task [dreg:s22], $0x5FFFF  }
0xbb: {  	[dreg:$0x1] =	wrdreg $0xFFFFFFFF  }
0xbc: {  	[dreg:$0x0] =	wrdreg $0x60  }
0xbd: {  	[dreg:$0x2] =	wrdreg s24  }
0xbe: {  	[dreg:$0x3] =	wrdreg s18  }
0xbf: {  	[dreg:$0x4] =	wrdreg $0xA  }
0xc0: {  	_ =	task.clear_ibuf [dreg:s22], $0x5FFFF;
	_ =	strace $0x9000004F  }
0xc1: {  	s29 =	simm.s32 $0xA;
	_ =	strace $0x80000051  }
0xc2: {  	_ =	swait.ge [sflag:s29], $0x1  }
0xc3: {  	[sflag:s29] =	ssyncadd.s32 $0xFFFFFFFF  }
0xc4: {  	_ =	strace $0x90000051  }
0xc5: {  	_ =	sfence  }
0xc6: {  	s30 =	sld [smem:$0x0];
	_ =	sdelay $0x2  }
0xc7: {  	s31 =	sshll.u32 s1, $0xD;
	s1 =	sshrl.u32 s1, $0x2  }
0xc8: {  	s4 =	sand.u32 $0x4000, s31;
	s1 =	sadd.s32 s1, s30  }
0xc9: {  	s0 =	sor.u32 s4, s0;
	s1 =	sshll.u32 s1, $0x11  }
0xca: {  	s0 =	sor.u32 s1, s0  }
0xcb: {  	s0 =	sadd.s32 $0x8F2B, s0  }
0xcc: {  	[sflag:s0] =	ssyncadd.remote.s32 $0x1  }
0xcd: {  	_ =	sfence.sel $0xFFFF  }
0xce: {  	[dreg:$0x0] =	wrdreg $0xFFFFFFFF;
	(pc) =	sbr.abs _section_cstart, $3  }
0xcf: {  	[dreg:$0x1] =	wrdreg $0xFFFFFFFF  }
0xd0: {  	_ =	task.clear_ibuf [dreg:s22], $0x2FFFF;
	_ =	strace $0x9FFFFFFF  }
0xd1: {  	(tm) =	ssettm $0x7FFFFFFF  }
tec
execute0_lowered:
.L_overlay_start_1:
0x0: {  	(tag) =	ssettag $0x1  }
0x1: {  	s0 =	rddreg [dreg:$0x0];
	s1 =	srdreg.scid  }
0x2: {  	s2 =	stileid.u32;
	s6 =	rddreg [dreg:$0x1]  }
0x3: {  	s10 =	simm.s32 $0x80;
	s29 =	simm.s32 $0xA80;
	s30 =	simm.s32 $0x1880  }
0x4: {  	s31 =	simm.s32 $0xB00;
	s9 =	simm.s32 $0x1980;
	s11 =	simm.s32 $0xC00  }
0x5: {  	s12 =	simm.s32 $0x1A00;
	s13 =	simm.s32 $0xC80;
	s14 =	simm.s32 $0x1A80  }
0x6: {  	s15 =	simm.s32 $0xD00;
	s16 =	simm.s32 $0x1B00;
	s17 =	simm.s32 $0xD80  }
0x7: {  	s18 =	simm.s32 $0x1B80;
	s19 =	simm.s32 $0x1;
	s20 =	simm.s32 $0x1C70  }
0x8: {  	s21 =	simm.s32 $0x0;
	s1 =	sand.u32 $0x1, s1;
	s3 =	sshll.u32 s2, $0x1  }
0x9: {  	s2 =	simm.s32 $0x0;
	s4 =	sadd.s32 $0x4D600, s0;
	s5 =	sor.u32 s1, s3  }
0xa: {  	[smem:$0x7FF] =	sst s2;
	s1 =	ssub.s32 $0x2, s1;
	s3 =	smul.u32 $0x1C0, s5  }
0xb: {  	_ =	strace $0x80000050;
	s8 =	sshrl.u32 s1, $0x1;
	s28 =	sshll.u32 s5, $0x6  }
0xc: {  	s26 =	ssub.s32 s1, s8;
	s6 =	sadd.s32 s6, s28;
	s8 =	simm.s32 $0x2  }
0xd: {  	s1 =	simm.s32 $0x1900;
	s7 =	sadd.s32 s3, s0;
	s3 =	sadd.s32 $0x63600, s0  }
0xe: {  	s0 =	simm.s32 $0xB80;
	s5 =	sadd.s32 $0x63800, s7;
	s7 =	smax.u32 s26, $0x1  }
.LBB2_1:
0xf: {  	[tilespmem:s2], [sflag:$0x2] =	stream.linear.gather [hbm4b:s5+s2], $0xE00, $0x38;
	[tilespmem:$0x1E70] =	vst v63  }
0x10: {  	_ =	swait.ge [sflag:s8], $0xE00  }
0x11: {  	[sflag:s8] =	ssyncset.done $0x0  }
0x12: {  	s22 =	simm.s32 $0x1C00;
	[sflag:s8] =	ssyncadd.s32 $0xFFFFF200  }
0x13: {  	[tilespmem:s22], [sflag:$0x2] =	stream.linear.gather [hbm4b:s3+s2], $0x70, $0x38;
	[tilespmem:$0x1E70] =	vst v63  }
0x14: {  	_ =	swait.ge [sflag:s8], $0x70  }
0x15: {  	[sflag:s8] =	ssyncset.done $0x0  }
0x16: {  	s22 =	simm.s32 $0x40;
	[sflag:s8] =	ssyncadd.s32 $0xFFFFFF90  }
0x17: {  	v6 =	vld [tilespmem:s22+$0xFFFFFFC0]  }
0x18: {  	s23 =	sand.u32 $0x1C0, s2;
	v7 =	vld [tilespmem:s22+$0x30]  }
0x19: {  	s23 =	sshrl.u32 s23, $0x2;
	v9 =	vld [tilespmem:s22+$0xFFFFFFD0]  }
0x1a: {  	v2 =	vld [tilespmem:s23+$0x1C00]  }
0x1b: {  	v0 =	vld [tilespmem:s22+$0xFFFFFFF0]  }
0x1c: {  	v1 =	vld [tilespmem:s22+$0x10]  }
0x1d: {  	v3 =	vld [tilespmem:s22+$0x20]  }
0x1e: {  	v5 =	vld [tilespmem:s22+$0xFFFFFFE0]  }
0x1f: {  	v4 =	vld [tilespmem:s22+$0x0];
	_ =	sdelay $0x1  }
0x20: {  	s24 =	simm.s32 $0x40;
	s23 =	simm.s32 $0x10;
	v8 =	vadd.s32 v2, v6;
	v6 =	vadd.s32 v2, v9;
	v7 =	vadd.s32 v2, v7  }
.LBB2_2:
0x21: {  	p0 =	sne.s32 s23, $0x1B0  }
0x22: {  	[tilespmem:s22+$0xFFFFFFC0] =	vst v8;
	v5 =	vadd.s32 v2, v5;
	v8 =	vadd.s32 v2, v0;
	v3 =	vadd.s32 v2, v3;
	s24 =	sadd.s32 $0x80, s24;
	s25 =	smov.u32 s23;
	s23 =	sadd.s32 $0x10, s23  }
0x23: {  	v1 =	vadd.s32 v2, v1;
	v4 =	vadd.s32 v2, v4;
	[tilespmem:s22+$0x30] =	vst v7  }
0x24: {  	v0 =	vld [tilespmem:s24+$0xFFFFFFF0];
	[tilespmem:s22+$0xFFFFFFD0] =	vst v6  }
0x25: {  	v6 =	vld [tilespmem:s24+$0xFFFFFFC0];
	[tilespmem:s22+$0x10] =	vst v1  }
0x26: {  	v1 =	vld [tilespmem:s24+$0x10];
	[tilespmem:s22+$0x20] =	vst v3  }
0x27: {  	v7 =	vld [tilespmem:s24+$0x30];
	[tilespmem:s22+$0xFFFFFFE0] =	vst v5  }
0x28: {  	s25 =	sand.u32 $0x1C0, s25;
	v9 =	vld [tilespmem:s24+$0xFFFFFFD0];
	[tilespmem:s22+$0xFFFFFFF0] =	vst v8  }
0x29: {  	s25 =	sshrl.u32 s25, $0x2;
	v3 =	vld [tilespmem:s24+$0x20];
	[tilespmem:s22+$0x0] =	vst v4;
	s22 =	smov.u32 s24  }
0x2a: {  	v2 =	vld [tilespmem:s25+$0x1C00]  }
.Ltmp0:
0x2b: {  	v5 =	vld [tilespmem:s24+$0xFFFFFFE0];
	(pc) =	sbr.rel @p0 .LBB2_2-.Ltmp0, $2  }
0x2c: {  	v4 =	vld [tilespmem:s24+$0x0];
	_ =	sdelay $0x2  }
0x2d: {  	v8 =	vadd.s32 v2, v6;
	v6 =	vadd.s32 v2, v9;
	v7 =	vadd.s32 v2, v7  }
0x2e: {  	[tilespmem:s22+$0xFFFFFFC0] =	vst v8  }
0x2f: {  	[tilespmem:s22+$0x30] =	vst v7  }
0x30: {  	v1 =	vadd.s32 v2, v1;
	[tilespmem:s22+$0xFFFFFFD0] =	vst v6  }
0x31: {  	v3 =	vadd.s32 v2, v3;
	[tilespmem:s22+$0x10] =	vst v1  }
0x32: {  	v0 =	vadd.s32 v2, v0;
	[tilespmem:s22+$0x20] =	vst v3  }
0x33: {  	v1 =	vadd.s32 v2, v5;
	[tilespmem:s22+$0xFFFFFFF0] =	vst v0  }
0x34: {  	[tilespmem:s22+$0xFFFFFFE0] =	vst v1;
	v1 =	vadd.s32 v2, v4  }
0x35: {  	s23 =	simm.s32 $0xE00;
	[tilespmem:s22+$0x0] =	vst v1;
	s22 =	simm.s32 $0x0  }
0x36: {  	[tilespmem:s23], [sflag:$0x1] =	stream.indirect.gather [hbm4b:s4+s10], $0x1, s22, s10, $0xb8;
	[tilespmem:$0x1E70] =	vst v63  }
0x37: {  	s25 =	simm.s32 $0xE80  }
0x38: {  	[tilespmem:s25], [sflag:$0x1] =	stream.indirect.gather [hbm4b:s4+s10], $0x1, s10, s10, $0xb8;
	[tilespmem:$0x1E70] =	vst v63  }
0x39: {  	s26 =	simm.s32 $0x100;
	s24 =	simm.s32 $0xF00  }
0x3a: {  	[tilespmem:s24], [sflag:$0x1] =	stream.indirect.gather [hbm4b:s4+s10], $0x1, s26, s10, $0xb8;
	[tilespmem:$0x1E70] =	vst v63  }
0x3b: {  	s25 =	simm.s32 $0x180;
	s26 =	simm.s32 $0xF80  }
0x3c: {  	[tilespmem:s26], [sflag:$0x1] =	stream.indirect.gather [hbm4b:s4+s10], $0x1, s25, s10, $0xb8;
	[tilespmem:$0x1E70] =	vst v63  }
0x3d: {  	s25 =	simm.s32 $0x200;
	s26 =	simm.s32 $0x1000  }
0x3e: {  	[tilespmem:s26], [sflag:$0x1] =	stream.indirect.gather [hbm4b:s4+s10], $0x1, s25, s10, $0xb8;
	[tilespmem:$0x1E70] =	vst v63  }
0x3f: {  	s25 =	simm.s32 $0x280;
	s26 =	simm.s32 $0x1080  }
0x40: {  	[tilespmem:s26], [sflag:$0x1] =	stream.indirect.gather [hbm4b:s4+s10], $0x1, s25, s10, $0xb8;
	[tilespmem:$0x1E70] =	vst v63  }
0x41: {  	s25 =	simm.s32 $0x300;
	s26 =	simm.s32 $0x1100  }
0x42: {  	[tilespmem:s26], [sflag:$0x1] =	stream.indirect.gather [hbm4b:s4+s10], $0x1, s25, s10, $0xb8;
	[tilespmem:$0x1E70] =	vst v63  }
0x43: {  	s25 =	simm.s32 $0x380;
	s26 =	simm.s32 $0x1180  }
0x44: {  	[tilespmem:s26], [sflag:$0x1] =	stream.indirect.gather [hbm4b:s4+s10], $0x1, s25, s10, $0xb8;
	[tilespmem:$0x1E70] =	vst v63  }
0x45: {  	s25 =	simm.s32 $0x400;
	s26 =	simm.s32 $0x1200  }
0x46: {  	[tilespmem:s26], [sflag:$0x1] =	stream.indirect.gather [hbm4b:s4+s10], $0x1, s25, s10, $0xb8;
	[tilespmem:$0x1E70] =	vst v63  }
0x47: {  	s25 =	simm.s32 $0x480;
	s26 =	simm.s32 $0x1280  }
0x48: {  	[tilespmem:s26], [sflag:$0x1] =	stream.indirect.gather [hbm4b:s4+s10], $0x1, s25, s10, $0xb8;
	[tilespmem:$0x1E70] =	vst v63  }
0x49: {  	s25 =	simm.s32 $0x500;
	s26 =	simm.s32 $0x1300  }
0x4a: {  	[tilespmem:s26], [sflag:$0x1] =	stream.indirect.gather [hbm4b:s4+s10], $0x1, s25, s10, $0xb8;
	[tilespmem:$0x1E70] =	vst v63  }
0x4b: {  	s25 =	simm.s32 $0x580;
	s26 =	simm.s32 $0x1380  }
0x4c: {  	[tilespmem:s26], [sflag:$0x1] =	stream.indirect.gather [hbm4b:s4+s10], $0x1, s25, s10, $0xb8;
	[tilespmem:$0x1E70] =	vst v63  }
0x4d: {  	s25 =	simm.s32 $0x600;
	s26 =	simm.s32 $0x1400  }
0x4e: {  	[tilespmem:s26], [sflag:$0x1] =	stream.indirect.gather [hbm4b:s4+s10], $0x1, s25, s10, $0xb8;
	[tilespmem:$0x1E70] =	vst v63  }
0x4f: {  	s25 =	simm.s32 $0x680;
	s26 =	simm.s32 $0x1480  }
0x50: {  	[tilespmem:s26], [sflag:$0x1] =	stream.indirect.gather [hbm4b:s4+s10], $0x1, s25, s10, $0xb8;
	[tilespmem:$0x1E70] =	vst v63  }
0x51: {  	s25 =	simm.s32 $0x700;
	s26 =	simm.s32 $0x1500  }
0x52: {  	[tilespmem:s26], [sflag:$0x1] =	stream.indirect.gather [hbm4b:s4+s10], $0x1, s25, s10, $0xb8;
	[tilespmem:$0x1E70] =	vst v63  }
0x53: {  	s25 =	simm.s32 $0x780;
	s26 =	simm.s32 $0x1580  }
0x54: {  	[tilespmem:s26], [sflag:$0x1] =	stream.indirect.gather [hbm4b:s4+s10], $0x1, s25, s10, $0xb8;
	[tilespmem:$0x1E70] =	vst v63  }
0x55: {  	s25 =	simm.s32 $0x800;
	s26 =	simm.s32 $0x1600  }
0x56: {  	[tilespmem:s26], [sflag:$0x1] =	stream.indirect.gather [hbm4b:s4+s10], $0x1, s25, s10, $0xb8;
	[tilespmem:$0x1E70] =	vst v63  }
0x57: {  	s25 =	simm.s32 $0x880;
	s26 =	simm.s32 $0x1680  }
0x58: {  	[tilespmem:s26], [sflag:$0x1] =	stream.indirect.gather [hbm4b:s4+s10], $0x1, s25, s10, $0xb8;
	[tilespmem:$0x1E70] =	vst v63  }
0x59: {  	s25 =	simm.s32 $0x900;
	s26 =	simm.s32 $0x1700  }
0x5a: {  	[tilespmem:s26], [sflag:$0x1] =	stream.indirect.gather [hbm4b:s4+s10], $0x1, s25, s10, $0xb8;
	[tilespmem:$0x1E70] =	vst v63  }
0x5b: {  	s25 =	simm.s32 $0x980;
	s26 =	simm.s32 $0x1780  }
0x5c: {  	[tilespmem:s26], [sflag:$0x1] =	stream.indirect.gather [hbm4b:s4+s10], $0x1, s25, s10, $0xb8;
	[tilespmem:$0x1E70] =	vst v63  }
0x5d: {  	s24 =	simm.s32 $0xA00;
	s25 =	simm.s32 $0x1800  }
0x5e: {  	[tilespmem:s25], [sflag:$0x1] =	stream.indirect.gather [hbm4b:s4+s10], $0x1, s24, s10, $0xb8;
	[tilespmem:$0x1E70] =	vst v63  }
0x5f: {  	_ = 	snop  }
0x60: {  	[tilespmem:s30], [sflag:$0x1] =	stream.indirect.gather [hbm4b:s4+s10], $0x1, s29, s10, $0xb8;
	[tilespmem:$0x1E70] =	vst v63  }
0x61: {  	_ = 	snop  }
0x62: {  	[tilespmem:s1], [sflag:$0x1] =	stream.indirect.gather [hbm4b:s4+s10], $0x1, s31, s10, $0xb8;
	[tilespmem:$0x1E70] =	vst v63  }
0x63: {  	_ = 	snop  }
0x64: {  	[tilespmem:s9], [sflag:$0x1] =	stream.indirect.gather [hbm4b:s4+s10], $0x1, s0, s10, $0xb8;
	[tilespmem:$0x1E70] =	vst v63  }
0x65: {  	_ = 	snop  }
0x66: {  	[tilespmem:s12], [sflag:$0x1] =	stream.indirect.gather [hbm4b:s4+s10], $0x1, s11, s10, $0xb8;
	[tilespmem:$0x1E70] =	vst v63  }
0x67: {  	_ = 	snop  }
0x68: {  	[tilespmem:s14], [sflag:$0x1] =	stream.indirect.gather [hbm4b:s4+s10], $0x1, s13, s10, $0xb8;
	[tilespmem:$0x1E70] =	vst v63  }
0x69: {  	_ = 	snop  }
0x6a: {  	[tilespmem:s16], [sflag:$0x1] =	stream.indirect.gather [hbm4b:s4+s10], $0x1, s15, s10, $0xb8;
	[tilespmem:$0x1E70] =	vst v63  }
0x6b: {  	_ = 	snop  }
0x6c: {  	[tilespmem:s18], [sflag:$0x1] =	stream.indirect.gather [hbm4b:s4+s10], $0x1, s17, s10, $0xb8;
	[tilespmem:$0x1E70] =	vst v63  }
0x6d: {  	s26 =	simm.s32 $0x0;
	_ =	swait.ge [sflag:s19], $0xE00  }
0x6e: {  	s22 =	sand.u32 $0x70, s22;
	s23 =	sand.u32 $0x180, s26;
	[sflag:s19] =	ssyncset.done $0x0  }
0x6f: {  	s22 =	sor.u32 s22, s23;
	[sflag:s19] =	ssyncadd.s32 $0xFFFFF200  }
0x70: {  	v0 =	vld [tilespmem:s22+$0x1000]  }
0x71: {  	v1 =	vld [tilespmem:s22+$0xE00];
	_ =	sdelay $0x1  }
0x72: {  	v2 =	vld [tilespmem:s22+$0x1200];
	_ =	sdelay $0x1  }
0x73: {  	v3 =	vld [tilespmem:s22+$0x1400]  }
0x74: {  	v0 =	vadd.f32 v0, v1  }
0x75: {  	v1 =	vld [tilespmem:s22+$0x1600]  }
0x76: {  	v0 =	vadd.f32 v2, v0  }
0x77: {  	v2 =	vld [tilespmem:s22+$0x1800]  }
0x78: {  	v0 =	vadd.f32 v3, v0  }
0x79: {  	v3 =	vld [tilespmem:s22+$0x1A00]  }
0x7a: {  	v0 =	vadd.f32 v1, v0;
	_ =	sdelay $0x1  }
0x7b: {  	v0 =	vadd.f32 v2, v0  }
0x7c: {  	s23 =	simm.s32 $0x10  }
0x7d: {  	s24 =	simm.s32 $0x10;
	s25 =	simm.s32 $0x0;
	s26 =	sand.u32 $0x70, s23;
	v0 =	vadd.f32 v3, v0  }
0x7e: {  	s28 =	sand.u32 $0x180, s24;
	s24 =	simm.s32 $0x80;
	s22 =	simm.s32 $0x40  }
.LBB2_4:
0x7f: {  	p0 =	sne.s32 s24, $0x7C0;
	s26 =	sor.u32 s26, s28;
	[tilespmem:s25+$0x1C70] =	vst v0;
	s25 =	smov.u32 s22  }
0x80: {  	s22 =	smov.u32 s24;
	v0 =	vld [tilespmem:s26+$0x1000]  }
0x81: {  	v1 =	vld [tilespmem:s26+$0xE00];
	_ =	sdelay $0x1  }
0x82: {  	v2 =	vld [tilespmem:s26+$0x1200];
	_ =	sdelay $0x1  }
0x83: {  	v3 =	vld [tilespmem:s26+$0x1400]  }
0x84: {  	v0 =	vadd.f32 v0, v1  }
0x85: {  	v1 =	vld [tilespmem:s26+$0x1600]  }
0x86: {  	v0 =	vadd.f32 v2, v0  }
0x87: {  	v2 =	vld [tilespmem:s26+$0x1800]  }
0x88: {  	v0 =	vadd.f32 v3, v0  }
0x89: {  	v3 =	vld [tilespmem:s26+$0x1A00]  }
0x8a: {  	v0 =	vadd.f32 v1, v0  }
.Ltmp1:
0x8b: {  	(pc) =	sbr.rel @p0 .LBB2_4-.Ltmp1, $3  }
0x8c: {  	v0 =	vadd.f32 v2, v0;
	_ =	sdelay $0x1  }
0x8d: {  	s28 =	sshrl.u32 s24, $0x2;
	s23 =	sadd.s32 $0x10, s23;
	s25 =	sshra.s32 s25, $0x2;
	v0 =	vadd.f32 v3, v0  }
0x8e: {  	s24 =	sadd.s32 $0x40, s24;
	s28 =	sand.u32 $0x180, s28;
	s26 =	sand.u32 $0x70, s23  }
0x8f: {  	s23 =	sor.u32 s26, s28;
	[tilespmem:s25+$0x1C70] =	vst v0  }
0x90: {  	v0 =	vld [tilespmem:s23+$0x1000]  }
0x91: {  	v1 =	vld [tilespmem:s23+$0xE00];
	_ =	sdelay $0x1  }
0x92: {  	v2 =	vld [tilespmem:s23+$0x1200];
	_ =	sdelay $0x1  }
0x93: {  	v3 =	vld [tilespmem:s23+$0x1400]  }
0x94: {  	v0 =	vadd.f32 v0, v1  }
0x95: {  	v61 =	vld [tilespmem:s23+$0x1600]  }
0x96: {  	v0 =	vadd.f32 v2, v0  }
0x97: {  	v62 =	vld [tilespmem:s23+$0x1800]  }
0x98: {  	v0 =	vadd.f32 v3, v0  }
0x99: {  	v63 =	vld [tilespmem:s23+$0x1A00]  }
0x9a: {  	v0 =	vadd.f32 v61, v0;
	_ =	sdelay $0x1  }
0x9b: {  	v0 =	vadd.f32 v62, v0;
	_ =	sdelay $0x1  }
0x9c: {  	s21 =	sadd.s32 $0x1, s21;
	v0 =	vadd.f32 v63, v0  }
0x9d: {  	s22 =	sshra.s32 s22, $0x2;
	p0 =	sne.s32 s21, s7  }
.Ltmp2:
0x9e: {  	[tilespmem:s22+$0x1C70] =	vst v0;
	(pc) =	sbr.rel @p0 .LBB2_1-.Ltmp2, $4  }
0x9f: {  	[hbm4b:s6+s2] =	stream.linear.scatter [tilespmem:s20], [sflag:$0x2], $0x200, $0x38;
	[tilespmem:$0x1E70] =	vst v63  }
0xa0: {  	_ =	swait.ge [sflag:s8], $0x200  }
0xa1: {  	[sflag:s8] =	ssyncset.done $0x0  }
0xa2: {  	[sflag:s8] =	ssyncadd.s32 $0xFFFFFE00  }
0xa3: {  	_ =	sfence.sel $0x180000  }
0xa4: {  	[bflag:$0x0] =	sbarrier.arrive $0xFFFF  }
0xa5: {  	_ =	strace $0x90000050  }
0xa6: {  	s0 =	stileid.u32;
	[bflag:$0x2] =	sbarrier.arrive $0xFFFF  }
0xa7: {  	p0 =	sne.s32 s0, $0x0;
	s0 =	rddreg [dreg:$0x2]  }
0xa8: {  	s0 =	sadd.s32 @!p0 $0x100000, s0  }
0xa9: {  	[sflag:s0] =	ssyncadd.tile.s32 @!p0 $0x1;
	_ =	shalt  }
.Lfunc_end2:
_tile_overlayer_lowered:
.L_overlay_start_2:
0xaa: {  	(tag) =	ssettag $0x2  }
0xab: {  	s0 =	rddreg [dreg:$0x0];
	s2 =	stileid.u32  }
0xac: {  	s1 =	rddreg [dreg:$0x1];
	p0 =	sne.s32 s2, $0x0  }
0xad: {  	s3 =	rddreg [dreg:$0x2];
	[bflag:$0x3] =	sbarrier.arrive $0xFFFF;
	s2 =	simm.s32 @!p0 $0x1C02  }
0xae: {  	[timem:s3], [sflag:s2] =	dma.local @!p0 [hbm:s0], s1  }
0xaf: {  	s0 =	simm.s32 @!p0 $0x2  }
0xb0: {  	_ =	swait.ge @!p0 [sflag:s0], s1  }
0xb1: {  	s1 =	ssub.s32 @!p0 $0x0, s1;
	[sflag:s0] =	ssyncset.done @!p0 $0x0  }
0xb2: {  	[sflag:s0] =	ssyncadd.s32 @!p0 s1  }
0xb3: {  	[bflag:$0x3] =	sbarrier.arrive $0xFFFF  }
0xb4: {  	_ =	shalt  }

</sc_bundles>
